<compile_context>
chip_gen: v7x
topology: tpu7x:2x2x1
jax: 0.10.2.dev20260603
libtpu: 0.0.44.dev20260713+nightly
codegen_flags: <defaults>
</compile_context>

<pallas_src>
import functools

import jax
import jax.numpy as jnp
from jax import lax
from jax.experimental import pallas as pl
from jax.experimental.pallas import tpu as pltpu
from jax.experimental.pallas import tpu_sc as plsc

NC = 2
NS = 16
NW = NC * NS
L = 16

_SC_PARAMS = pltpu.CompilerParams(needs_layout_passes=False)


def _build_table_kernel(gpad: int, wpad: int, pad_id: int):
    g_per_w = gpad // NW
    nvec = g_per_w // L
    mesh = plsc.VectorSubcoreMesh(core_axis_name="c", subcore_axis_name="s")

    @functools.partial(
        pl.kernel,
        out_type=jax.ShapeDtypeStruct((gpad,), jnp.float32),
        mesh=mesh,
        scratch_types=[
            pltpu.VMEM((g_per_w,), jnp.int32),
            pltpu.VMEM((wpad,), jnp.float32),
            pltpu.VMEM((g_per_w,), jnp.float32),
        ],
        compiler_params=_SC_PARAMS,
    )
    def build(g2l_hbm, w_hbm, f_hbm, g2l_v, w_v, f_v):
        wid = lax.axis_index("s") * NC + lax.axis_index("c")
        base = wid * g_per_w
        pltpu.sync_copy(g2l_hbm.at[pl.ds(base, g_per_w)], g2l_v)
        pltpu.sync_copy(w_hbm, w_v)

        @pl.loop(0, nvec)
        def _vec(v):
            local = g2l_v[pl.ds(v * L, L)]
            w = plsc.load_gather(w_v, [local])
            f = jnp.where(local == pad_id, 1.0, 1.0 / (1.0 + jnp.exp(w)))
            f_v[pl.ds(v * L, L)] = f

        pltpu.sync_copy(f_v, f_hbm.at[pl.ds(base, g_per_w)])

    return build


def _aggregate_kernel(batch: int, rules_per_ex: int, gpad: int):
    ex_per_w = batch // NW
    chunk_ex = 64
    groups = chunk_ex // L
    n_chunks = ex_per_w // chunk_ex
    chunk_elems = chunk_ex * rules_per_ex
    mesh = plsc.VectorSubcoreMesh(core_axis_name="c", subcore_axis_name="s")

    @functools.partial(
        pl.kernel,
        out_type=jax.ShapeDtypeStruct((batch,), jnp.float32),
        mesh=mesh,
        scratch_types=[
            pltpu.VMEM((gpad,), jnp.float32),
            pltpu.VMEM((chunk_elems,), jnp.int32),
            pltpu.VMEM((chunk_elems,), jnp.int32),
            pltpu.VMEM((ex_per_w,), jnp.float32),
            pltpu.SemaphoreType.DMA,
            pltpu.SemaphoreType.DMA,
            pltpu.SemaphoreType.DMA,
        ],
        compiler_params=_SC_PARAMS,
    )
    def agg(rules_hbm, f_hbm, out_hbm, f_v, rul_a, rul_b, out_v,
            f_sem, sem_a, sem_b):
        wid = lax.axis_index("s") * NC + lax.axis_index("c")
        ex_base = wid * ex_per_w
        bufs = (rul_a, rul_b)
        sems = (sem_a, sem_b)

        def start(c, buf, sem):
            return pltpu.async_copy(
                rules_hbm.at[
                    pl.ds((ex_base + c * chunk_ex) * rules_per_ex, chunk_elems)
                ],
                buf, sem,
            )

        f_cp = pltpu.async_copy(f_hbm, f_v, f_sem)
        pending = start(0, bufs[0], sems[0])
        f_cp.wait()

        colbases = [
            lax.iota(jnp.int32, L) * rules_per_ex + g * L * rules_per_ex
            for g in range(groups)
        ]

        for c in range(n_chunks):
            nxt = None
            if c + 1 < n_chunks:
                nxt = start(c + 1, bufs[(c + 1) % 2], sems[(c + 1) % 2])
            pending.wait()
            rules_v = bufs[c % 2]

            def step(r, accs):
                new = []
                for g in range(groups):
                    idx = plsc.load_gather(rules_v, [colbases[g] + r])
                    f = plsc.load_gather(f_v, [idx])
                    new.append(accs[g] * f)
                return tuple(new)

            accs = lax.fori_loop(
                0, rules_per_ex, step,
                tuple(jnp.ones((L,), jnp.float32) for _ in range(groups)),
                unroll=4,
            )
            for g in range(groups):
                out_v[pl.ds(c * chunk_ex + g * L, L)] = jnp.clip(
                    1.0 - accs[g], 1e-4, 0.99999
                )
            pending = nxt

        pltpu.sync_copy(out_v, out_hbm.at[pl.ds(ex_base, ex_per_w)])

    return agg


def kernel(rules, g2l, W):
    batch, rules_per_ex = rules.shape
    g = g2l.shape[0]
    pad_id = W.shape[0] - 1

    g_per_w = -(-g // (NW * L)) * L
    gpad = g_per_w * NW
    g2l_pad = jnp.concatenate(
        [g2l, jnp.full((gpad - g,), pad_id, jnp.int32)]
    )
    wpad = -(-W.shape[0] // 8) * 8
    w_flat = jnp.concatenate(
        [W.reshape(-1), jnp.zeros((wpad - W.shape[0],), jnp.float32)]
    )

    f_table = _build_table_kernel(gpad, wpad, pad_id)(g2l_pad, w_flat)
    out = _aggregate_kernel(batch, rules_per_ex, gpad)(
        rules.reshape(-1), f_table
    )
    return out.reshape(batch, 1)

# --- scband reference (transcript-rebuilt; emitter-appended) ---
"""Pipeline reference for scband-noisy-or-aggregator-26414048871069 (READ-ONLY COPY).

The authoritative reference and input builder live on the scoring server;
editing this copy changes nothing except your own understanding.
"""

import jax, jax.numpy as jnp
import numpy as np

LEN_RULES = 100000
NUM_REL = 5000
PAD = NUM_REL
BATCH = 16384
RULES_PER_EX = 200


def setup_inputs(seed: int = 0) -> dict:
    key = jax.random.key(seed)
    k_idx, k_w = jax.random.split(key)
    # forward arg: global rule ids, values in [0, LEN_RULES)
    rules = jax.random.randint(k_idx, (BATCH, RULES_PER_EX), 0, LEN_RULES, dtype=jnp.int32)
    # module state: sorted relation_rule_ids -> global_to_local remap buffer
    rng = np.random.default_rng(0)
    rule_ids = np.sort(rng.choice(LEN_RULES, size=NUM_REL, replace=False))
    g2l = np.full((LEN_RULES + 1,), PAD, dtype=np.int32)
    g2l[rule_ids] = np.arange(NUM_REL, dtype=np.int32)
    # nn.Embedding(num_relation_rules + 1, 1) logit weights; padding row = 0.
    # (original init fills all rows with logit(clamp(0,1e-6)) which is a constant;
    #  we use random logits so the reference output/gradients are non-degenerate)
    W = (jax.random.normal(k_w, (NUM_REL + 1, 1), dtype=jnp.float32) * 1.0)
    W = W.at[PAD].set(0.0)
    return {"rules": rules, "g2l": jnp.asarray(g2l), "W": W}


def reference(rules, g2l, W):
    local = jnp.take(g2l, rules, axis=0)              # [B, R] gather through remap table
    mask = local == PAD                               # padded / non-matching rules
    emb = jnp.take(W, local, axis=0)                  # [B, R, 1] embedding lookup
    emb = jnp.where(mask[..., None], -jnp.inf, emb)   # masked_fill_(-inf)
    s = jax.nn.sigmoid(emb)                           # sigmoid(-inf) = 0 -> no-op in product
    no = 1.0 - jnp.prod(1.0 - s, axis=1)              # noisy-or over rules dim
    no = jnp.clip(no, 1e-4, 0.99999)
    return no

if __name__ == "__main__":
    import jax
    _d = setup_inputs()
    print(jax.jit(kernel)(*tuple(_d.values())))

</pallas_src>

<mosaic_0001>
#map = affine_map<(d0, d1) -> (0)>
module attributes {stable_mosaic.version = 14 : i64} {
  func.func @build(%arg0: i32, %arg1: i32, %arg2: memref<100352xi32, #tpu.memory_space<hbm>>, %arg3: memref<5008xf32, #tpu.memory_space<hbm>>, %arg4: memref<100352xf32, #tpu.memory_space<hbm>>, %arg5: memref<3136xi32, #tpu.memory_space<vmem>>, %arg6: memref<5008xf32, #tpu.memory_space<vmem>>, %arg7: memref<3136xf32, #tpu.memory_space<vmem>>) attributes {dimension_semantics = [#tpu.dimension_semantics<core_parallel>, #tpu.dimension_semantics<subcore_parallel>], iteration_bounds = array<i64: 2, 16>, scalar_prefetch = 0 : i64, scratch_operands = 3 : i64, tpu.core_type = #tpu.core_type<sc_vector_subcore>, window_params = [{transform_indices = #map}, {transform_indices = #map}, {transform_indices = #map}]} {
    %mul3A = arith.constant 2 : i32
    %mul3A_0 = arith.muli %arg1, %mul3A : i32
    %add3A = arith.addi %mul3A_0, %arg0 : i32
    %mul3A_1 = arith.constant 3136 : i32
    %mul3A_2 = arith.muli %add3A, %mul3A_1 : i32
    "tpu.region"() ({
      %run_scoped3A = tpu.sem_alloc : memref<!tpu.dma_semaphore, #tpu.memory_space<semaphore_mem>>
      %dma_start3A = tpu.memref_slice %arg2[%mul3A_2] : memref<100352xi32, #tpu.memory_space<hbm>> -> memref<3136xi32, #tpu.memory_space<hbm>>
      %dma_start3A_7 = tpu.memref_slice %arg2[%mul3A_2] : memref<100352xi32, #tpu.memory_space<hbm>> -> memref<3136xi32, #tpu.memory_space<hbm>>
      tpu.enqueue_dma source(%dma_start3A_7 : memref<3136xi32, #tpu.memory_space<hbm>>) target(%arg5 : memref<3136xi32, #tpu.memory_space<vmem>>) target_semaphore(%run_scoped3A : memref<!tpu.dma_semaphore, #tpu.memory_space<semaphore_mem>>)
      %dma_wait3A = tpu.memref_slice %arg2[%mul3A_2] : memref<100352xi32, #tpu.memory_space<hbm>> -> memref<3136xi32, #tpu.memory_space<hbm>>
      %dma_wait3A_8 = tpu.memref_slice %arg2[%mul3A_2] : memref<100352xi32, #tpu.memory_space<hbm>> -> memref<3136xi32, #tpu.memory_space<hbm>>
      tpu.wait_dma2 semaphore(%run_scoped3A : memref<!tpu.dma_semaphore, #tpu.memory_space<semaphore_mem>>) src(%dma_wait3A_8 : memref<3136xi32, #tpu.memory_space<hbm>>) dst(%arg5 : memref<3136xi32, #tpu.memory_space<vmem>>)
      tpu.yield
    }) : () -> ()
    "tpu.region"() ({
      %run_scoped3A = tpu.sem_alloc : memref<!tpu.dma_semaphore, #tpu.memory_space<semaphore_mem>>
      tpu.enqueue_dma source(%arg3 : memref<5008xf32, #tpu.memory_space<hbm>>) target(%arg6 : memref<5008xf32, #tpu.memory_space<vmem>>) target_semaphore(%run_scoped3A : memref<!tpu.dma_semaphore, #tpu.memory_space<semaphore_mem>>)
      tpu.wait_dma2 semaphore(%run_scoped3A : memref<!tpu.dma_semaphore, #tpu.memory_space<semaphore_mem>>) src(%arg3 : memref<5008xf32, #tpu.memory_space<hbm>>) dst(%arg6 : memref<5008xf32, #tpu.memory_space<vmem>>)
      tpu.yield
    }) : () -> ()
    %scan3A = arith.constant 0 : i32
    %scan3A_3 = arith.constant 196 : i32
    %scan3A_4 = arith.addi %scan3A, %scan3A_3 : i32
    %scan3A_5 = arith.constant 1 : i32
    scf.for %scan3A_7 = %scan3A to %scan3A_4 step %scan3A_5  : i32 {
      %mul3A_8 = arith.constant 1 : i32
      %mul3A_9 = arith.muli %scan3A_7, %mul3A_8 : i32
      %add3A_10 = arith.constant 0 : i32
      %add3A_11 = arith.addi %add3A_10, %mul3A_9 : i32
      %mul3A_12 = arith.constant 16 : i32
      %mul3A_13 = arith.muli %add3A_11, %mul3A_12 : i32
      %get3A = arith.index_cast %mul3A_13 : i32 to index
      %get3A_14 = tpu.vector_load %arg5[%get3A] {strides = array<i32>} : memref<3136xi32, #tpu.memory_space<vmem>>, vector<16xi32>,
      %gather3A = tpu.vector_load_idx %arg6[%get3A_14] : memref<5008xf32, #tpu.memory_space<vmem>>[vector<16xi32>], vector<16xf32>,
      %eq3A = arith.constant 5000 : i32
      %eq3A_15 = vector.broadcast %eq3A : i32 to vector<16xi32>
      %eq3A_16 = arith.cmpi eq, %get3A_14, %eq3A_15 : vector<16xi32>
      %exp3A = math.exp %gather3A : vector<16xf32>
      %add3A_17 = arith.constant 1.000000e+00 : f32
      %add3A_18 = vector.broadcast %add3A_17 : f32 to vector<16xf32>
      %add3A_19 = arith.addf %add3A_18, %exp3A : vector<16xf32>
      %div3A = arith.constant 1.000000e+00 : f32
      %div3A_20 = vector.broadcast %div3A : f32 to vector<16xf32>
      %div3A_21 = arith.divf %div3A_20, %add3A_19 : vector<16xf32>
      %jit3A = arith.constant 1.000000e+00 : f32
      %broadcast_in_dim3A = vector.broadcast %jit3A : f32 to vector<16xf32>
      %select_n3A = arith.select %eq3A_16, %broadcast_in_dim3A, %div3A_21 : vector<16xi1>, vector<16xf32>
      %mul3A_22 = arith.constant 16 : i32
      %mul3A_23 = arith.muli %add3A_11, %mul3A_22 : i32
      %swap3A = arith.index_cast %mul3A_23 : i32 to index
      %swap3A_24 = tpu.vector_load %arg7[%swap3A] {strides = array<i32>} : memref<3136xf32, #tpu.memory_space<vmem>>, vector<16xf32>,
      tpu.vector_store %arg7[%swap3A], %select_n3A {strides = array<i32>} : memref<3136xf32, #tpu.memory_space<vmem>>, vector<16xf32>,
    }
    %scan3A_6 = arith.constant 196 : i32
    "tpu.region"() ({
      %run_scoped3A = tpu.sem_alloc : memref<!tpu.dma_semaphore, #tpu.memory_space<semaphore_mem>>
      %dma_start3A = tpu.memref_slice %arg4[%mul3A_2] : memref<100352xf32, #tpu.memory_space<hbm>> -> memref<3136xf32, #tpu.memory_space<hbm>>
      %dma_start3A_7 = tpu.memref_slice %arg4[%mul3A_2] : memref<100352xf32, #tpu.memory_space<hbm>> -> memref<3136xf32, #tpu.memory_space<hbm>>
      tpu.enqueue_dma source(%arg7 : memref<3136xf32, #tpu.memory_space<vmem>>) target(%dma_start3A_7 : memref<3136xf32, #tpu.memory_space<hbm>>) target_semaphore(%run_scoped3A : memref<!tpu.dma_semaphore, #tpu.memory_space<semaphore_mem>>)
      %dma_wait3A = tpu.memref_slice %arg4[%mul3A_2] : memref<100352xf32, #tpu.memory_space<hbm>> -> memref<3136xf32, #tpu.memory_space<hbm>>
      %dma_wait3A_8 = tpu.memref_slice %arg4[%mul3A_2] : memref<100352xf32, #tpu.memory_space<hbm>> -> memref<3136xf32, #tpu.memory_space<hbm>>
      tpu.wait_dma2 semaphore(%run_scoped3A : memref<!tpu.dma_semaphore, #tpu.memory_space<semaphore_mem>>) src(%arg7 : memref<3136xf32, #tpu.memory_space<vmem>>) dst(%dma_wait3A_8 : memref<3136xf32, #tpu.memory_space<hbm>>)
      tpu.yield
    }) : () -> ()
    return
  }
}

#map = affine_map<(d0, d1) -> (0)>
module attributes {stable_mosaic.version = 14 : i64} {
  func.func @agg(%arg0: i32, %arg1: i32, %arg2: memref<3276800xi32, #tpu.memory_space<hbm>>, %arg3: memref<100352xf32, #tpu.memory_space<hbm>>, %arg4: memref<16384xf32, #tpu.memory_space<hbm>>, %arg5: memref<100352xf32, #tpu.memory_space<vmem>>, %arg6: memref<12800xi32, #tpu.memory_space<vmem>>, %arg7: memref<12800xi32, #tpu.memory_space<vmem>>, %arg8: memref<512xf32, #tpu.memory_space<vmem>>, %arg9: memref<!tpu.dma_semaphore, #tpu.memory_space<semaphore_mem>>, %arg10: memref<!tpu.dma_semaphore, #tpu.memory_space<semaphore_mem>>, %arg11: memref<!tpu.dma_semaphore, #tpu.memory_space<semaphore_mem>>) attributes {dimension_semantics = [#tpu.dimension_semantics<core_parallel>, #tpu.dimension_semantics<subcore_parallel>], iteration_bounds = array<i64: 2, 16>, scalar_prefetch = 0 : i64, scratch_operands = 7 : i64, tpu.core_type = #tpu.core_type<sc_vector_subcore>, window_params = [{transform_indices = #map}, {transform_indices = #map}, {transform_indices = #map}]} {
    %mul3A = arith.constant 2 : i32
    %mul3A_0 = arith.muli %arg1, %mul3A : i32
    %add3A = arith.addi %mul3A_0, %arg0 : i32
    %mul3A_1 = arith.constant 512 : i32
    %mul3A_2 = arith.muli %add3A, %mul3A_1 : i32
    tpu.enqueue_dma source(%arg3 : memref<100352xf32, #tpu.memory_space<hbm>>) target(%arg5 : memref<100352xf32, #tpu.memory_space<vmem>>) target_semaphore(%arg9 : memref<!tpu.dma_semaphore, #tpu.memory_space<semaphore_mem>>)
    %add3A_3 = arith.constant 0 : i32
    %add3A_4 = arith.addi %mul3A_2, %add3A_3 : i32
    %mul3A_5 = arith.constant 200 : i32
    %mul3A_6 = arith.muli %add3A_4, %mul3A_5 : i32
    %dma_start3A = tpu.memref_slice %arg2[%mul3A_6] : memref<3276800xi32, #tpu.memory_space<hbm>> -> memref<12800xi32, #tpu.memory_space<hbm>>
    %dma_start3A_7 = tpu.memref_slice %arg2[%mul3A_6] : memref<3276800xi32, #tpu.memory_space<hbm>> -> memref<12800xi32, #tpu.memory_space<hbm>>
    tpu.enqueue_dma source(%dma_start3A_7 : memref<12800xi32, #tpu.memory_space<hbm>>) target(%arg6 : memref<12800xi32, #tpu.memory_space<vmem>>) target_semaphore(%arg10 : memref<!tpu.dma_semaphore, #tpu.memory_space<semaphore_mem>>)
    tpu.wait_dma2 semaphore(%arg9 : memref<!tpu.dma_semaphore, #tpu.memory_space<semaphore_mem>>) src(%arg3 : memref<100352xf32, #tpu.memory_space<hbm>>) dst(%arg5 : memref<100352xf32, #tpu.memory_space<vmem>>)
    %iota3A = tpu.iota {dimensions = array<i32: 0>} : vector<16xi32>
    %mul3A_8 = arith.constant 200 : i32
    %mul3A_9 = vector.broadcast %mul3A_8 : i32 to vector<16xi32>
    %mul3A_10 = arith.muli %iota3A, %mul3A_9 : vector<16xi32>
    %add3A_11 = arith.constant 0 : i32
    %add3A_12 = vector.broadcast %add3A_11 : i32 to vector<16xi32>
    %add3A_13 = arith.addi %mul3A_10, %add3A_12 : vector<16xi32>
    %iota3A_14 = tpu.iota {dimensions = array<i32: 0>} : vector<16xi32>
    %mul3A_15 = arith.constant 200 : i32
    %mul3A_16 = vector.broadcast %mul3A_15 : i32 to vector<16xi32>
    %mul3A_17 = arith.muli %iota3A_14, %mul3A_16 : vector<16xi32>
    %add3A_18 = arith.constant 3200 : i32
    %add3A_19 = vector.broadcast %add3A_18 : i32 to vector<16xi32>
    %add3A_20 = arith.addi %mul3A_17, %add3A_19 : vector<16xi32>
    %iota3A_21 = tpu.iota {dimensions = array<i32: 0>} : vector<16xi32>
    %mul3A_22 = arith.constant 200 : i32
    %mul3A_23 = vector.broadcast %mul3A_22 : i32 to vector<16xi32>
    %mul3A_24 = arith.muli %iota3A_21, %mul3A_23 : vector<16xi32>
    %add3A_25 = arith.constant 6400 : i32
    %add3A_26 = vector.broadcast %add3A_25 : i32 to vector<16xi32>
    %add3A_27 = arith.addi %mul3A_24, %add3A_26 : vector<16xi32>
    %iota3A_28 = tpu.iota {dimensions = array<i32: 0>} : vector<16xi32>
    %mul3A_29 = arith.constant 200 : i32
    %mul3A_30 = vector.broadcast %mul3A_29 : i32 to vector<16xi32>
    %mul3A_31 = arith.muli %iota3A_28, %mul3A_30 : vector<16xi32>
    %add3A_32 = arith.constant 9600 : i32
    %add3A_33 = vector.broadcast %add3A_32 : i32 to vector<16xi32>
    %add3A_34 = arith.addi %mul3A_31, %add3A_33 : vector<16xi32>
    %add3A_35 = arith.constant 64 : i32
    %add3A_36 = arith.addi %mul3A_2, %add3A_35 : i32
    %mul3A_37 = arith.constant 200 : i32
    %mul3A_38 = arith.muli %add3A_36, %mul3A_37 : i32
    %dma_start3A_39 = tpu.memref_slice %arg2[%mul3A_38] : memref<3276800xi32, #tpu.memory_space<hbm>> -> memref<12800xi32, #tpu.memory_space<hbm>>
    %dma_start3A_40 = tpu.memref_slice %arg2[%mul3A_38] : memref<3276800xi32, #tpu.memory_space<hbm>> -> memref<12800xi32, #tpu.memory_space<hbm>>
    tpu.enqueue_dma source(%dma_start3A_40 : memref<12800xi32, #tpu.memory_space<hbm>>) target(%arg7 : memref<12800xi32, #tpu.memory_space<vmem>>) target_semaphore(%arg11 : memref<!tpu.dma_semaphore, #tpu.memory_space<semaphore_mem>>)
    %dma_wait3A = tpu.memref_slice %arg2[%mul3A_6] : memref<3276800xi32, #tpu.memory_space<hbm>> -> memref<12800xi32, #tpu.memory_space<hbm>>
    %dma_wait3A_41 = tpu.memref_slice %arg2[%mul3A_6] : memref<3276800xi32, #tpu.memory_space<hbm>> -> memref<12800xi32, #tpu.memory_space<hbm>>
    tpu.wait_dma2 semaphore(%arg10 : memref<!tpu.dma_semaphore, #tpu.memory_space<semaphore_mem>>) src(%dma_wait3A_41 : memref<12800xi32, #tpu.memory_space<hbm>>) dst(%arg6 : memref<12800xi32, #tpu.memory_space<vmem>>)
    %broadcast_in_dim3A = arith.constant 1.000000e+00 : f32
    %broadcast_in_dim3A_42 = vector.broadcast %broadcast_in_dim3A : f32 to vector<16xf32>
    %broadcast_in_dim3A_43 = arith.constant 1.000000e+00 : f32
    %broadcast_in_dim3A_44 = vector.broadcast %broadcast_in_dim3A_43 : f32 to vector<16xf32>
    %broadcast_in_dim3A_45 = arith.constant 1.000000e+00 : f32
    %broadcast_in_dim3A_46 = vector.broadcast %broadcast_in_dim3A_45 : f32 to vector<16xf32>
    %broadcast_in_dim3A_47 = arith.constant 1.000000e+00 : f32
    %broadcast_in_dim3A_48 = vector.broadcast %broadcast_in_dim3A_47 : f32 to vector<16xf32>
    %scan3A = arith.constant 0 : i32
    %scan3A_49 = arith.constant 200 : i32
    %scan3A_50 = arith.addi %scan3A, %scan3A_49 : i32
    %scan3A_51 = arith.constant 4 : i32
    %scan3A_52:4 = scf.for %scan3A_549 = %scan3A to %scan3A_50 step %scan3A_51 iter_args(%scan3A_550 = %broadcast_in_dim3A_42, %scan3A_551 = %broadcast_in_dim3A_44, %scan3A_552 = %broadcast_in_dim3A_46, %scan3A_553 = %broadcast_in_dim3A_48) -> (vector<16xf32>, vector<16xf32>, vector<16xf32>, vector<16xf32>)  : i32 {
      %add3A_554 = vector.broadcast %scan3A_549 : i32 to vector<16xi32>
      %add3A_555 = arith.addi %add3A_13, %add3A_554 : vector<16xi32>
      %gather3A = tpu.vector_load_idx %arg6[%add3A_555] : memref<12800xi32, #tpu.memory_space<vmem>>[vector<16xi32>], vector<16xi32>,
      %gather3A_556 = tpu.vector_load_idx %arg5[%gather3A] : memref<100352xf32, #tpu.memory_space<vmem>>[vector<16xi32>], vector<16xf32>,
      %mul3A_557 = arith.mulf %scan3A_550, %gather3A_556 : vector<16xf32>
      %add3A_558 = vector.broadcast %scan3A_549 : i32 to vector<16xi32>
      %add3A_559 = arith.addi %add3A_20, %add3A_558 : vector<16xi32>
      %gather3A_560 = tpu.vector_load_idx %arg6[%add3A_559] : memref<12800xi32, #tpu.memory_space<vmem>>[vector<16xi32>], vector<16xi32>,
      %gather3A_561 = tpu.vector_load_idx %arg5[%gather3A_560] : memref<100352xf32, #tpu.memory_space<vmem>>[vector<16xi32>], vector<16xf32>,
      %mul3A_562 = arith.mulf %scan3A_551, %gather3A_561 : vector<16xf32>
      %add3A_563 = vector.broadcast %scan3A_549 : i32 to vector<16xi32>
      %add3A_564 = arith.addi %add3A_27, %add3A_563 : vector<16xi32>
      %gather3A_565 = tpu.vector_load_idx %arg6[%add3A_564] : memref<12800xi32, #tpu.memory_space<vmem>>[vector<16xi32>], vector<16xi32>,
      %gather3A_566 = tpu.vector_load_idx %arg5[%gather3A_565] : memref<100352xf32, #tpu.memory_space<vmem>>[vector<16xi32>], vector<16xf32>,
      %mul3A_567 = arith.mulf %scan3A_552, %gather3A_566 : vector<16xf32>
      %add3A_568 = vector.broadcast %scan3A_549 : i32 to vector<16xi32>
      %add3A_569 = arith.addi %add3A_34, %add3A_568 : vector<16xi32>
      %gather3A_570 = tpu.vector_load_idx %arg6[%add3A_569] : memref<12800xi32, #tpu.memory_space<vmem>>[vector<16xi32>], vector<16xi32>,
      %gather3A_571 = tpu.vector_load_idx %arg5[%gather3A_570] : memref<100352xf32, #tpu.memory_space<vmem>>[vector<16xi32>], vector<16xf32>,
      %mul3A_572 = arith.mulf %scan3A_553, %gather3A_571 : vector<16xf32>
      %scan3A_573 = arith.constant 1 : i32
      %scan3A_574 = arith.addi %scan3A_549, %scan3A_573 : i32
      %add3A_575 = vector.broadcast %scan3A_574 : i32 to vector<16xi32>
      %add3A_576 = arith.addi %add3A_13, %add3A_575 : vector<16xi32>
      %gather3A_577 = tpu.vector_load_idx %arg6[%add3A_576] : memref<12800xi32, #tpu.memory_space<vmem>>[vector<16xi32>], vector<16xi32>,
      %gather3A_578 = tpu.vector_load_idx %arg5[%gather3A_577] : memref<100352xf32, #tpu.memory_space<vmem>>[vector<16xi32>], vector<16xf32>,
      %mul3A_579 = arith.mulf %mul3A_557, %gather3A_578 : vector<16xf32>
      %add3A_580 = vector.broadcast %scan3A_574 : i32 to vector<16xi32>
      %add3A_581 = arith.addi %add3A_20, %add3A_580 : vector<16xi32>
      %gather3A_582 = tpu.vector_load_idx %arg6[%add3A_581] : memref<12800xi32, #tpu.memory_space<vmem>>[vector<16xi32>], vector<16xi32>,
      %gather3A_583 = tpu.vector_load_idx %arg5[%gather3A_582] : memref<100352xf32, #tpu.memory_space<vmem>>[vector<16xi32>], vector<16xf32>,
      %mul3A_584 = arith.mulf %mul3A_562, %gather3A_583 : vector<16xf32>
      %add3A_585 = vector.broadcast %scan3A_574 : i32 to vector<16xi32>
      %add3A_586 = arith.addi %add3A_27, %add3A_585 : vector<16xi32>
      %gather3A_587 = tpu.vector_load_idx %arg6[%add3A_586] : memref<12800xi32, #tpu.memory_space<vmem>>[vector<16xi32>], vector<16xi32>,
      %gather3A_588 = tpu.vector_load_idx %arg5[%gather3A_587] : memref<100352xf32, #tpu.memory_space<vmem>>[vector<16xi32>], vector<16xf32>,
      %mul3A_589 = arith.mulf %mul3A_567, %gather3A_588 : vector<16xf32>
      %add3A_590 = vector.broadcast %scan3A_574 : i32 to vector<16xi32>
      %add3A_591 = arith.addi %add3A_34, %add3A_590 : vector<16xi32>
      %gather3A_592 = tpu.vector_load_idx %arg6[%add3A_591] : memref<12800xi32, #tpu.memory_space<vmem>>[vector<16xi32>], vector<16xi32>,
      %gather3A_593 = tpu.vector_load_idx %arg5[%gather3A_592] : memref<100352xf32, #tpu.memory_space<vmem>>[vector<16xi32>], vector<16xf32>,
      %mul3A_594 = arith.mulf %mul3A_572, %gather3A_593 : vector<16xf32>
      %scan3A_595 = arith.constant 2 : i32
      %scan3A_596 = arith.addi %scan3A_549, %scan3A_595 : i32
      %add3A_597 = vector.broadcast %scan3A_596 : i32 to vector<16xi32>
      %add3A_598 = arith.addi %add3A_13, %add3A_597 : vector<16xi32>
      %gather3A_599 = tpu.vector_load_idx %arg6[%add3A_598] : memref<12800xi32, #tpu.memory_space<vmem>>[vector<16xi32>], vector<16xi32>,
      %gather3A_600 = tpu.vector_load_idx %arg5[%gather3A_599] : memref<100352xf32, #tpu.memory_space<vmem>>[vector<16xi32>], vector<16xf32>,
      %mul3A_601 = arith.mulf %mul3A_579, %gather3A_600 : vector<16xf32>
      %add3A_602 = vector.broadcast %scan3A_596 : i32 to vector<16xi32>
      %add3A_603 = arith.addi %add3A_20, %add3A_602 : vector<16xi32>
      %gather3A_604 = tpu.vector_load_idx %arg6[%add3A_603] : memref<12800xi32, #tpu.memory_space<vmem>>[vector<16xi32>], vector<16xi32>,
      %gather3A_605 = tpu.vector_load_idx %arg5[%gather3A_604] : memref<100352xf32, #tpu.memory_space<vmem>>[vector<16xi32>], vector<16xf32>,
      %mul3A_606 = arith.mulf %mul3A_584, %gather3A_605 : vector<16xf32>
      %add3A_607 = vector.broadcast %scan3A_596 : i32 to vector<16xi32>
      %add3A_608 = arith.addi %add3A_27, %add3A_607 : vector<16xi32>
      %gather3A_609 = tpu.vector_load_idx %arg6[%add3A_608] : memref<12800xi32, #tpu.memory_space<vmem>>[vector<16xi32>], vector<16xi32>,
      %gather3A_610 = tpu.vector_load_idx %arg5[%gather3A_609] : memref<100352xf32, #tpu.memory_space<vmem>>[vector<16xi32>], vector<16xf32>,
      %mul3A_611 = arith.mulf %mul3A_589, %gather3A_610 : vector<16xf32>
      %add3A_612 = vector.broadcast %scan3A_596 : i32 to vector<16xi32>
      %add3A_613 = arith.addi %add3A_34, %add3A_612 : vector<16xi32>
      %gather3A_614 = tpu.vector_load_idx %arg6[%add3A_613] : memref<12800xi32, #tpu.memory_space<vmem>>[vector<16xi32>], vector<16xi32>,
      %gather3A_615 = tpu.vector_load_idx %arg5[%gather3A_614] : memref<100352xf32, #tpu.memory_space<vmem>>[vector<16xi32>], vector<16xf32>,
      %mul3A_616 = arith.mulf %mul3A_594, %gather3A_615 : vector<16xf32>
      %scan3A_617 = arith.constant 3 : i32
      %scan3A_618 = arith.addi %scan3A_549, %scan3A_617 : i32
      %add3A_619 = vector.broadcast %scan3A_618 : i32 to vector<16xi32>
      %add3A_620 = arith.addi %add3A_13, %add3A_619 : vector<16xi32>
      %gather3A_621 = tpu.vector_load_idx %arg6[%add3A_620] : memref<12800xi32, #tpu.memory_space<vmem>>[vector<16xi32>], vector<16xi32>,
      %gather3A_622 = tpu.vector_load_idx %arg5[%gather3A_621] : memref<100352xf32, #tpu.memory_space<vmem>>[vector<16xi32>], vector<16xf32>,
      %mul3A_623 = arith.mulf %mul3A_601, %gather3A_622 : vector<16xf32>
      %add3A_624 = vector.broadcast %scan3A_618 : i32 to vector<16xi32>
      %add3A_625 = arith.addi %add3A_20, %add3A_624 : vector<16xi32>
      %gather3A_626 = tpu.vector_load_idx %arg6[%add3A_625] : memref<12800xi32, #tpu.memory_space<vmem>>[vector<16xi32>], vector<16xi32>,
      %gather3A_627 = tpu.vector_load_idx %arg5[%gather3A_626] : memref<100352xf32, #tpu.memory_space<vmem>>[vector<16xi32>], vector<16xf32>,
      %mul3A_628 = arith.mulf %mul3A_606, %gather3A_627 : vector<16xf32>
      %add3A_629 = vector.broadcast %scan3A_618 : i32 to vector<16xi32>
      %add3A_630 = arith.addi %add3A_27, %add3A_629 : vector<16xi32>
      %gather3A_631 = tpu.vector_load_idx %arg6[%add3A_630] : memref<12800xi32, #tpu.memory_space<vmem>>[vector<16xi32>], vector<16xi32>,
      %gather3A_632 = tpu.vector_load_idx %arg5[%gather3A_631] : memref<100352xf32, #tpu.memory_space<vmem>>[vector<16xi32>], vector<16xf32>,
      %mul3A_633 = arith.mulf %mul3A_611, %gather3A_632 : vector<16xf32>
      %add3A_634 = vector.broadcast %scan3A_618 : i32 to vector<16xi32>
      %add3A_635 = arith.addi %add3A_34, %add3A_634 : vector<16xi32>
      %gather3A_636 = tpu.vector_load_idx %arg6[%add3A_635] : memref<12800xi32, #tpu.memory_space<vmem>>[vector<16xi32>], vector<16xi32>,
      %gather3A_637 = tpu.vector_load_idx %arg5[%gather3A_636] : memref<100352xf32, #tpu.memory_space<vmem>>[vector<16xi32>], vector<16xf32>,
      %mul3A_638 = arith.mulf %mul3A_616, %gather3A_637 : vector<16xf32>
      scf.yield %mul3A_623, %mul3A_628, %mul3A_633, %mul3A_638 : vector<16xf32>, vector<16xf32>, vector<16xf32>, vector<16xf32>
    }
    %scan3A_53 = arith.constant 200 : i32
    %sub3A = arith.constant 1.000000e+00 : f32
    %sub3A_54 = vector.broadcast %sub3A : f32 to vector<16xf32>
    %sub3A_55 = arith.subf %sub3A_54, %scan3A_52#0 : vector<16xf32>
    %jit3A = arith.constant 9.99999974E-5 : f32
    %jit3A_56 = arith.constant 0.999989986 : f32
    %max3A = vector.broadcast %jit3A : f32 to vector<16xf32>
    %max3A_57 = arith.maximumf %max3A, %sub3A_55 : vector<16xf32>
    %min3A = vector.broadcast %jit3A_56 : f32 to vector<16xf32>
    %min3A_58 = arith.minimumf %min3A, %max3A_57 : vector<16xf32>
    %swap3A = arith.constant 0 : index
    %swap3A_59 = tpu.vector_load %arg8[%swap3A] {strides = array<i32>} : memref<512xf32, #tpu.memory_space<vmem>>, vector<16xf32>,
    tpu.vector_store %arg8[%swap3A], %min3A_58 {strides = array<i32>} : memref<512xf32, #tpu.memory_space<vmem>>, vector<16xf32>,
    %sub3A_60 = arith.constant 1.000000e+00 : f32
    %sub3A_61 = vector.broadcast %sub3A_60 : f32 to vector<16xf32>
    %sub3A_62 = arith.subf %sub3A_61, %scan3A_52#1 : vector<16xf32>
    %jit3A_63 = arith.constant 9.99999974E-5 : f32
    %jit3A_64 = arith.constant 0.999989986 : f32
    %max3A_65 = vector.broadcast %jit3A_63 : f32 to vector<16xf32>
    %max3A_66 = arith.maximumf %max3A_65, %sub3A_62 : vector<16xf32>
    %min3A_67 = vector.broadcast %jit3A_64 : f32 to vector<16xf32>
    %min3A_68 = arith.minimumf %min3A_67, %max3A_66 : vector<16xf32>
    %swap3A_69 = arith.constant 16 : index
    %swap3A_70 = tpu.vector_load %arg8[%swap3A_69] {strides = array<i32>} : memref<512xf32, #tpu.memory_space<vmem>>, vector<16xf32>,
    tpu.vector_store %arg8[%swap3A_69], %min3A_68 {strides = array<i32>} : memref<512xf32, #tpu.memory_space<vmem>>, vector<16xf32>,
    %sub3A_71 = arith.constant 1.000000e+00 : f32
    %sub3A_72 = vector.broadcast %sub3A_71 : f32 to vector<16xf32>
    %sub3A_73 = arith.subf %sub3A_72, %scan3A_52#2 : vector<16xf32>
    %jit3A_74 = arith.constant 9.99999974E-5 : f32
    %jit3A_75 = arith.constant 0.999989986 : f32
    %max3A_76 = vector.broadcast %jit3A_74 : f32 to vector<16xf32>
    %max3A_77 = arith.maximumf %max3A_76, %sub3A_73 : vector<16xf32>
    %min3A_78 = vector.broadcast %jit3A_75 : f32 to vector<16xf32>
    %min3A_79 = arith.minimumf %min3A_78, %max3A_77 : vector<16xf32>
    %swap3A_80 = arith.constant 32 : index
    %swap3A_81 = tpu.vector_load %arg8[%swap3A_80] {strides = array<i32>} : memref<512xf32, #tpu.memory_space<vmem>>, vector<16xf32>,
    tpu.vector_store %arg8[%swap3A_80], %min3A_79 {strides = array<i32>} : memref<512xf32, #tpu.memory_space<vmem>>, vector<16xf32>,
    %sub3A_82 = arith.constant 1.000000e+00 : f32
    %sub3A_83 = vector.broadcast %sub3A_82 : f32 to vector<16xf32>
    %sub3A_84 = arith.subf %sub3A_83, %scan3A_52#3 : vector<16xf32>
    %jit3A_85 = arith.constant 9.99999974E-5 : f32
    %jit3A_86 = arith.constant 0.999989986 : f32
    %max3A_87 = vector.broadcast %jit3A_85 : f32 to vector<16xf32>
    %max3A_88 = arith.maximumf %max3A_87, %sub3A_84 : vector<16xf32>
    %min3A_89 = vector.broadcast %jit3A_86 : f32 to vector<16xf32>
    %min3A_90 = arith.minimumf %min3A_89, %max3A_88 : vector<16xf32>
    %swap3A_91 = arith.constant 48 : index
    %swap3A_92 = tpu.vector_load %arg8[%swap3A_91] {strides = array<i32>} : memref<512xf32, #tpu.memory_space<vmem>>, vector<16xf32>,
    tpu.vector_store %arg8[%swap3A_91], %min3A_90 {strides = array<i32>} : memref<512xf32, #tpu.memory_space<vmem>>, vector<16xf32>,
    %add3A_93 = arith.constant 128 : i32
    %add3A_94 = arith.addi %mul3A_2, %add3A_93 : i32
    %mul3A_95 = arith.constant 200 : i32
    %mul3A_96 = arith.muli %add3A_94, %mul3A_95 : i32
    %dma_start3A_97 = tpu.memref_slice %arg2[%mul3A_96] : memref<3276800xi32, #tpu.memory_space<hbm>> -> memref<12800xi32, #tpu.memory_space<hbm>>
    %dma_start3A_98 = tpu.memref_slice %arg2[%mul3A_96] : memref<3276800xi32, #tpu.memory_space<hbm>> -> memref<12800xi32, #tpu.memory_space<hbm>>
    tpu.enqueue_dma source(%dma_start3A_98 : memref<12800xi32, #tpu.memory_space<hbm>>) target(%arg6 : memref<12800xi32, #tpu.memory_space<vmem>>) target_semaphore(%arg10 : memref<!tpu.dma_semaphore, #tpu.memory_space<semaphore_mem>>)
    %dma_wait3A_99 = tpu.memref_slice %arg2[%mul3A_38] : memref<3276800xi32, #tpu.memory_space<hbm>> -> memref<12800xi32, #tpu.memory_space<hbm>>
    %dma_wait3A_100 = tpu.memref_slice %arg2[%mul3A_38] : memref<3276800xi32, #tpu.memory_space<hbm>> -> memref<12800xi32, #tpu.memory_space<hbm>>
    tpu.wait_dma2 semaphore(%arg11 : memref<!tpu.dma_semaphore, #tpu.memory_space<semaphore_mem>>) src(%dma_wait3A_100 : memref<12800xi32, #tpu.memory_space<hbm>>) dst(%arg7 : memref<12800xi32, #tpu.memory_space<vmem>>)
    %broadcast_in_dim3A_101 = arith.constant 1.000000e+00 : f32
    %broadcast_in_dim3A_102 = vector.broadcast %broadcast_in_dim3A_101 : f32 to vector<16xf32>
    %broadcast_in_dim3A_103 = arith.constant 1.000000e+00 : f32
    %broadcast_in_dim3A_104 = vector.broadcast %broadcast_in_dim3A_103 : f32 to vector<16xf32>
    %broadcast_in_dim3A_105 = arith.constant 1.000000e+00 : f32
    %broadcast_in_dim3A_106 = vector.broadcast %broadcast_in_dim3A_105 : f32 to vector<16xf32>
    %broadcast_in_dim3A_107 = arith.constant 1.000000e+00 : f32
    %broadcast_in_dim3A_108 = vector.broadcast %broadcast_in_dim3A_107 : f32 to vector<16xf32>
    %scan3A_109 = arith.constant 0 : i32
    %scan3A_110 = arith.constant 200 : i32
    %scan3A_111 = arith.addi %scan3A_109, %scan3A_110 : i32
    %scan3A_112 = arith.constant 4 : i32
    %scan3A_113:4 = scf.for %scan3A_549 = %scan3A_109 to %scan3A_111 step %scan3A_112 iter_args(%scan3A_550 = %broadcast_in_dim3A_102, %scan3A_551 = %broadcast_in_dim3A_104, %scan3A_552 = %broadcast_in_dim3A_106, %scan3A_553 = %broadcast_in_dim3A_108) -> (vector<16xf32>, vector<16xf32>, vector<16xf32>, vector<16xf32>)  : i32 {
      %add3A_554 = vector.broadcast %scan3A_549 : i32 to vector<16xi32>
      %add3A_555 = arith.addi %add3A_13, %add3A_554 : vector<16xi32>
      %gather3A = tpu.vector_load_idx %arg7[%add3A_555] : memref<12800xi32, #tpu.memory_space<vmem>>[vector<16xi32>], vector<16xi32>,
      %gather3A_556 = tpu.vector_load_idx %arg5[%gather3A] : memref<100352xf32, #tpu.memory_space<vmem>>[vector<16xi32>], vector<16xf32>,
      %mul3A_557 = arith.mulf %scan3A_550, %gather3A_556 : vector<16xf32>
      %add3A_558 = vector.broadcast %scan3A_549 : i32 to vector<16xi32>
      %add3A_559 = arith.addi %add3A_20, %add3A_558 : vector<16xi32>
      %gather3A_560 = tpu.vector_load_idx %arg7[%add3A_559] : memref<12800xi32, #tpu.memory_space<vmem>>[vector<16xi32>], vector<16xi32>,
      %gather3A_561 = tpu.vector_load_idx %arg5[%gather3A_560] : memref<100352xf32, #tpu.memory_space<vmem>>[vector<16xi32>], vector<16xf32>,
      %mul3A_562 = arith.mulf %scan3A_551, %gather3A_561 : vector<16xf32>
      %add3A_563 = vector.broadcast %scan3A_549 : i32 to vector<16xi32>
      %add3A_564 = arith.addi %add3A_27, %add3A_563 : vector<16xi32>
      %gather3A_565 = tpu.vector_load_idx %arg7[%add3A_564] : memref<12800xi32, #tpu.memory_space<vmem>>[vector<16xi32>], vector<16xi32>,
      %gather3A_566 = tpu.vector_load_idx %arg5[%gather3A_565] : memref<100352xf32, #tpu.memory_space<vmem>>[vector<16xi32>], vector<16xf32>,
      %mul3A_567 = arith.mulf %scan3A_552, %gather3A_566 : vector<16xf32>
      %add3A_568 = vector.broadcast %scan3A_549 : i32 to vector<16xi32>
      %add3A_569 = arith.addi %add3A_34, %add3A_568 : vector<16xi32>
      %gather3A_570 = tpu.vector_load_idx %arg7[%add3A_569] : memref<12800xi32, #tpu.memory_space<vmem>>[vector<16xi32>], vector<16xi32>,
      %gather3A_571 = tpu.vector_load_idx %arg5[%gather3A_570] : memref<100352xf32, #tpu.memory_space<vmem>>[vector<16xi32>], vector<16xf32>,
      %mul3A_572 = arith.mulf %scan3A_553, %gather3A_571 : vector<16xf32>
      %scan3A_573 = arith.constant 1 : i32
      %scan3A_574 = arith.addi %scan3A_549, %scan3A_573 : i32
      %add3A_575 = vector.broadcast %scan3A_574 : i32 to vector<16xi32>
      %add3A_576 = arith.addi %add3A_13, %add3A_575 : vector<16xi32>
      %gather3A_577 = tpu.vector_load_idx %arg7[%add3A_576] : memref<12800xi32, #tpu.memory_space<vmem>>[vector<16xi32>], vector<16xi32>,
      %gather3A_578 = tpu.vector_load_idx %arg5[%gather3A_577] : memref<100352xf32, #tpu.memory_space<vmem>>[vector<16xi32>], vector<16xf32>,
      %mul3A_579 = arith.mulf %mul3A_557, %gather3A_578 : vector<16xf32>
      %add3A_580 = vector.broadcast %scan3A_574 : i32 to vector<16xi32>
      %add3A_581 = arith.addi %add3A_20, %add3A_580 : vector<16xi32>
      %gather3A_582 = tpu.vector_load_idx %arg7[%add3A_581] : memref<12800xi32, #tpu.memory_space<vmem>>[vector<16xi32>], vector<16xi32>,
      %gather3A_583 = tpu.vector_load_idx %arg5[%gather3A_582] : memref<100352xf32, #tpu.memory_space<vmem>>[vector<16xi32>], vector<16xf32>,
      %mul3A_584 = arith.mulf %mul3A_562, %gather3A_583 : vector<16xf32>
      %add3A_585 = vector.broadcast %scan3A_574 : i32 to vector<16xi32>
      %add3A_586 = arith.addi %add3A_27, %add3A_585 : vector<16xi32>
      %gather3A_587 = tpu.vector_load_idx %arg7[%add3A_586] : memref<12800xi32, #tpu.memory_space<vmem>>[vector<16xi32>], vector<16xi32>,
      %gather3A_588 = tpu.vector_load_idx %arg5[%gather3A_587] : memref<100352xf32, #tpu.memory_space<vmem>>[vector<16xi32>], vector<16xf32>,
      %mul3A_589 = arith.mulf %mul3A_567, %gather3A_588 : vector<16xf32>
      %add3A_590 = vector.broadcast %scan3A_574 : i32 to vector<16xi32>
      %add3A_591 = arith.addi %add3A_34, %add3A_590 : vector<16xi32>
      %gather3A_592 = tpu.vector_load_idx %arg7[%add3A_591] : memref<12800xi32, #tpu.memory_space<vmem>>[vector<16xi32>], vector<16xi32>,
      %gather3A_593 = tpu.vector_load_idx %arg5[%gather3A_592] : memref<100352xf32, #tpu.memory_space<vmem>>[vector<16xi32>], vector<16xf32>,
      %mul3A_594 = arith.mulf %mul3A_572, %gather3A_593 : vector<16xf32>
      %scan3A_595 = arith.constant 2 : i32
      %scan3A_596 = arith.addi %scan3A_549, %scan3A_595 : i32
      %add3A_597 = vector.broadcast %scan3A_596 : i32 to vector<16xi32>
      %add3A_598 = arith.addi %add3A_13, %add3A_597 : vector<16xi32>
      %gather3A_599 = tpu.vector_load_idx %arg7[%add3A_598] : memref<12800xi32, #tpu.memory_space<vmem>>[vector<16xi32>], vector<16xi32>,
      %gather3A_600 = tpu.vector_load_idx %arg5[%gather3A_599] : memref<100352xf32, #tpu.memory_space<vmem>>[vector<16xi32>], vector<16xf32>,
      %mul3A_601 = arith.mulf %mul3A_579, %gather3A_600 : vector<16xf32>
      %add3A_602 = vector.broadcast %scan3A_596 : i32 to vector<16xi32>
      %add3A_603 = arith.addi %add3A_20, %add3A_602 : vector<16xi32>
      %gather3A_604 = tpu.vector_load_idx %arg7[%add3A_603] : memref<12800xi32, #tpu.memory_space<vmem>>[vector<16xi32>], vector<16xi32>,
      %gather3A_605 = tpu.vector_load_idx %arg5[%gather3A_604] : memref<100352xf32, #tpu.memory_space<vmem>>[vector<16xi32>], vector<16xf32>,
      %mul3A_606 = arith.mulf %mul3A_584, %gather3A_605 : vector<16xf32>
      %add3A_607 = vector.broadcast %scan3A_596 : i32 to vector<16xi32>
      %add3A_608 = arith.addi %add3A_27, %add3A_607 : vector<16xi32>
      %gather3A_609 = tpu.vector_load_idx %arg7[%add3A_608] : memref<12800xi32, #tpu.memory_space<vmem>>[vector<16xi32>], vector<16xi32>,
      %gather3A_610 = tpu.vector_load_idx %arg5[%gather3A_609] : memref<100352xf32, #tpu.memory_space<vmem>>[vector<16xi32>], vector<16xf32>,
      %mul3A_611 = arith.mulf %mul3A_589, %gather3A_610 : vector<16xf32>
      %add3A_612 = vector.broadcast %scan3A_596 : i32 to vector<16xi32>
      %add3A_613 = arith.addi %add3A_34, %add3A_612 : vector<16xi32>
      %gather3A_614 = tpu.vector_load_idx %arg7[%add3A_613] : memref<12800xi32, #tpu.memory_space<vmem>>[vector<16xi32>], vector<16xi32>,
      %gather3A_615 = tpu.vector_load_idx %arg5[%gather3A_614] : memref<100352xf32, #tpu.memory_space<vmem>>[vector<16xi32>], vector<16xf32>,
      %mul3A_616 = arith.mulf %mul3A_594, %gather3A_615 : vector<16xf32>
      %scan3A_617 = arith.constant 3 : i32
      %scan3A_618 = arith.addi %scan3A_549, %scan3A_617 : i32
      %add3A_619 = vector.broadcast %scan3A_618 : i32 to vector<16xi32>
      %add3A_620 = arith.addi %add3A_13, %add3A_619 : vector<16xi32>
      %gather3A_621 = tpu.vector_load_idx %arg7[%add3A_620] : memref<12800xi32, #tpu.memory_space<vmem>>[vector<16xi32>], vector<16xi32>,
      %gather3A_622 = tpu.vector_load_idx %arg5[%gather3A_621] : memref<100352xf32, #tpu.memory_space<vmem>>[vector<16xi32>], vector<16xf32>,
      %mul3A_623 = arith.mulf %mul3A_601, %gather3A_622 : vector<16xf32>
      %add3A_624 = vector.broadcast %scan3A_618 : i32 to vector<16xi32>
      %add3A_625 = arith.addi %add3A_20, %add3A_624 : vector<16xi32>
      %gather3A_626 = tpu.vector_load_idx %arg7[%add3A_625] : memref<12800xi32, #tpu.memory_space<vmem>>[vector<16xi32>], vector<16xi32>,
      %gather3A_627 = tpu.vector_load_idx %arg5[%gather3A_626] : memref<100352xf32, #tpu.memory_space<vmem>>[vector<16xi32>], vector<16xf32>,
      %mul3A_628 = arith.mulf %mul3A_606, %gather3A_627 : vector<16xf32>
      %add3A_629 = vector.broadcast %scan3A_618 : i32 to vector<16xi32>
      %add3A_630 = arith.addi %add3A_27, %add3A_629 : vector<16xi32>
      %gather3A_631 = tpu.vector_load_idx %arg7[%add3A_630] : memref<12800xi32, #tpu.memory_space<vmem>>[vector<16xi32>], vector<16xi32>,
      %gather3A_632 = tpu.vector_load_idx %arg5[%gather3A_631] : memref<100352xf32, #tpu.memory_space<vmem>>[vector<16xi32>], vector<16xf32>,
      %mul3A_633 = arith.mulf %mul3A_611, %gather3A_632 : vector<16xf32>
      %add3A_634 = vector.broadcast %scan3A_618 : i32 to vector<16xi32>
      %add3A_635 = arith.addi %add3A_34, %add3A_634 : vector<16xi32>
      %gather3A_636 = tpu.vector_load_idx %arg7[%add3A_635] : memref<12800xi32, #tpu.memory_space<vmem>>[vector<16xi32>], vector<16xi32>,
      %gather3A_637 = tpu.vector_load_idx %arg5[%gather3A_636] : memref<100352xf32, #tpu.memory_space<vmem>>[vector<16xi32>], vector<16xf32>,
      %mul3A_638 = arith.mulf %mul3A_616, %gather3A_637 : vector<16xf32>
      scf.yield %mul3A_623, %mul3A_628, %mul3A_633, %mul3A_638 : vector<16xf32>, vector<16xf32>, vector<16xf32>, vector<16xf32>
    }
    %scan3A_114 = arith.constant 200 : i32
    %sub3A_115 = arith.constant 1.000000e+00 : f32
    %sub3A_116 = vector.broadcast %sub3A_115 : f32 to vector<16xf32>
    %sub3A_117 = arith.subf %sub3A_116, %scan3A_113#0 : vector<16xf32>
    %jit3A_118 = arith.constant 9.99999974E-5 : f32
    %jit3A_119 = arith.constant 0.999989986 : f32
    %max3A_120 = vector.broadcast %jit3A_118 : f32 to vector<16xf32>
    %max3A_121 = arith.maximumf %max3A_120, %sub3A_117 : vector<16xf32>
    %min3A_122 = vector.broadcast %jit3A_119 : f32 to vector<16xf32>
    %min3A_123 = arith.minimumf %min3A_122, %max3A_121 : vector<16xf32>
    %swap3A_124 = arith.constant 64 : index
    %swap3A_125 = tpu.vector_load %arg8[%swap3A_124] {strides = array<i32>} : memref<512xf32, #tpu.memory_space<vmem>>, vector<16xf32>,
    tpu.vector_store %arg8[%swap3A_124], %min3A_123 {strides = array<i32>} : memref<512xf32, #tpu.memory_space<vmem>>, vector<16xf32>,
    %sub3A_126 = arith.constant 1.000000e+00 : f32
    %sub3A_127 = vector.broadcast %sub3A_126 : f32 to vector<16xf32>
    %sub3A_128 = arith.subf %sub3A_127, %scan3A_113#1 : vector<16xf32>
    %jit3A_129 = arith.constant 9.99999974E-5 : f32
    %jit3A_130 = arith.constant 0.999989986 : f32
    %max3A_131 = vector.broadcast %jit3A_129 : f32 to vector<16xf32>
    %max3A_132 = arith.maximumf %max3A_131, %sub3A_128 : vector<16xf32>
    %min3A_133 = vector.broadcast %jit3A_130 : f32 to vector<16xf32>
    %min3A_134 = arith.minimumf %min3A_133, %max3A_132 : vector<16xf32>
    %swap3A_135 = arith.constant 80 : index
    %swap3A_136 = tpu.vector_load %arg8[%swap3A_135] {strides = array<i32>} : memref<512xf32, #tpu.memory_space<vmem>>, vector<16xf32>,
    tpu.vector_store %arg8[%swap3A_135], %min3A_134 {strides = array<i32>} : memref<512xf32, #tpu.memory_space<vmem>>, vector<16xf32>,
    %sub3A_137 = arith.constant 1.000000e+00 : f32
    %sub3A_138 = vector.broadcast %sub3A_137 : f32 to vector<16xf32>
    %sub3A_139 = arith.subf %sub3A_138, %scan3A_113#2 : vector<16xf32>
    %jit3A_140 = arith.constant 9.99999974E-5 : f32
    %jit3A_141 = arith.constant 0.999989986 : f32
    %max3A_142 = vector.broadcast %jit3A_140 : f32 to vector<16xf32>
    %max3A_143 = arith.maximumf %max3A_142, %sub3A_139 : vector<16xf32>
    %min3A_144 = vector.broadcast %jit3A_141 : f32 to vector<16xf32>
    %min3A_145 = arith.minimumf %min3A_144, %max3A_143 : vector<16xf32>
    %swap3A_146 = arith.constant 96 : index
    %swap3A_147 = tpu.vector_load %arg8[%swap3A_146] {strides = array<i32>} : memref<512xf32, #tpu.memory_space<vmem>>, vector<16xf32>,
    tpu.vector_store %arg8[%swap3A_146], %min3A_145 {strides = array<i32>} : memref<512xf32, #tpu.memory_space<vmem>>, vector<16xf32>,
    %sub3A_148 = arith.constant 1.000000e+00 : f32
    %sub3A_149 = vector.broadcast %sub3A_148 : f32 to vector<16xf32>
    %sub3A_150 = arith.subf %sub3A_149, %scan3A_113#3 : vector<16xf32>
    %jit3A_151 = arith.constant 9.99999974E-5 : f32
    %jit3A_152 = arith.constant 0.999989986 : f32
    %max3A_153 = vector.broadcast %jit3A_151 : f32 to vector<16xf32>
    %max3A_154 = arith.maximumf %max3A_153, %sub3A_150 : vector<16xf32>
    %min3A_155 = vector.broadcast %jit3A_152 : f32 to vector<16xf32>
    %min3A_156 = arith.minimumf %min3A_155, %max3A_154 : vector<16xf32>
    %swap3A_157 = arith.constant 112 : index
    %swap3A_158 = tpu.vector_load %arg8[%swap3A_157] {strides = array<i32>} : memref<512xf32, #tpu.memory_space<vmem>>, vector<16xf32>,
    tpu.vector_store %arg8[%swap3A_157], %min3A_156 {strides = array<i32>} : memref<512xf32, #tpu.memory_space<vmem>>, vector<16xf32>,
    %add3A_159 = arith.constant 192 : i32
    %add3A_160 = arith.addi %mul3A_2, %add3A_159 : i32
    %mul3A_161 = arith.constant 200 : i32
    %mul3A_162 = arith.muli %add3A_160, %mul3A_161 : i32
    %dma_start3A_163 = tpu.memref_slice %arg2[%mul3A_162] : memref<3276800xi32, #tpu.memory_space<hbm>> -> memref<12800xi32, #tpu.memory_space<hbm>>
    %dma_start3A_164 = tpu.memref_slice %arg2[%mul3A_162] : memref<3276800xi32, #tpu.memory_space<hbm>> -> memref<12800xi32, #tpu.memory_space<hbm>>
    tpu.enqueue_dma source(%dma_start3A_164 : memref<12800xi32, #tpu.memory_space<hbm>>) target(%arg7 : memref<12800xi32, #tpu.memory_space<vmem>>) target_semaphore(%arg11 : memref<!tpu.dma_semaphore, #tpu.memory_space<semaphore_mem>>)
    %dma_wait3A_165 = tpu.memref_slice %arg2[%mul3A_96] : memref<3276800xi32, #tpu.memory_space<hbm>> -> memref<12800xi32, #tpu.memory_space<hbm>>
    %dma_wait3A_166 = tpu.memref_slice %arg2[%mul3A_96] : memref<3276800xi32, #tpu.memory_space<hbm>> -> memref<12800xi32, #tpu.memory_space<hbm>>
    tpu.wait_dma2 semaphore(%arg10 : memref<!tpu.dma_semaphore, #tpu.memory_space<semaphore_mem>>) src(%dma_wait3A_166 : memref<12800xi32, #tpu.memory_space<hbm>>) dst(%arg6 : memref<12800xi32, #tpu.memory_space<vmem>>)
    %broadcast_in_dim3A_167 = arith.constant 1.000000e+00 : f32
    %broadcast_in_dim3A_168 = vector.broadcast %broadcast_in_dim3A_167 : f32 to vector<16xf32>
    %broadcast_in_dim3A_169 = arith.constant 1.000000e+00 : f32
    %broadcast_in_dim3A_170 = vector.broadcast %broadcast_in_dim3A_169 : f32 to vector<16xf32>
    %broadcast_in_dim3A_171 = arith.constant 1.000000e+00 : f32
    %broadcast_in_dim3A_172 = vector.broadcast %broadcast_in_dim3A_171 : f32 to vector<16xf32>
    %broadcast_in_dim3A_173 = arith.constant 1.000000e+00 : f32
    %broadcast_in_dim3A_174 = vector.broadcast %broadcast_in_dim3A_173 : f32 to vector<16xf32>
    %scan3A_175 = arith.constant 0 : i32
    %scan3A_176 = arith.constant 200 : i32
    %scan3A_177 = arith.addi %scan3A_175, %scan3A_176 : i32
    %scan3A_178 = arith.constant 4 : i32
    %scan3A_179:4 = scf.for %scan3A_549 = %scan3A_175 to %scan3A_177 step %scan3A_178 iter_args(%scan3A_550 = %broadcast_in_dim3A_168, %scan3A_551 = %broadcast_in_dim3A_170, %scan3A_552 = %broadcast_in_dim3A_172, %scan3A_553 = %broadcast_in_dim3A_174) -> (vector<16xf32>, vector<16xf32>, vector<16xf32>, vector<16xf32>)  : i32 {
      %add3A_554 = vector.broadcast %scan3A_549 : i32 to vector<16xi32>
      %add3A_555 = arith.addi %add3A_13, %add3A_554 : vector<16xi32>
      %gather3A = tpu.vector_load_idx %arg6[%add3A_555] : memref<12800xi32, #tpu.memory_space<vmem>>[vector<16xi32>], vector<16xi32>,
      %gather3A_556 = tpu.vector_load_idx %arg5[%gather3A] : memref<100352xf32, #tpu.memory_space<vmem>>[vector<16xi32>], vector<16xf32>,
      %mul3A_557 = arith.mulf %scan3A_550, %gather3A_556 : vector<16xf32>
      %add3A_558 = vector.broadcast %scan3A_549 : i32 to vector<16xi32>
      %add3A_559 = arith.addi %add3A_20, %add3A_558 : vector<16xi32>
      %gather3A_560 = tpu.vector_load_idx %arg6[%add3A_559] : memref<12800xi32, #tpu.memory_space<vmem>>[vector<16xi32>], vector<16xi32>,
      %gather3A_561 = tpu.vector_load_idx %arg5[%gather3A_560] : memref<100352xf32, #tpu.memory_space<vmem>>[vector<16xi32>], vector<16xf32>,
      %mul3A_562 = arith.mulf %scan3A_551, %gather3A_561 : vector<16xf32>
      %add3A_563 = vector.broadcast %scan3A_549 : i32 to vector<16xi32>
      %add3A_564 = arith.addi %add3A_27, %add3A_563 : vector<16xi32>
      %gather3A_565 = tpu.vector_load_idx %arg6[%add3A_564] : memref<12800xi32, #tpu.memory_space<vmem>>[vector<16xi32>], vector<16xi32>,
      %gather3A_566 = tpu.vector_load_idx %arg5[%gather3A_565] : memref<100352xf32, #tpu.memory_space<vmem>>[vector<16xi32>], vector<16xf32>,
      %mul3A_567 = arith.mulf %scan3A_552, %gather3A_566 : vector<16xf32>
      %add3A_568 = vector.broadcast %scan3A_549 : i32 to vector<16xi32>
      %add3A_569 = arith.addi %add3A_34, %add3A_568 : vector<16xi32>
      %gather3A_570 = tpu.vector_load_idx %arg6[%add3A_569] : memref<12800xi32, #tpu.memory_space<vmem>>[vector<16xi32>], vector<16xi32>,
      %gather3A_571 = tpu.vector_load_idx %arg5[%gather3A_570] : memref<100352xf32, #tpu.memory_space<vmem>>[vector<16xi32>], vector<16xf32>,
      %mul3A_572 = arith.mulf %scan3A_553, %gather3A_571 : vector<16xf32>
      %scan3A_573 = arith.constant 1 : i32
      %scan3A_574 = arith.addi %scan3A_549, %scan3A_573 : i32
      %add3A_575 = vector.broadcast %scan3A_574 : i32 to vector<16xi32>
      %add3A_576 = arith.addi %add3A_13, %add3A_575 : vector<16xi32>
      %gather3A_577 = tpu.vector_load_idx %arg6[%add3A_576] : memref<12800xi32, #tpu.memory_space<vmem>>[vector<16xi32>], vector<16xi32>,
      %gather3A_578 = tpu.vector_load_idx %arg5[%gather3A_577] : memref<100352xf32, #tpu.memory_space<vmem>>[vector<16xi32>], vector<16xf32>,
      %mul3A_579 = arith.mulf %mul3A_557, %gather3A_578 : vector<16xf32>
      %add3A_580 = vector.broadcast %scan3A_574 : i32 to vector<16xi32>
      %add3A_581 = arith.addi %add3A_20, %add3A_580 : vector<16xi32>
      %gather3A_582 = tpu.vector_load_idx %arg6[%add3A_581] : memref<12800xi32, #tpu.memory_space<vmem>>[vector<16xi32>], vector<16xi32>,
      %gather3A_583 = tpu.vector_load_idx %arg5[%gather3A_582] : memref<100352xf32, #tpu.memory_space<vmem>>[vector<16xi32>], vector<16xf32>,
      %mul3A_584 = arith.mulf %mul3A_562, %gather3A_583 : vector<16xf32>
      %add3A_585 = vector.broadcast %scan3A_574 : i32 to vector<16xi32>
      %add3A_586 = arith.addi %add3A_27, %add3A_585 : vector<16xi32>
      %gather3A_587 = tpu.vector_load_idx %arg6[%add3A_586] : memref<12800xi32, #tpu.memory_space<vmem>>[vector<16xi32>], vector<16xi32>,
      %gather3A_588 = tpu.vector_load_idx %arg5[%gather3A_587] : memref<100352xf32, #tpu.memory_space<vmem>>[vector<16xi32>], vector<16xf32>,
      %mul3A_589 = arith.mulf %mul3A_567, %gather3A_588 : vector<16xf32>
      %add3A_590 = vector.broadcast %scan3A_574 : i32 to vector<16xi32>
      %add3A_591 = arith.addi %add3A_34, %add3A_590 : vector<16xi32>
      %gather3A_592 = tpu.vector_load_idx %arg6[%add3A_591] : memref<12800xi32, #tpu.memory_space<vmem>>[vector<16xi32>], vector<16xi32>,
      %gather3A_593 = tpu.vector_load_idx %arg5[%gather3A_592] : memref<100352xf32, #tpu.memory_space<vmem>>[vector<16xi32>], vector<16xf32>,
      %mul3A_594 = arith.mulf %mul3A_572, %gather3A_593 : vector<16xf32>
      %scan3A_595 = arith.constant 2 : i32
      %scan3A_596 = arith.addi %scan3A_549, %scan3A_595 : i32
      %add3A_597 = vector.broadcast %scan3A_596 : i32 to vector<16xi32>
      %add3A_598 = arith.addi %add3A_13, %add3A_597 : vector<16xi32>
      %gather3A_599 = tpu.vector_load_idx %arg6[%add3A_598] : memref<12800xi32, #tpu.memory_space<vmem>>[vector<16xi32>], vector<16xi32>,
      %gather3A_600 = tpu.vector_load_idx %arg5[%gather3A_599] : memref<100352xf32, #tpu.memory_space<vmem>>[vector<16xi32>], vector<16xf32>,
      %mul3A_601 = arith.mulf %mul3A_579, %gather3A_600 : vector<16xf32>
      %add3A_602 = vector.broadcast %scan3A_596 : i32 to vector<16xi32>
      %add3A_603 = arith.addi %add3A_20, %add3A_602 : vector<16xi32>
      %gather3A_604 = tpu.vector_load_idx %arg6[%add3A_603] : memref<12800xi32, #tpu.memory_space<vmem>>[vector<16xi32>], vector<16xi32>,
      %gather3A_605 = tpu.vector_load_idx %arg5[%gather3A_604] : memref<100352xf32, #tpu.memory_space<vmem>>[vector<16xi32>], vector<16xf32>,
      %mul3A_606 = arith.mulf %mul3A_584, %gather3A_605 : vector<16xf32>
      %add3A_607 = vector.broadcast %scan3A_596 : i32 to vector<16xi32>
      %add3A_608 = arith.addi %add3A_27, %add3A_607 : vector<16xi32>
      %gather3A_609 = tpu.vector_load_idx %arg6[%add3A_608] : memref<12800xi32, #tpu.memory_space<vmem>>[vector<16xi32>], vector<16xi32>,
      %gather3A_610 = tpu.vector_load_idx %arg5[%gather3A_609] : memref<100352xf32, #tpu.memory_space<vmem>>[vector<16xi32>], vector<16xf32>,
      %mul3A_611 = arith.mulf %mul3A_589, %gather3A_610 : vector<16xf32>
      %add3A_612 = vector.broadcast %scan3A_596 : i32 to vector<16xi32>
      %add3A_613 = arith.addi %add3A_34, %add3A_612 : vector<16xi32>
      %gather3A_614 = tpu.vector_load_idx %arg6[%add3A_613] : memref<12800xi32, #tpu.memory_space<vmem>>[vector<16xi32>], vector<16xi32>,
      %gather3A_615 = tpu.vector_load_idx %arg5[%gather3A_614] : memref<100352xf32, #tpu.memory_space<vmem>>[vector<16xi32>], vector<16xf32>,
      %mul3A_616 = arith.mulf %mul3A_594, %gather3A_615 : vector<16xf32>
      %scan3A_617 = arith.constant 3 : i32
      %scan3A_618 = arith.addi %scan3A_549, %scan3A_617 : i32
      %add3A_619 = vector.broadcast %scan3A_618 : i32 to vector<16xi32>
      %add3A_620 = arith.addi %add3A_13, %add3A_619 : vector<16xi32>
      %gather3A_621 = tpu.vector_load_idx %arg6[%add3A_620] : memref<12800xi32, #tpu.memory_space<vmem>>[vector<16xi32>], vector<16xi32>,
      %gather3A_622 = tpu.vector_load_idx %arg5[%gather3A_621] : memref<100352xf32, #tpu.memory_space<vmem>>[vector<16xi32>], vector<16xf32>,
      %mul3A_623 = arith.mulf %mul3A_601, %gather3A_622 : vector<16xf32>
      %add3A_624 = vector.broadcast %scan3A_618 : i32 to vector<16xi32>
      %add3A_625 = arith.addi %add3A_20, %add3A_624 : vector<16xi32>
      %gather3A_626 = tpu.vector_load_idx %arg6[%add3A_625] : memref<12800xi32, #tpu.memory_space<vmem>>[vector<16xi32>], vector<16xi32>,
      %gather3A_627 = tpu.vector_load_idx %arg5[%gather3A_626] : memref<100352xf32, #tpu.memory_space<vmem>>[vector<16xi32>], vector<16xf32>,
      %mul3A_628 = arith.mulf %mul3A_606, %gather3A_627 : vector<16xf32>
      %add3A_629 = vector.broadcast %scan3A_618 : i32 to vector<16xi32>
      %add3A_630 = arith.addi %add3A_27, %add3A_629 : vector<16xi32>
      %gather3A_631 = tpu.vector_load_idx %arg6[%add3A_630] : memref<12800xi32, #tpu.memory_space<vmem>>[vector<16xi32>], vector<16xi32>,
      %gather3A_632 = tpu.vector_load_idx %arg5[%gather3A_631] : memref<100352xf32, #tpu.memory_space<vmem>>[vector<16xi32>], vector<16xf32>,
      %mul3A_633 = arith.mulf %mul3A_611, %gather3A_632 : vector<16xf32>
      %add3A_634 = vector.broadcast %scan3A_618 : i32 to vector<16xi32>
      %add3A_635 = arith.addi %add3A_34, %add3A_634 : vector<16xi32>
      %gather3A_636 = tpu.vector_load_idx %arg6[%add3A_635] : memref<12800xi32, #tpu.memory_space<vmem>>[vector<16xi32>], vector<16xi32>,
      %gather3A_637 = tpu.vector_load_idx %arg5[%gather3A_636] : memref<100352xf32, #tpu.memory_space<vmem>>[vector<16xi32>], vector<16xf32>,
      %mul3A_638 = arith.mulf %mul3A_616, %gather3A_637 : vector<16xf32>
      scf.yield %mul3A_623, %mul3A_628, %mul3A_633, %mul3A_638 : vector<16xf32>, vector<16xf32>, vector<16xf32>, vector<16xf32>
    }
    %scan3A_180 = arith.constant 200 : i32
    %sub3A_181 = arith.constant 1.000000e+00 : f32
    %sub3A_182 = vector.broadcast %sub3A_181 : f32 to vector<16xf32>
    %sub3A_183 = arith.subf %sub3A_182, %scan3A_179#0 : vector<16xf32>
    %jit3A_184 = arith.constant 9.99999974E-5 : f32
    %jit3A_185 = arith.constant 0.999989986 : f32
    %max3A_186 = vector.broadcast %jit3A_184 : f32 to vector<16xf32>
    %max3A_187 = arith.maximumf %max3A_186, %sub3A_183 : vector<16xf32>
    %min3A_188 = vector.broadcast %jit3A_185 : f32 to vector<16xf32>
    %min3A_189 = arith.minimumf %min3A_188, %max3A_187 : vector<16xf32>
    %swap3A_190 = arith.constant 128 : index
    %swap3A_191 = tpu.vector_load %arg8[%swap3A_190] {strides = array<i32>} : memref<512xf32, #tpu.memory_space<vmem>>, vector<16xf32>,
    tpu.vector_store %arg8[%swap3A_190], %min3A_189 {strides = array<i32>} : memref<512xf32, #tpu.memory_space<vmem>>, vector<16xf32>,
    %sub3A_192 = arith.constant 1.000000e+00 : f32
    %sub3A_193 = vector.broadcast %sub3A_192 : f32 to vector<16xf32>
    %sub3A_194 = arith.subf %sub3A_193, %scan3A_179#1 : vector<16xf32>
    %jit3A_195 = arith.constant 9.99999974E-5 : f32
    %jit3A_196 = arith.constant 0.999989986 : f32
    %max3A_197 = vector.broadcast %jit3A_195 : f32 to vector<16xf32>
    %max3A_198 = arith.maximumf %max3A_197, %sub3A_194 : vector<16xf32>
    %min3A_199 = vector.broadcast %jit3A_196 : f32 to vector<16xf32>
    %min3A_200 = arith.minimumf %min3A_199, %max3A_198 : vector<16xf32>
    %swap3A_201 = arith.constant 144 : index
    %swap3A_202 = tpu.vector_load %arg8[%swap3A_201] {strides = array<i32>} : memref<512xf32, #tpu.memory_space<vmem>>, vector<16xf32>,
    tpu.vector_store %arg8[%swap3A_201], %min3A_200 {strides = array<i32>} : memref<512xf32, #tpu.memory_space<vmem>>, vector<16xf32>,
    %sub3A_203 = arith.constant 1.000000e+00 : f32
    %sub3A_204 = vector.broadcast %sub3A_203 : f32 to vector<16xf32>
    %sub3A_205 = arith.subf %sub3A_204, %scan3A_179#2 : vector<16xf32>
    %jit3A_206 = arith.constant 9.99999974E-5 : f32
    %jit3A_207 = arith.constant 0.999989986 : f32
    %max3A_208 = vector.broadcast %jit3A_206 : f32 to vector<16xf32>
    %max3A_209 = arith.maximumf %max3A_208, %sub3A_205 : vector<16xf32>
    %min3A_210 = vector.broadcast %jit3A_207 : f32 to vector<16xf32>
    %min3A_211 = arith.minimumf %min3A_210, %max3A_209 : vector<16xf32>
    %swap3A_212 = arith.constant 160 : index
    %swap3A_213 = tpu.vector_load %arg8[%swap3A_212] {strides = array<i32>} : memref<512xf32, #tpu.memory_space<vmem>>, vector<16xf32>,
    tpu.vector_store %arg8[%swap3A_212], %min3A_211 {strides = array<i32>} : memref<512xf32, #tpu.memory_space<vmem>>, vector<16xf32>,
    %sub3A_214 = arith.constant 1.000000e+00 : f32
    %sub3A_215 = vector.broadcast %sub3A_214 : f32 to vector<16xf32>
    %sub3A_216 = arith.subf %sub3A_215, %scan3A_179#3 : vector<16xf32>
    %jit3A_217 = arith.constant 9.99999974E-5 : f32
    %jit3A_218 = arith.constant 0.999989986 : f32
    %max3A_219 = vector.broadcast %jit3A_217 : f32 to vector<16xf32>
    %max3A_220 = arith.maximumf %max3A_219, %sub3A_216 : vector<16xf32>
    %min3A_221 = vector.broadcast %jit3A_218 : f32 to vector<16xf32>
    %min3A_222 = arith.minimumf %min3A_221, %max3A_220 : vector<16xf32>
    %swap3A_223 = arith.constant 176 : index
    %swap3A_224 = tpu.vector_load %arg8[%swap3A_223] {strides = array<i32>} : memref<512xf32, #tpu.memory_space<vmem>>, vector<16xf32>,
    tpu.vector_store %arg8[%swap3A_223], %min3A_222 {strides = array<i32>} : memref<512xf32, #tpu.memory_space<vmem>>, vector<16xf32>,
    %add3A_225 = arith.constant 256 : i32
    %add3A_226 = arith.addi %mul3A_2, %add3A_225 : i32
    %mul3A_227 = arith.constant 200 : i32
    %mul3A_228 = arith.muli %add3A_226, %mul3A_227 : i32
    %dma_start3A_229 = tpu.memref_slice %arg2[%mul3A_228] : memref<3276800xi32, #tpu.memory_space<hbm>> -> memref<12800xi32, #tpu.memory_space<hbm>>
    %dma_start3A_230 = tpu.memref_slice %arg2[%mul3A_228] : memref<3276800xi32, #tpu.memory_space<hbm>> -> memref<12800xi32, #tpu.memory_space<hbm>>
    tpu.enqueue_dma source(%dma_start3A_230 : memref<12800xi32, #tpu.memory_space<hbm>>) target(%arg6 : memref<12800xi32, #tpu.memory_space<vmem>>) target_semaphore(%arg10 : memref<!tpu.dma_semaphore, #tpu.memory_space<semaphore_mem>>)
    %dma_wait3A_231 = tpu.memref_slice %arg2[%mul3A_162] : memref<3276800xi32, #tpu.memory_space<hbm>> -> memref<12800xi32, #tpu.memory_space<hbm>>
    %dma_wait3A_232 = tpu.memref_slice %arg2[%mul3A_162] : memref<3276800xi32, #tpu.memory_space<hbm>> -> memref<12800xi32, #tpu.memory_space<hbm>>
    tpu.wait_dma2 semaphore(%arg11 : memref<!tpu.dma_semaphore, #tpu.memory_space<semaphore_mem>>) src(%dma_wait3A_232 : memref<12800xi32, #tpu.memory_space<hbm>>) dst(%arg7 : memref<12800xi32, #tpu.memory_space<vmem>>)
    %broadcast_in_dim3A_233 = arith.constant 1.000000e+00 : f32
    %broadcast_in_dim3A_234 = vector.broadcast %broadcast_in_dim3A_233 : f32 to vector<16xf32>
    %broadcast_in_dim3A_235 = arith.constant 1.000000e+00 : f32
    %broadcast_in_dim3A_236 = vector.broadcast %broadcast_in_dim3A_235 : f32 to vector<16xf32>
    %broadcast_in_dim3A_237 = arith.constant 1.000000e+00 : f32
    %broadcast_in_dim3A_238 = vector.broadcast %broadcast_in_dim3A_237 : f32 to vector<16xf32>
    %broadcast_in_dim3A_239 = arith.constant 1.000000e+00 : f32
    %broadcast_in_dim3A_240 = vector.broadcast %broadcast_in_dim3A_239 : f32 to vector<16xf32>
    %scan3A_241 = arith.constant 0 : i32
    %scan3A_242 = arith.constant 200 : i32
    %scan3A_243 = arith.addi %scan3A_241, %scan3A_242 : i32
    %scan3A_244 = arith.constant 4 : i32
    %scan3A_245:4 = scf.for %scan3A_549 = %scan3A_241 to %scan3A_243 step %scan3A_244 iter_args(%scan3A_550 = %broadcast_in_dim3A_234, %scan3A_551 = %broadcast_in_dim3A_236, %scan3A_552 = %broadcast_in_dim3A_238, %scan3A_553 = %broadcast_in_dim3A_240) -> (vector<16xf32>, vector<16xf32>, vector<16xf32>, vector<16xf32>)  : i32 {
      %add3A_554 = vector.broadcast %scan3A_549 : i32 to vector<16xi32>
      %add3A_555 = arith.addi %add3A_13, %add3A_554 : vector<16xi32>
      %gather3A = tpu.vector_load_idx %arg7[%add3A_555] : memref<12800xi32, #tpu.memory_space<vmem>>[vector<16xi32>], vector<16xi32>,
      %gather3A_556 = tpu.vector_load_idx %arg5[%gather3A] : memref<100352xf32, #tpu.memory_space<vmem>>[vector<16xi32>], vector<16xf32>,
      %mul3A_557 = arith.mulf %scan3A_550, %gather3A_556 : vector<16xf32>
      %add3A_558 = vector.broadcast %scan3A_549 : i32 to vector<16xi32>
      %add3A_559 = arith.addi %add3A_20, %add3A_558 : vector<16xi32>
      %gather3A_560 = tpu.vector_load_idx %arg7[%add3A_559] : memref<12800xi32, #tpu.memory_space<vmem>>[vector<16xi32>], vector<16xi32>,
      %gather3A_561 = tpu.vector_load_idx %arg5[%gather3A_560] : memref<100352xf32, #tpu.memory_space<vmem>>[vector<16xi32>], vector<16xf32>,
      %mul3A_562 = arith.mulf %scan3A_551, %gather3A_561 : vector<16xf32>
      %add3A_563 = vector.broadcast %scan3A_549 : i32 to vector<16xi32>
      %add3A_564 = arith.addi %add3A_27, %add3A_563 : vector<16xi32>
      %gather3A_565 = tpu.vector_load_idx %arg7[%add3A_564] : memref<12800xi32, #tpu.memory_space<vmem>>[vector<16xi32>], vector<16xi32>,
      %gather3A_566 = tpu.vector_load_idx %arg5[%gather3A_565] : memref<100352xf32, #tpu.memory_space<vmem>>[vector<16xi32>], vector<16xf32>,
      %mul3A_567 = arith.mulf %scan3A_552, %gather3A_566 : vector<16xf32>
      %add3A_568 = vector.broadcast %scan3A_549 : i32 to vector<16xi32>
      %add3A_569 = arith.addi %add3A_34, %add3A_568 : vector<16xi32>
      %gather3A_570 = tpu.vector_load_idx %arg7[%add3A_569] : memref<12800xi32, #tpu.memory_space<vmem>>[vector<16xi32>], vector<16xi32>,
      %gather3A_571 = tpu.vector_load_idx %arg5[%gather3A_570] : memref<100352xf32, #tpu.memory_space<vmem>>[vector<16xi32>], vector<16xf32>,
      %mul3A_572 = arith.mulf %scan3A_553, %gather3A_571 : vector<16xf32>
      %scan3A_573 = arith.constant 1 : i32
      %scan3A_574 = arith.addi %scan3A_549, %scan3A_573 : i32
      %add3A_575 = vector.broadcast %scan3A_574 : i32 to vector<16xi32>
      %add3A_576 = arith.addi %add3A_13, %add3A_575 : vector<16xi32>
      %gather3A_577 = tpu.vector_load_idx %arg7[%add3A_576] : memref<12800xi32, #tpu.memory_space<vmem>>[vector<16xi32>], vector<16xi32>,
      %gather3A_578 = tpu.vector_load_idx %arg5[%gather3A_577] : memref<100352xf32, #tpu.memory_space<vmem>>[vector<16xi32>], vector<16xf32>,
      %mul3A_579 = arith.mulf %mul3A_557, %gather3A_578 : vector<16xf32>
      %add3A_580 = vector.broadcast %scan3A_574 : i32 to vector<16xi32>
      %add3A_581 = arith.addi %add3A_20, %add3A_580 : vector<16xi32>
      %gather3A_582 = tpu.vector_load_idx %arg7[%add3A_581] : memref<12800xi32, #tpu.memory_space<vmem>>[vector<16xi32>], vector<16xi32>,
      %gather3A_583 = tpu.vector_load_idx %arg5[%gather3A_582] : memref<100352xf32, #tpu.memory_space<vmem>>[vector<16xi32>], vector<16xf32>,
      %mul3A_584 = arith.mulf %mul3A_562, %gather3A_583 : vector<16xf32>
      %add3A_585 = vector.broadcast %scan3A_574 : i32 to vector<16xi32>
      %add3A_586 = arith.addi %add3A_27, %add3A_585 : vector<16xi32>
      %gather3A_587 = tpu.vector_load_idx %arg7[%add3A_586] : memref<12800xi32, #tpu.memory_space<vmem>>[vector<16xi32>], vector<16xi32>,
      %gather3A_588 = tpu.vector_load_idx %arg5[%gather3A_587] : memref<100352xf32, #tpu.memory_space<vmem>>[vector<16xi32>], vector<16xf32>,
      %mul3A_589 = arith.mulf %mul3A_567, %gather3A_588 : vector<16xf32>
      %add3A_590 = vector.broadcast %scan3A_574 : i32 to vector<16xi32>
      %add3A_591 = arith.addi %add3A_34, %add3A_590 : vector<16xi32>
      %gather3A_592 = tpu.vector_load_idx %arg7[%add3A_591] : memref<12800xi32, #tpu.memory_space<vmem>>[vector<16xi32>], vector<16xi32>,
      %gather3A_593 = tpu.vector_load_idx %arg5[%gather3A_592] : memref<100352xf32, #tpu.memory_space<vmem>>[vector<16xi32>], vector<16xf32>,
      %mul3A_594 = arith.mulf %mul3A_572, %gather3A_593 : vector<16xf32>
      %scan3A_595 = arith.constant 2 : i32
      %scan3A_596 = arith.addi %scan3A_549, %scan3A_595 : i32
      %add3A_597 = vector.broadcast %scan3A_596 : i32 to vector<16xi32>
      %add3A_598 = arith.addi %add3A_13, %add3A_597 : vector<16xi32>
      %gather3A_599 = tpu.vector_load_idx %arg7[%add3A_598] : memref<12800xi32, #tpu.memory_space<vmem>>[vector<16xi32>], vector<16xi32>,
      %gather3A_600 = tpu.vector_load_idx %arg5[%gather3A_599] : memref<100352xf32, #tpu.memory_space<vmem>>[vector<16xi32>], vector<16xf32>,
      %mul3A_601 = arith.mulf %mul3A_579, %gather3A_600 : vector<16xf32>
      %add3A_602 = vector.broadcast %scan3A_596 : i32 to vector<16xi32>
      %add3A_603 = arith.addi %add3A_20, %add3A_602 : vector<16xi32>
      %gather3A_604 = tpu.vector_load_idx %arg7[%add3A_603] : memref<12800xi32, #tpu.memory_space<vmem>>[vector<16xi32>], vector<16xi32>,
      %gather3A_605 = tpu.vector_load_idx %arg5[%gather3A_604] : memref<100352xf32, #tpu.memory_space<vmem>>[vector<16xi32>], vector<16xf32>,
      %mul3A_606 = arith.mulf %mul3A_584, %gather3A_605 : vector<16xf32>
      %add3A_607 = vector.broadcast %scan3A_596 : i32 to vector<16xi32>
      %add3A_608 = arith.addi %add3A_27, %add3A_607 : vector<16xi32>
      %gather3A_609 = tpu.vector_load_idx %arg7[%add3A_608] : memref<12800xi32, #tpu.memory_space<vmem>>[vector<16xi32>], vector<16xi32>,
      %gather3A_610 = tpu.vector_load_idx %arg5[%gather3A_609] : memref<100352xf32, #tpu.memory_space<vmem>>[vector<16xi32>], vector<16xf32>,
      %mul3A_611 = arith.mulf %mul3A_589, %gather3A_610 : vector<16xf32>
      %add3A_612 = vector.broadcast %scan3A_596 : i32 to vector<16xi32>
      %add3A_613 = arith.addi %add3A_34, %add3A_612 : vector<16xi32>
      %gather3A_614 = tpu.vector_load_idx %arg7[%add3A_613] : memref<12800xi32, #tpu.memory_space<vmem>>[vector<16xi32>], vector<16xi32>,
      %gather3A_615 = tpu.vector_load_idx %arg5[%gather3A_614] : memref<100352xf32, #tpu.memory_space<vmem>>[vector<16xi32>], vector<16xf32>,
      %mul3A_616 = arith.mulf %mul3A_594, %gather3A_615 : vector<16xf32>
      %scan3A_617 = arith.constant 3 : i32
      %scan3A_618 = arith.addi %scan3A_549, %scan3A_617 : i32
      %add3A_619 = vector.broadcast %scan3A_618 : i32 to vector<16xi32>
      %add3A_620 = arith.addi %add3A_13, %add3A_619 : vector<16xi32>
      %gather3A_621 = tpu.vector_load_idx %arg7[%add3A_620] : memref<12800xi32, #tpu.memory_space<vmem>>[vector<16xi32>], vector<16xi32>,
      %gather3A_622 = tpu.vector_load_idx %arg5[%gather3A_621] : memref<100352xf32, #tpu.memory_space<vmem>>[vector<16xi32>], vector<16xf32>,
      %mul3A_623 = arith.mulf %mul3A_601, %gather3A_622 : vector<16xf32>
      %add3A_624 = vector.broadcast %scan3A_618 : i32 to vector<16xi32>
      %add3A_625 = arith.addi %add3A_20, %add3A_624 : vector<16xi32>
      %gather3A_626 = tpu.vector_load_idx %arg7[%add3A_625] : memref<12800xi32, #tpu.memory_space<vmem>>[vector<16xi32>], vector<16xi32>,
      %gather3A_627 = tpu.vector_load_idx %arg5[%gather3A_626] : memref<100352xf32, #tpu.memory_space<vmem>>[vector<16xi32>], vector<16xf32>,
      %mul3A_628 = arith.mulf %mul3A_606, %gather3A_627 : vector<16xf32>
      %add3A_629 = vector.broadcast %scan3A_618 : i32 to vector<16xi32>
      %add3A_630 = arith.addi %add3A_27, %add3A_629 : vector<16xi32>
      %gather3A_631 = tpu.vector_load_idx %arg7[%add3A_630] : memref<12800xi32, #tpu.memory_space<vmem>>[vector<16xi32>], vector<16xi32>,
      %gather3A_632 = tpu.vector_load_idx %arg5[%gather3A_631] : memref<100352xf32, #tpu.memory_space<vmem>>[vector<16xi32>], vector<16xf32>,
      %mul3A_633 = arith.mulf %mul3A_611, %gather3A_632 : vector<16xf32>
      %add3A_634 = vector.broadcast %scan3A_618 : i32 to vector<16xi32>
      %add3A_635 = arith.addi %add3A_34, %add3A_634 : vector<16xi32>
      %gather3A_636 = tpu.vector_load_idx %arg7[%add3A_635] : memref<12800xi32, #tpu.memory_space<vmem>>[vector<16xi32>], vector<16xi32>,
      %gather3A_637 = tpu.vector_load_idx %arg5[%gather3A_636] : memref<100352xf32, #tpu.memory_space<vmem>>[vector<16xi32>], vector<16xf32>,
      %mul3A_638 = arith.mulf %mul3A_616, %gather3A_637 : vector<16xf32>
      scf.yield %mul3A_623, %mul3A_628, %mul3A_633, %mul3A_638 : vector<16xf32>, vector<16xf32>, vector<16xf32>, vector<16xf32>
    }
    %scan3A_246 = arith.constant 200 : i32
    %sub3A_247 = arith.constant 1.000000e+00 : f32
    %sub3A_248 = vector.broadcast %sub3A_247 : f32 to vector<16xf32>
    %sub3A_249 = arith.subf %sub3A_248, %scan3A_245#0 : vector<16xf32>
    %jit3A_250 = arith.constant 9.99999974E-5 : f32
    %jit3A_251 = arith.constant 0.999989986 : f32
    %max3A_252 = vector.broadcast %jit3A_250 : f32 to vector<16xf32>
    %max3A_253 = arith.maximumf %max3A_252, %sub3A_249 : vector<16xf32>
    %min3A_254 = vector.broadcast %jit3A_251 : f32 to vector<16xf32>
    %min3A_255 = arith.minimumf %min3A_254, %max3A_253 : vector<16xf32>
    %swap3A_256 = arith.constant 192 : index
    %swap3A_257 = tpu.vector_load %arg8[%swap3A_256] {strides = array<i32>} : memref<512xf32, #tpu.memory_space<vmem>>, vector<16xf32>,
    tpu.vector_store %arg8[%swap3A_256], %min3A_255 {strides = array<i32>} : memref<512xf32, #tpu.memory_space<vmem>>, vector<16xf32>,
    %sub3A_258 = arith.constant 1.000000e+00 : f32
    %sub3A_259 = vector.broadcast %sub3A_258 : f32 to vector<16xf32>
    %sub3A_260 = arith.subf %sub3A_259, %scan3A_245#1 : vector<16xf32>
    %jit3A_261 = arith.constant 9.99999974E-5 : f32
    %jit3A_262 = arith.constant 0.999989986 : f32
    %max3A_263 = vector.broadcast %jit3A_261 : f32 to vector<16xf32>
    %max3A_264 = arith.maximumf %max3A_263, %sub3A_260 : vector<16xf32>
    %min3A_265 = vector.broadcast %jit3A_262 : f32 to vector<16xf32>
    %min3A_266 = arith.minimumf %min3A_265, %max3A_264 : vector<16xf32>
    %swap3A_267 = arith.constant 208 : index
    %swap3A_268 = tpu.vector_load %arg8[%swap3A_267] {strides = array<i32>} : memref<512xf32, #tpu.memory_space<vmem>>, vector<16xf32>,
    tpu.vector_store %arg8[%swap3A_267], %min3A_266 {strides = array<i32>} : memref<512xf32, #tpu.memory_space<vmem>>, vector<16xf32>,
    %sub3A_269 = arith.constant 1.000000e+00 : f32
    %sub3A_270 = vector.broadcast %sub3A_269 : f32 to vector<16xf32>
    %sub3A_271 = arith.subf %sub3A_270, %scan3A_245#2 : vector<16xf32>
    %jit3A_272 = arith.constant 9.99999974E-5 : f32
    %jit3A_273 = arith.constant 0.999989986 : f32
    %max3A_274 = vector.broadcast %jit3A_272 : f32 to vector<16xf32>
    %max3A_275 = arith.maximumf %max3A_274, %sub3A_271 : vector<16xf32>
    %min3A_276 = vector.broadcast %jit3A_273 : f32 to vector<16xf32>
    %min3A_277 = arith.minimumf %min3A_276, %max3A_275 : vector<16xf32>
    %swap3A_278 = arith.constant 224 : index
    %swap3A_279 = tpu.vector_load %arg8[%swap3A_278] {strides = array<i32>} : memref<512xf32, #tpu.memory_space<vmem>>, vector<16xf32>,
    tpu.vector_store %arg8[%swap3A_278], %min3A_277 {strides = array<i32>} : memref<512xf32, #tpu.memory_space<vmem>>, vector<16xf32>,
    %sub3A_280 = arith.constant 1.000000e+00 : f32
    %sub3A_281 = vector.broadcast %sub3A_280 : f32 to vector<16xf32>
    %sub3A_282 = arith.subf %sub3A_281, %scan3A_245#3 : vector<16xf32>
    %jit3A_283 = arith.constant 9.99999974E-5 : f32
    %jit3A_284 = arith.constant 0.999989986 : f32
    %max3A_285 = vector.broadcast %jit3A_283 : f32 to vector<16xf32>
    %max3A_286 = arith.maximumf %max3A_285, %sub3A_282 : vector<16xf32>
    %min3A_287 = vector.broadcast %jit3A_284 : f32 to vector<16xf32>
    %min3A_288 = arith.minimumf %min3A_287, %max3A_286 : vector<16xf32>
    %swap3A_289 = arith.constant 240 : index
    %swap3A_290 = tpu.vector_load %arg8[%swap3A_289] {strides = array<i32>} : memref<512xf32, #tpu.memory_space<vmem>>, vector<16xf32>,
    tpu.vector_store %arg8[%swap3A_289], %min3A_288 {strides = array<i32>} : memref<512xf32, #tpu.memory_space<vmem>>, vector<16xf32>,
    %add3A_291 = arith.constant 320 : i32
    %add3A_292 = arith.addi %mul3A_2, %add3A_291 : i32
    %mul3A_293 = arith.constant 200 : i32
    %mul3A_294 = arith.muli %add3A_292, %mul3A_293 : i32
    %dma_start3A_295 = tpu.memref_slice %arg2[%mul3A_294] : memref<3276800xi32, #tpu.memory_space<hbm>> -> memref<12800xi32, #tpu.memory_space<hbm>>
    %dma_start3A_296 = tpu.memref_slice %arg2[%mul3A_294] : memref<3276800xi32, #tpu.memory_space<hbm>> -> memref<12800xi32, #tpu.memory_space<hbm>>
    tpu.enqueue_dma source(%dma_start3A_296 : memref<12800xi32, #tpu.memory_space<hbm>>) target(%arg7 : memref<12800xi32, #tpu.memory_space<vmem>>) target_semaphore(%arg11 : memref<!tpu.dma_semaphore, #tpu.memory_space<semaphore_mem>>)
    %dma_wait3A_297 = tpu.memref_slice %arg2[%mul3A_228] : memref<3276800xi32, #tpu.memory_space<hbm>> -> memref<12800xi32, #tpu.memory_space<hbm>>
    %dma_wait3A_298 = tpu.memref_slice %arg2[%mul3A_228] : memref<3276800xi32, #tpu.memory_space<hbm>> -> memref<12800xi32, #tpu.memory_space<hbm>>
    tpu.wait_dma2 semaphore(%arg10 : memref<!tpu.dma_semaphore, #tpu.memory_space<semaphore_mem>>) src(%dma_wait3A_298 : memref<12800xi32, #tpu.memory_space<hbm>>) dst(%arg6 : memref<12800xi32, #tpu.memory_space<vmem>>)
    %broadcast_in_dim3A_299 = arith.constant 1.000000e+00 : f32
    %broadcast_in_dim3A_300 = vector.broadcast %broadcast_in_dim3A_299 : f32 to vector<16xf32>
    %broadcast_in_dim3A_301 = arith.constant 1.000000e+00 : f32
    %broadcast_in_dim3A_302 = vector.broadcast %broadcast_in_dim3A_301 : f32 to vector<16xf32>
    %broadcast_in_dim3A_303 = arith.constant 1.000000e+00 : f32
    %broadcast_in_dim3A_304 = vector.broadcast %broadcast_in_dim3A_303 : f32 to vector<16xf32>
    %broadcast_in_dim3A_305 = arith.constant 1.000000e+00 : f32
    %broadcast_in_dim3A_306 = vector.broadcast %broadcast_in_dim3A_305 : f32 to vector<16xf32>
    %scan3A_307 = arith.constant 0 : i32
    %scan3A_308 = arith.constant 200 : i32
    %scan3A_309 = arith.addi %scan3A_307, %scan3A_308 : i32
    %scan3A_310 = arith.constant 4 : i32
    %scan3A_311:4 = scf.for %scan3A_549 = %scan3A_307 to %scan3A_309 step %scan3A_310 iter_args(%scan3A_550 = %broadcast_in_dim3A_300, %scan3A_551 = %broadcast_in_dim3A_302, %scan3A_552 = %broadcast_in_dim3A_304, %scan3A_553 = %broadcast_in_dim3A_306) -> (vector<16xf32>, vector<16xf32>, vector<16xf32>, vector<16xf32>)  : i32 {
      %add3A_554 = vector.broadcast %scan3A_549 : i32 to vector<16xi32>
      %add3A_555 = arith.addi %add3A_13, %add3A_554 : vector<16xi32>
      %gather3A = tpu.vector_load_idx %arg6[%add3A_555] : memref<12800xi32, #tpu.memory_space<vmem>>[vector<16xi32>], vector<16xi32>,
      %gather3A_556 = tpu.vector_load_idx %arg5[%gather3A] : memref<100352xf32, #tpu.memory_space<vmem>>[vector<16xi32>], vector<16xf32>,
      %mul3A_557 = arith.mulf %scan3A_550, %gather3A_556 : vector<16xf32>
      %add3A_558 = vector.broadcast %scan3A_549 : i32 to vector<16xi32>
      %add3A_559 = arith.addi %add3A_20, %add3A_558 : vector<16xi32>
      %gather3A_560 = tpu.vector_load_idx %arg6[%add3A_559] : memref<12800xi32, #tpu.memory_space<vmem>>[vector<16xi32>], vector<16xi32>,
      %gather3A_561 = tpu.vector_load_idx %arg5[%gather3A_560] : memref<100352xf32, #tpu.memory_space<vmem>>[vector<16xi32>], vector<16xf32>,
      %mul3A_562 = arith.mulf %scan3A_551, %gather3A_561 : vector<16xf32>
      %add3A_563 = vector.broadcast %scan3A_549 : i32 to vector<16xi32>
      %add3A_564 = arith.addi %add3A_27, %add3A_563 : vector<16xi32>
      %gather3A_565 = tpu.vector_load_idx %arg6[%add3A_564] : memref<12800xi32, #tpu.memory_space<vmem>>[vector<16xi32>], vector<16xi32>,
      %gather3A_566 = tpu.vector_load_idx %arg5[%gather3A_565] : memref<100352xf32, #tpu.memory_space<vmem>>[vector<16xi32>], vector<16xf32>,
      %mul3A_567 = arith.mulf %scan3A_552, %gather3A_566 : vector<16xf32>
      %add3A_568 = vector.broadcast %scan3A_549 : i32 to vector<16xi32>
      %add3A_569 = arith.addi %add3A_34, %add3A_568 : vector<16xi32>
      %gather3A_570 = tpu.vector_load_idx %arg6[%add3A_569] : memref<12800xi32, #tpu.memory_space<vmem>>[vector<16xi32>], vector<16xi32>,
      %gather3A_571 = tpu.vector_load_idx %arg5[%gather3A_570] : memref<100352xf32, #tpu.memory_space<vmem>>[vector<16xi32>], vector<16xf32>,
      %mul3A_572 = arith.mulf %scan3A_553, %gather3A_571 : vector<16xf32>
      %scan3A_573 = arith.constant 1 : i32
      %scan3A_574 = arith.addi %scan3A_549, %scan3A_573 : i32
      %add3A_575 = vector.broadcast %scan3A_574 : i32 to vector<16xi32>
      %add3A_576 = arith.addi %add3A_13, %add3A_575 : vector<16xi32>
      %gather3A_577 = tpu.vector_load_idx %arg6[%add3A_576] : memref<12800xi32, #tpu.memory_space<vmem>>[vector<16xi32>], vector<16xi32>,
      %gather3A_578 = tpu.vector_load_idx %arg5[%gather3A_577] : memref<100352xf32, #tpu.memory_space<vmem>>[vector<16xi32>], vector<16xf32>,
      %mul3A_579 = arith.mulf %mul3A_557, %gather3A_578 : vector<16xf32>
      %add3A_580 = vector.broadcast %scan3A_574 : i32 to vector<16xi32>
      %add3A_581 = arith.addi %add3A_20, %add3A_580 : vector<16xi32>
      %gather3A_582 = tpu.vector_load_idx %arg6[%add3A_581] : memref<12800xi32, #tpu.memory_space<vmem>>[vector<16xi32>], vector<16xi32>,
      %gather3A_583 = tpu.vector_load_idx %arg5[%gather3A_582] : memref<100352xf32, #tpu.memory_space<vmem>>[vector<16xi32>], vector<16xf32>,
      %mul3A_584 = arith.mulf %mul3A_562, %gather3A_583 : vector<16xf32>
      %add3A_585 = vector.broadcast %scan3A_574 : i32 to vector<16xi32>
      %add3A_586 = arith.addi %add3A_27, %add3A_585 : vector<16xi32>
      %gather3A_587 = tpu.vector_load_idx %arg6[%add3A_586] : memref<12800xi32, #tpu.memory_space<vmem>>[vector<16xi32>], vector<16xi32>,
      %gather3A_588 = tpu.vector_load_idx %arg5[%gather3A_587] : memref<100352xf32, #tpu.memory_space<vmem>>[vector<16xi32>], vector<16xf32>,
      %mul3A_589 = arith.mulf %mul3A_567, %gather3A_588 : vector<16xf32>
      %add3A_590 = vector.broadcast %scan3A_574 : i32 to vector<16xi32>
      %add3A_591 = arith.addi %add3A_34, %add3A_590 : vector<16xi32>
      %gather3A_592 = tpu.vector_load_idx %arg6[%add3A_591] : memref<12800xi32, #tpu.memory_space<vmem>>[vector<16xi32>], vector<16xi32>,
      %gather3A_593 = tpu.vector_load_idx %arg5[%gather3A_592] : memref<100352xf32, #tpu.memory_space<vmem>>[vector<16xi32>], vector<16xf32>,
      %mul3A_594 = arith.mulf %mul3A_572, %gather3A_593 : vector<16xf32>
      %scan3A_595 = arith.constant 2 : i32
      %scan3A_596 = arith.addi %scan3A_549, %scan3A_595 : i32
      %add3A_597 = vector.broadcast %scan3A_596 : i32 to vector<16xi32>
      %add3A_598 = arith.addi %add3A_13, %add3A_597 : vector<16xi32>
      %gather3A_599 = tpu.vector_load_idx %arg6[%add3A_598] : memref<12800xi32, #tpu.memory_space<vmem>>[vector<16xi32>], vector<16xi32>,
      %gather3A_600 = tpu.vector_load_idx %arg5[%gather3A_599] : memref<100352xf32, #tpu.memory_space<vmem>>[vector<16xi32>], vector<16xf32>,
      %mul3A_601 = arith.mulf %mul3A_579, %gather3A_600 : vector<16xf32>
      %add3A_602 = vector.broadcast %scan3A_596 : i32 to vector<16xi32>
      %add3A_603 = arith.addi %add3A_20, %add3A_602 : vector<16xi32>
      %gather3A_604 = tpu.vector_load_idx %arg6[%add3A_603] : memref<12800xi32, #tpu.memory_space<vmem>>[vector<16xi32>], vector<16xi32>,
      %gather3A_605 = tpu.vector_load_idx %arg5[%gather3A_604] : memref<100352xf32, #tpu.memory_space<vmem>>[vector<16xi32>], vector<16xf32>,
      %mul3A_606 = arith.mulf %mul3A_584, %gather3A_605 : vector<16xf32>
      %add3A_607 = vector.broadcast %scan3A_596 : i32 to vector<16xi32>
      %add3A_608 = arith.addi %add3A_27, %add3A_607 : vector<16xi32>
      %gather3A_609 = tpu.vector_load_idx %arg6[%add3A_608] : memref<12800xi32, #tpu.memory_space<vmem>>[vector<16xi32>], vector<16xi32>,
      %gather3A_610 = tpu.vector_load_idx %arg5[%gather3A_609] : memref<100352xf32, #tpu.memory_space<vmem>>[vector<16xi32>], vector<16xf32>,
      %mul3A_611 = arith.mulf %mul3A_589, %gather3A_610 : vector<16xf32>
      %add3A_612 = vector.broadcast %scan3A_596 : i32 to vector<16xi32>
      %add3A_613 = arith.addi %add3A_34, %add3A_612 : vector<16xi32>
      %gather3A_614 = tpu.vector_load_idx %arg6[%add3A_613] : memref<12800xi32, #tpu.memory_space<vmem>>[vector<16xi32>], vector<16xi32>,
      %gather3A_615 = tpu.vector_load_idx %arg5[%gather3A_614] : memref<100352xf32, #tpu.memory_space<vmem>>[vector<16xi32>], vector<16xf32>,
      %mul3A_616 = arith.mulf %mul3A_594, %gather3A_615 : vector<16xf32>
      %scan3A_617 = arith.constant 3 : i32
      %scan3A_618 = arith.addi %scan3A_549, %scan3A_617 : i32
      %add3A_619 = vector.broadcast %scan3A_618 : i32 to vector<16xi32>
      %add3A_620 = arith.addi %add3A_13, %add3A_619 : vector<16xi32>
      %gather3A_621 = tpu.vector_load_idx %arg6[%add3A_620] : memref<12800xi32, #tpu.memory_space<vmem>>[vector<16xi32>], vector<16xi32>,
      %gather3A_622 = tpu.vector_load_idx %arg5[%gather3A_621] : memref<100352xf32, #tpu.memory_space<vmem>>[vector<16xi32>], vector<16xf32>,
      %mul3A_623 = arith.mulf %mul3A_601, %gather3A_622 : vector<16xf32>
      %add3A_624 = vector.broadcast %scan3A_618 : i32 to vector<16xi32>
      %add3A_625 = arith.addi %add3A_20, %add3A_624 : vector<16xi32>
      %gather3A_626 = tpu.vector_load_idx %arg6[%add3A_625] : memref<12800xi32, #tpu.memory_space<vmem>>[vector<16xi32>], vector<16xi32>,
      %gather3A_627 = tpu.vector_load_idx %arg5[%gather3A_626] : memref<100352xf32, #tpu.memory_space<vmem>>[vector<16xi32>], vector<16xf32>,
      %mul3A_628 = arith.mulf %mul3A_606, %gather3A_627 : vector<16xf32>
      %add3A_629 = vector.broadcast %scan3A_618 : i32 to vector<16xi32>
      %add3A_630 = arith.addi %add3A_27, %add3A_629 : vector<16xi32>
      %gather3A_631 = tpu.vector_load_idx %arg6[%add3A_630] : memref<12800xi32, #tpu.memory_space<vmem>>[vector<16xi32>], vector<16xi32>,
      %gather3A_632 = tpu.vector_load_idx %arg5[%gather3A_631] : memref<100352xf32, #tpu.memory_space<vmem>>[vector<16xi32>], vector<16xf32>,
      %mul3A_633 = arith.mulf %mul3A_611, %gather3A_632 : vector<16xf32>
      %add3A_634 = vector.broadcast %scan3A_618 : i32 to vector<16xi32>
      %add3A_635 = arith.addi %add3A_34, %add3A_634 : vector<16xi32>
      %gather3A_636 = tpu.vector_load_idx %arg6[%add3A_635] : memref<12800xi32, #tpu.memory_space<vmem>>[vector<16xi32>], vector<16xi32>,
      %gather3A_637 = tpu.vector_load_idx %arg5[%gather3A_636] : memref<100352xf32, #tpu.memory_space<vmem>>[vector<16xi32>], vector<16xf32>,
      %mul3A_638 = arith.mulf %mul3A_616, %gather3A_637 : vector<16xf32>
      scf.yield %mul3A_623, %mul3A_628, %mul3A_633, %mul3A_638 : vector<16xf32>, vector<16xf32>, vector<16xf32>, vector<16xf32>
    }
    %scan3A_312 = arith.constant 200 : i32
    %sub3A_313 = arith.constant 1.000000e+00 : f32
    %sub3A_314 = vector.broadcast %sub3A_313 : f32 to vector<16xf32>
    %sub3A_315 = arith.subf %sub3A_314, %scan3A_311#0 : vector<16xf32>
    %jit3A_316 = arith.constant 9.99999974E-5 : f32
    %jit3A_317 = arith.constant 0.999989986 : f32
    %max3A_318 = vector.broadcast %jit3A_316 : f32 to vector<16xf32>
    %max3A_319 = arith.maximumf %max3A_318, %sub3A_315 : vector<16xf32>
    %min3A_320 = vector.broadcast %jit3A_317 : f32 to vector<16xf32>
    %min3A_321 = arith.minimumf %min3A_320, %max3A_319 : vector<16xf32>
    %swap3A_322 = arith.constant 256 : index
    %swap3A_323 = tpu.vector_load %arg8[%swap3A_322] {strides = array<i32>} : memref<512xf32, #tpu.memory_space<vmem>>, vector<16xf32>,
    tpu.vector_store %arg8[%swap3A_322], %min3A_321 {strides = array<i32>} : memref<512xf32, #tpu.memory_space<vmem>>, vector<16xf32>,
    %sub3A_324 = arith.constant 1.000000e+00 : f32
    %sub3A_325 = vector.broadcast %sub3A_324 : f32 to vector<16xf32>
    %sub3A_326 = arith.subf %sub3A_325, %scan3A_311#1 : vector<16xf32>
    %jit3A_327 = arith.constant 9.99999974E-5 : f32
    %jit3A_328 = arith.constant 0.999989986 : f32
    %max3A_329 = vector.broadcast %jit3A_327 : f32 to vector<16xf32>
    %max3A_330 = arith.maximumf %max3A_329, %sub3A_326 : vector<16xf32>
    %min3A_331 = vector.broadcast %jit3A_328 : f32 to vector<16xf32>
    %min3A_332 = arith.minimumf %min3A_331, %max3A_330 : vector<16xf32>
    %swap3A_333 = arith.constant 272 : index
    %swap3A_334 = tpu.vector_load %arg8[%swap3A_333] {strides = array<i32>} : memref<512xf32, #tpu.memory_space<vmem>>, vector<16xf32>,
    tpu.vector_store %arg8[%swap3A_333], %min3A_332 {strides = array<i32>} : memref<512xf32, #tpu.memory_space<vmem>>, vector<16xf32>,
    %sub3A_335 = arith.constant 1.000000e+00 : f32
    %sub3A_336 = vector.broadcast %sub3A_335 : f32 to vector<16xf32>
    %sub3A_337 = arith.subf %sub3A_336, %scan3A_311#2 : vector<16xf32>
    %jit3A_338 = arith.constant 9.99999974E-5 : f32
    %jit3A_339 = arith.constant 0.999989986 : f32
    %max3A_340 = vector.broadcast %jit3A_338 : f32 to vector<16xf32>
    %max3A_341 = arith.maximumf %max3A_340, %sub3A_337 : vector<16xf32>
    %min3A_342 = vector.broadcast %jit3A_339 : f32 to vector<16xf32>
    %min3A_343 = arith.minimumf %min3A_342, %max3A_341 : vector<16xf32>
    %swap3A_344 = arith.constant 288 : index
    %swap3A_345 = tpu.vector_load %arg8[%swap3A_344] {strides = array<i32>} : memref<512xf32, #tpu.memory_space<vmem>>, vector<16xf32>,
    tpu.vector_store %arg8[%swap3A_344], %min3A_343 {strides = array<i32>} : memref<512xf32, #tpu.memory_space<vmem>>, vector<16xf32>,
    %sub3A_346 = arith.constant 1.000000e+00 : f32
    %sub3A_347 = vector.broadcast %sub3A_346 : f32 to vector<16xf32>
    %sub3A_348 = arith.subf %sub3A_347, %scan3A_311#3 : vector<16xf32>
    %jit3A_349 = arith.constant 9.99999974E-5 : f32
    %jit3A_350 = arith.constant 0.999989986 : f32
    %max3A_351 = vector.broadcast %jit3A_349 : f32 to vector<16xf32>
    %max3A_352 = arith.maximumf %max3A_351, %sub3A_348 : vector<16xf32>
    %min3A_353 = vector.broadcast %jit3A_350 : f32 to vector<16xf32>
    %min3A_354 = arith.minimumf %min3A_353, %max3A_352 : vector<16xf32>
    %swap3A_355 = arith.constant 304 : index
    %swap3A_356 = tpu.vector_load %arg8[%swap3A_355] {strides = array<i32>} : memref<512xf32, #tpu.memory_space<vmem>>, vector<16xf32>,
    tpu.vector_store %arg8[%swap3A_355], %min3A_354 {strides = array<i32>} : memref<512xf32, #tpu.memory_space<vmem>>, vector<16xf32>,
    %add3A_357 = arith.constant 384 : i32
    %add3A_358 = arith.addi %mul3A_2, %add3A_357 : i32
    %mul3A_359 = arith.constant 200 : i32
    %mul3A_360 = arith.muli %add3A_358, %mul3A_359 : i32
    %dma_start3A_361 = tpu.memref_slice %arg2[%mul3A_360] : memref<3276800xi32, #tpu.memory_space<hbm>> -> memref<12800xi32, #tpu.memory_space<hbm>>
    %dma_start3A_362 = tpu.memref_slice %arg2[%mul3A_360] : memref<3276800xi32, #tpu.memory_space<hbm>> -> memref<12800xi32, #tpu.memory_space<hbm>>
    tpu.enqueue_dma source(%dma_start3A_362 : memref<12800xi32, #tpu.memory_space<hbm>>) target(%arg6 : memref<12800xi32, #tpu.memory_space<vmem>>) target_semaphore(%arg10 : memref<!tpu.dma_semaphore, #tpu.memory_space<semaphore_mem>>)
    %dma_wait3A_363 = tpu.memref_slice %arg2[%mul3A_294] : memref<3276800xi32, #tpu.memory_space<hbm>> -> memref<12800xi32, #tpu.memory_space<hbm>>
    %dma_wait3A_364 = tpu.memref_slice %arg2[%mul3A_294] : memref<3276800xi32, #tpu.memory_space<hbm>> -> memref<12800xi32, #tpu.memory_space<hbm>>
    tpu.wait_dma2 semaphore(%arg11 : memref<!tpu.dma_semaphore, #tpu.memory_space<semaphore_mem>>) src(%dma_wait3A_364 : memref<12800xi32, #tpu.memory_space<hbm>>) dst(%arg7 : memref<12800xi32, #tpu.memory_space<vmem>>)
    %broadcast_in_dim3A_365 = arith.constant 1.000000e+00 : f32
    %broadcast_in_dim3A_366 = vector.broadcast %broadcast_in_dim3A_365 : f32 to vector<16xf32>
    %broadcast_in_dim3A_367 = arith.constant 1.000000e+00 : f32
    %broadcast_in_dim3A_368 = vector.broadcast %broadcast_in_dim3A_367 : f32 to vector<16xf32>
    %broadcast_in_dim3A_369 = arith.constant 1.000000e+00 : f32
    %broadcast_in_dim3A_370 = vector.broadcast %broadcast_in_dim3A_369 : f32 to vector<16xf32>
    %broadcast_in_dim3A_371 = arith.constant 1.000000e+00 : f32
    %broadcast_in_dim3A_372 = vector.broadcast %broadcast_in_dim3A_371 : f32 to vector<16xf32>
    %scan3A_373 = arith.constant 0 : i32
    %scan3A_374 = arith.constant 200 : i32
    %scan3A_375 = arith.addi %scan3A_373, %scan3A_374 : i32
    %scan3A_376 = arith.constant 4 : i32
    %scan3A_377:4 = scf.for %scan3A_549 = %scan3A_373 to %scan3A_375 step %scan3A_376 iter_args(%scan3A_550 = %broadcast_in_dim3A_366, %scan3A_551 = %broadcast_in_dim3A_368, %scan3A_552 = %broadcast_in_dim3A_370, %scan3A_553 = %broadcast_in_dim3A_372) -> (vector<16xf32>, vector<16xf32>, vector<16xf32>, vector<16xf32>)  : i32 {
      %add3A_554 = vector.broadcast %scan3A_549 : i32 to vector<16xi32>
      %add3A_555 = arith.addi %add3A_13, %add3A_554 : vector<16xi32>
      %gather3A = tpu.vector_load_idx %arg7[%add3A_555] : memref<12800xi32, #tpu.memory_space<vmem>>[vector<16xi32>], vector<16xi32>,
      %gather3A_556 = tpu.vector_load_idx %arg5[%gather3A] : memref<100352xf32, #tpu.memory_space<vmem>>[vector<16xi32>], vector<16xf32>,
      %mul3A_557 = arith.mulf %scan3A_550, %gather3A_556 : vector<16xf32>
      %add3A_558 = vector.broadcast %scan3A_549 : i32 to vector<16xi32>
      %add3A_559 = arith.addi %add3A_20, %add3A_558 : vector<16xi32>
      %gather3A_560 = tpu.vector_load_idx %arg7[%add3A_559] : memref<12800xi32, #tpu.memory_space<vmem>>[vector<16xi32>], vector<16xi32>,
      %gather3A_561 = tpu.vector_load_idx %arg5[%gather3A_560] : memref<100352xf32, #tpu.memory_space<vmem>>[vector<16xi32>], vector<16xf32>,
      %mul3A_562 = arith.mulf %scan3A_551, %gather3A_561 : vector<16xf32>
      %add3A_563 = vector.broadcast %scan3A_549 : i32 to vector<16xi32>
      %add3A_564 = arith.addi %add3A_27, %add3A_563 : vector<16xi32>
      %gather3A_565 = tpu.vector_load_idx %arg7[%add3A_564] : memref<12800xi32, #tpu.memory_space<vmem>>[vector<16xi32>], vector<16xi32>,
      %gather3A_566 = tpu.vector_load_idx %arg5[%gather3A_565] : memref<100352xf32, #tpu.memory_space<vmem>>[vector<16xi32>], vector<16xf32>,
      %mul3A_567 = arith.mulf %scan3A_552, %gather3A_566 : vector<16xf32>
      %add3A_568 = vector.broadcast %scan3A_549 : i32 to vector<16xi32>
      %add3A_569 = arith.addi %add3A_34, %add3A_568 : vector<16xi32>
      %gather3A_570 = tpu.vector_load_idx %arg7[%add3A_569] : memref<12800xi32, #tpu.memory_space<vmem>>[vector<16xi32>], vector<16xi32>,
      %gather3A_571 = tpu.vector_load_idx %arg5[%gather3A_570] : memref<100352xf32, #tpu.memory_space<vmem>>[vector<16xi32>], vector<16xf32>,
      %mul3A_572 = arith.mulf %scan3A_553, %gather3A_571 : vector<16xf32>
      %scan3A_573 = arith.constant 1 : i32
      %scan3A_574 = arith.addi %scan3A_549, %scan3A_573 : i32
      %add3A_575 = vector.broadcast %scan3A_574 : i32 to vector<16xi32>
      %add3A_576 = arith.addi %add3A_13, %add3A_575 : vector<16xi32>
      %gather3A_577 = tpu.vector_load_idx %arg7[%add3A_576] : memref<12800xi32, #tpu.memory_space<vmem>>[vector<16xi32>], vector<16xi32>,
      %gather3A_578 = tpu.vector_load_idx %arg5[%gather3A_577] : memref<100352xf32, #tpu.memory_space<vmem>>[vector<16xi32>], vector<16xf32>,
      %mul3A_579 = arith.mulf %mul3A_557, %gather3A_578 : vector<16xf32>
      %add3A_580 = vector.broadcast %scan3A_574 : i32 to vector<16xi32>
      %add3A_581 = arith.addi %add3A_20, %add3A_580 : vector<16xi32>
      %gather3A_582 = tpu.vector_load_idx %arg7[%add3A_581] : memref<12800xi32, #tpu.memory_space<vmem>>[vector<16xi32>], vector<16xi32>,
      %gather3A_583 = tpu.vector_load_idx %arg5[%gather3A_582] : memref<100352xf32, #tpu.memory_space<vmem>>[vector<16xi32>], vector<16xf32>,
      %mul3A_584 = arith.mulf %mul3A_562, %gather3A_583 : vector<16xf32>
      %add3A_585 = vector.broadcast %scan3A_574 : i32 to vector<16xi32>
      %add3A_586 = arith.addi %add3A_27, %add3A_585 : vector<16xi32>
      %gather3A_587 = tpu.vector_load_idx %arg7[%add3A_586] : memref<12800xi32, #tpu.memory_space<vmem>>[vector<16xi32>], vector<16xi32>,
      %gather3A_588 = tpu.vector_load_idx %arg5[%gather3A_587] : memref<100352xf32, #tpu.memory_space<vmem>>[vector<16xi32>], vector<16xf32>,
      %mul3A_589 = arith.mulf %mul3A_567, %gather3A_588 : vector<16xf32>
      %add3A_590 = vector.broadcast %scan3A_574 : i32 to vector<16xi32>
      %add3A_591 = arith.addi %add3A_34, %add3A_590 : vector<16xi32>
      %gather3A_592 = tpu.vector_load_idx %arg7[%add3A_591] : memref<12800xi32, #tpu.memory_space<vmem>>[vector<16xi32>], vector<16xi32>,
      %gather3A_593 = tpu.vector_load_idx %arg5[%gather3A_592] : memref<100352xf32, #tpu.memory_space<vmem>>[vector<16xi32>], vector<16xf32>,
      %mul3A_594 = arith.mulf %mul3A_572, %gather3A_593 : vector<16xf32>
      %scan3A_595 = arith.constant 2 : i32
      %scan3A_596 = arith.addi %scan3A_549, %scan3A_595 : i32
      %add3A_597 = vector.broadcast %scan3A_596 : i32 to vector<16xi32>
      %add3A_598 = arith.addi %add3A_13, %add3A_597 : vector<16xi32>
      %gather3A_599 = tpu.vector_load_idx %arg7[%add3A_598] : memref<12800xi32, #tpu.memory_space<vmem>>[vector<16xi32>], vector<16xi32>,
      %gather3A_600 = tpu.vector_load_idx %arg5[%gather3A_599] : memref<100352xf32, #tpu.memory_space<vmem>>[vector<16xi32>], vector<16xf32>,
      %mul3A_601 = arith.mulf %mul3A_579, %gather3A_600 : vector<16xf32>
      %add3A_602 = vector.broadcast %scan3A_596 : i32 to vector<16xi32>
      %add3A_603 = arith.addi %add3A_20, %add3A_602 : vector<16xi32>
      %gather3A_604 = tpu.vector_load_idx %arg7[%add3A_603] : memref<12800xi32, #tpu.memory_space<vmem>>[vector<16xi32>], vector<16xi32>,
      %gather3A_605 = tpu.vector_load_idx %arg5[%gather3A_604] : memref<100352xf32, #tpu.memory_space<vmem>>[vector<16xi32>], vector<16xf32>,
      %mul3A_606 = arith.mulf %mul3A_584, %gather3A_605 : vector<16xf32>
      %add3A_607 = vector.broadcast %scan3A_596 : i32 to vector<16xi32>
      %add3A_608 = arith.addi %add3A_27, %add3A_607 : vector<16xi32>
      %gather3A_609 = tpu.vector_load_idx %arg7[%add3A_608] : memref<12800xi32, #tpu.memory_space<vmem>>[vector<16xi32>], vector<16xi32>,
      %gather3A_610 = tpu.vector_load_idx %arg5[%gather3A_609] : memref<100352xf32, #tpu.memory_space<vmem>>[vector<16xi32>], vector<16xf32>,
      %mul3A_611 = arith.mulf %mul3A_589, %gather3A_610 : vector<16xf32>
      %add3A_612 = vector.broadcast %scan3A_596 : i32 to vector<16xi32>
      %add3A_613 = arith.addi %add3A_34, %add3A_612 : vector<16xi32>
      %gather3A_614 = tpu.vector_load_idx %arg7[%add3A_613] : memref<12800xi32, #tpu.memory_space<vmem>>[vector<16xi32>], vector<16xi32>,
      %gather3A_615 = tpu.vector_load_idx %arg5[%gather3A_614] : memref<100352xf32, #tpu.memory_space<vmem>>[vector<16xi32>], vector<16xf32>,
      %mul3A_616 = arith.mulf %mul3A_594, %gather3A_615 : vector<16xf32>
      %scan3A_617 = arith.constant 3 : i32
      %scan3A_618 = arith.addi %scan3A_549, %scan3A_617 : i32
      %add3A_619 = vector.broadcast %scan3A_618 : i32 to vector<16xi32>
      %add3A_620 = arith.addi %add3A_13, %add3A_619 : vector<16xi32>
      %gather3A_621 = tpu.vector_load_idx %arg7[%add3A_620] : memref<12800xi32, #tpu.memory_space<vmem>>[vector<16xi32>], vector<16xi32>,
      %gather3A_622 = tpu.vector_load_idx %arg5[%gather3A_621] : memref<100352xf32, #tpu.memory_space<vmem>>[vector<16xi32>], vector<16xf32>,
      %mul3A_623 = arith.mulf %mul3A_601, %gather3A_622 : vector<16xf32>
      %add3A_624 = vector.broadcast %scan3A_618 : i32 to vector<16xi32>
      %add3A_625 = arith.addi %add3A_20, %add3A_624 : vector<16xi32>
      %gather3A_626 = tpu.vector_load_idx %arg7[%add3A_625] : memref<12800xi32, #tpu.memory_space<vmem>>[vector<16xi32>], vector<16xi32>,
      %gather3A_627 = tpu.vector_load_idx %arg5[%gather3A_626] : memref<100352xf32, #tpu.memory_space<vmem>>[vector<16xi32>], vector<16xf32>,
      %mul3A_628 = arith.mulf %mul3A_606, %gather3A_627 : vector<16xf32>
      %add3A_629 = vector.broadcast %scan3A_618 : i32 to vector<16xi32>
      %add3A_630 = arith.addi %add3A_27, %add3A_629 : vector<16xi32>
      %gather3A_631 = tpu.vector_load_idx %arg7[%add3A_630] : memref<12800xi32, #tpu.memory_space<vmem>>[vector<16xi32>], vector<16xi32>,
      %gather3A_632 = tpu.vector_load_idx %arg5[%gather3A_631] : memref<100352xf32, #tpu.memory_space<vmem>>[vector<16xi32>], vector<16xf32>,
      %mul3A_633 = arith.mulf %mul3A_611, %gather3A_632 : vector<16xf32>
      %add3A_634 = vector.broadcast %scan3A_618 : i32 to vector<16xi32>
      %add3A_635 = arith.addi %add3A_34, %add3A_634 : vector<16xi32>
      %gather3A_636 = tpu.vector_load_idx %arg7[%add3A_635] : memref<12800xi32, #tpu.memory_space<vmem>>[vector<16xi32>], vector<16xi32>,
      %gather3A_637 = tpu.vector_load_idx %arg5[%gather3A_636] : memref<100352xf32, #tpu.memory_space<vmem>>[vector<16xi32>], vector<16xf32>,
      %mul3A_638 = arith.mulf %mul3A_616, %gather3A_637 : vector<16xf32>
      scf.yield %mul3A_623, %mul3A_628, %mul3A_633, %mul3A_638 : vector<16xf32>, vector<16xf32>, vector<16xf32>, vector<16xf32>
    }
    %scan3A_378 = arith.constant 200 : i32
    %sub3A_379 = arith.constant 1.000000e+00 : f32
    %sub3A_380 = vector.broadcast %sub3A_379 : f32 to vector<16xf32>
    %sub3A_381 = arith.subf %sub3A_380, %scan3A_377#0 : vector<16xf32>
    %jit3A_382 = arith.constant 9.99999974E-5 : f32
    %jit3A_383 = arith.constant 0.999989986 : f32
    %max3A_384 = vector.broadcast %jit3A_382 : f32 to vector<16xf32>
    %max3A_385 = arith.maximumf %max3A_384, %sub3A_381 : vector<16xf32>
    %min3A_386 = vector.broadcast %jit3A_383 : f32 to vector<16xf32>
    %min3A_387 = arith.minimumf %min3A_386, %max3A_385 : vector<16xf32>
    %swap3A_388 = arith.constant 320 : index
    %swap3A_389 = tpu.vector_load %arg8[%swap3A_388] {strides = array<i32>} : memref<512xf32, #tpu.memory_space<vmem>>, vector<16xf32>,
    tpu.vector_store %arg8[%swap3A_388], %min3A_387 {strides = array<i32>} : memref<512xf32, #tpu.memory_space<vmem>>, vector<16xf32>,
    %sub3A_390 = arith.constant 1.000000e+00 : f32
    %sub3A_391 = vector.broadcast %sub3A_390 : f32 to vector<16xf32>
    %sub3A_392 = arith.subf %sub3A_391, %scan3A_377#1 : vector<16xf32>
    %jit3A_393 = arith.constant 9.99999974E-5 : f32
    %jit3A_394 = arith.constant 0.999989986 : f32
    %max3A_395 = vector.broadcast %jit3A_393 : f32 to vector<16xf32>
    %max3A_396 = arith.maximumf %max3A_395, %sub3A_392 : vector<16xf32>
    %min3A_397 = vector.broadcast %jit3A_394 : f32 to vector<16xf32>
    %min3A_398 = arith.minimumf %min3A_397, %max3A_396 : vector<16xf32>
    %swap3A_399 = arith.constant 336 : index
    %swap3A_400 = tpu.vector_load %arg8[%swap3A_399] {strides = array<i32>} : memref<512xf32, #tpu.memory_space<vmem>>, vector<16xf32>,
    tpu.vector_store %arg8[%swap3A_399], %min3A_398 {strides = array<i32>} : memref<512xf32, #tpu.memory_space<vmem>>, vector<16xf32>,
    %sub3A_401 = arith.constant 1.000000e+00 : f32
    %sub3A_402 = vector.broadcast %sub3A_401 : f32 to vector<16xf32>
    %sub3A_403 = arith.subf %sub3A_402, %scan3A_377#2 : vector<16xf32>
    %jit3A_404 = arith.constant 9.99999974E-5 : f32
    %jit3A_405 = arith.constant 0.999989986 : f32
    %max3A_406 = vector.broadcast %jit3A_404 : f32 to vector<16xf32>
    %max3A_407 = arith.maximumf %max3A_406, %sub3A_403 : vector<16xf32>
    %min3A_408 = vector.broadcast %jit3A_405 : f32 to vector<16xf32>
    %min3A_409 = arith.minimumf %min3A_408, %max3A_407 : vector<16xf32>
    %swap3A_410 = arith.constant 352 : index
    %swap3A_411 = tpu.vector_load %arg8[%swap3A_410] {strides = array<i32>} : memref<512xf32, #tpu.memory_space<vmem>>, vector<16xf32>,
    tpu.vector_store %arg8[%swap3A_410], %min3A_409 {strides = array<i32>} : memref<512xf32, #tpu.memory_space<vmem>>, vector<16xf32>,
    %sub3A_412 = arith.constant 1.000000e+00 : f32
    %sub3A_413 = vector.broadcast %sub3A_412 : f32 to vector<16xf32>
    %sub3A_414 = arith.subf %sub3A_413, %scan3A_377#3 : vector<16xf32>
    %jit3A_415 = arith.constant 9.99999974E-5 : f32
    %jit3A_416 = arith.constant 0.999989986 : f32
    %max3A_417 = vector.broadcast %jit3A_415 : f32 to vector<16xf32>
    %max3A_418 = arith.maximumf %max3A_417, %sub3A_414 : vector<16xf32>
    %min3A_419 = vector.broadcast %jit3A_416 : f32 to vector<16xf32>
    %min3A_420 = arith.minimumf %min3A_419, %max3A_418 : vector<16xf32>
    %swap3A_421 = arith.constant 368 : index
    %swap3A_422 = tpu.vector_load %arg8[%swap3A_421] {strides = array<i32>} : memref<512xf32, #tpu.memory_space<vmem>>, vector<16xf32>,
    tpu.vector_store %arg8[%swap3A_421], %min3A_420 {strides = array<i32>} : memref<512xf32, #tpu.memory_space<vmem>>, vector<16xf32>,
    %add3A_423 = arith.constant 448 : i32
    %add3A_424 = arith.addi %mul3A_2, %add3A_423 : i32
    %mul3A_425 = arith.constant 200 : i32
    %mul3A_426 = arith.muli %add3A_424, %mul3A_425 : i32
    %dma_start3A_427 = tpu.memref_slice %arg2[%mul3A_426] : memref<3276800xi32, #tpu.memory_space<hbm>> -> memref<12800xi32, #tpu.memory_space<hbm>>
    %dma_start3A_428 = tpu.memref_slice %arg2[%mul3A_426] : memref<3276800xi32, #tpu.memory_space<hbm>> -> memref<12800xi32, #tpu.memory_space<hbm>>
    tpu.enqueue_dma source(%dma_start3A_428 : memref<12800xi32, #tpu.memory_space<hbm>>) target(%arg7 : memref<12800xi32, #tpu.memory_space<vmem>>) target_semaphore(%arg11 : memref<!tpu.dma_semaphore, #tpu.memory_space<semaphore_mem>>)
    %dma_wait3A_429 = tpu.memref_slice %arg2[%mul3A_360] : memref<3276800xi32, #tpu.memory_space<hbm>> -> memref<12800xi32, #tpu.memory_space<hbm>>
    %dma_wait3A_430 = tpu.memref_slice %arg2[%mul3A_360] : memref<3276800xi32, #tpu.memory_space<hbm>> -> memref<12800xi32, #tpu.memory_space<hbm>>
    tpu.wait_dma2 semaphore(%arg10 : memref<!tpu.dma_semaphore, #tpu.memory_space<semaphore_mem>>) src(%dma_wait3A_430 : memref<12800xi32, #tpu.memory_space<hbm>>) dst(%arg6 : memref<12800xi32, #tpu.memory_space<vmem>>)
    %broadcast_in_dim3A_431 = arith.constant 1.000000e+00 : f32
    %broadcast_in_dim3A_432 = vector.broadcast %broadcast_in_dim3A_431 : f32 to vector<16xf32>
    %broadcast_in_dim3A_433 = arith.constant 1.000000e+00 : f32
    %broadcast_in_dim3A_434 = vector.broadcast %broadcast_in_dim3A_433 : f32 to vector<16xf32>
    %broadcast_in_dim3A_435 = arith.constant 1.000000e+00 : f32
    %broadcast_in_dim3A_436 = vector.broadcast %broadcast_in_dim3A_435 : f32 to vector<16xf32>
    %broadcast_in_dim3A_437 = arith.constant 1.000000e+00 : f32
    %broadcast_in_dim3A_438 = vector.broadcast %broadcast_in_dim3A_437 : f32 to vector<16xf32>
    %scan3A_439 = arith.constant 0 : i32
    %scan3A_440 = arith.constant 200 : i32
    %scan3A_441 = arith.addi %scan3A_439, %scan3A_440 : i32
    %scan3A_442 = arith.constant 4 : i32
    %scan3A_443:4 = scf.for %scan3A_549 = %scan3A_439 to %scan3A_441 step %scan3A_442 iter_args(%scan3A_550 = %broadcast_in_dim3A_432, %scan3A_551 = %broadcast_in_dim3A_434, %scan3A_552 = %broadcast_in_dim3A_436, %scan3A_553 = %broadcast_in_dim3A_438) -> (vector<16xf32>, vector<16xf32>, vector<16xf32>, vector<16xf32>)  : i32 {
      %add3A_554 = vector.broadcast %scan3A_549 : i32 to vector<16xi32>
      %add3A_555 = arith.addi %add3A_13, %add3A_554 : vector<16xi32>
      %gather3A = tpu.vector_load_idx %arg6[%add3A_555] : memref<12800xi32, #tpu.memory_space<vmem>>[vector<16xi32>], vector<16xi32>,
      %gather3A_556 = tpu.vector_load_idx %arg5[%gather3A] : memref<100352xf32, #tpu.memory_space<vmem>>[vector<16xi32>], vector<16xf32>,
      %mul3A_557 = arith.mulf %scan3A_550, %gather3A_556 : vector<16xf32>
      %add3A_558 = vector.broadcast %scan3A_549 : i32 to vector<16xi32>
      %add3A_559 = arith.addi %add3A_20, %add3A_558 : vector<16xi32>
      %gather3A_560 = tpu.vector_load_idx %arg6[%add3A_559] : memref<12800xi32, #tpu.memory_space<vmem>>[vector<16xi32>], vector<16xi32>,
      %gather3A_561 = tpu.vector_load_idx %arg5[%gather3A_560] : memref<100352xf32, #tpu.memory_space<vmem>>[vector<16xi32>], vector<16xf32>,
      %mul3A_562 = arith.mulf %scan3A_551, %gather3A_561 : vector<16xf32>
      %add3A_563 = vector.broadcast %scan3A_549 : i32 to vector<16xi32>
      %add3A_564 = arith.addi %add3A_27, %add3A_563 : vector<16xi32>
      %gather3A_565 = tpu.vector_load_idx %arg6[%add3A_564] : memref<12800xi32, #tpu.memory_space<vmem>>[vector<16xi32>], vector<16xi32>,
      %gather3A_566 = tpu.vector_load_idx %arg5[%gather3A_565] : memref<100352xf32, #tpu.memory_space<vmem>>[vector<16xi32>], vector<16xf32>,
      %mul3A_567 = arith.mulf %scan3A_552, %gather3A_566 : vector<16xf32>
      %add3A_568 = vector.broadcast %scan3A_549 : i32 to vector<16xi32>
      %add3A_569 = arith.addi %add3A_34, %add3A_568 : vector<16xi32>
      %gather3A_570 = tpu.vector_load_idx %arg6[%add3A_569] : memref<12800xi32, #tpu.memory_space<vmem>>[vector<16xi32>], vector<16xi32>,
      %gather3A_571 = tpu.vector_load_idx %arg5[%gather3A_570] : memref<100352xf32, #tpu.memory_space<vmem>>[vector<16xi32>], vector<16xf32>,
      %mul3A_572 = arith.mulf %scan3A_553, %gather3A_571 : vector<16xf32>
      %scan3A_573 = arith.constant 1 : i32
      %scan3A_574 = arith.addi %scan3A_549, %scan3A_573 : i32
      %add3A_575 = vector.broadcast %scan3A_574 : i32 to vector<16xi32>
      %add3A_576 = arith.addi %add3A_13, %add3A_575 : vector<16xi32>
      %gather3A_577 = tpu.vector_load_idx %arg6[%add3A_576] : memref<12800xi32, #tpu.memory_space<vmem>>[vector<16xi32>], vector<16xi32>,
      %gather3A_578 = tpu.vector_load_idx %arg5[%gather3A_577] : memref<100352xf32, #tpu.memory_space<vmem>>[vector<16xi32>], vector<16xf32>,
      %mul3A_579 = arith.mulf %mul3A_557, %gather3A_578 : vector<16xf32>
      %add3A_580 = vector.broadcast %scan3A_574 : i32 to vector<16xi32>
      %add3A_581 = arith.addi %add3A_20, %add3A_580 : vector<16xi32>
      %gather3A_582 = tpu.vector_load_idx %arg6[%add3A_581] : memref<12800xi32, #tpu.memory_space<vmem>>[vector<16xi32>], vector<16xi32>,
      %gather3A_583 = tpu.vector_load_idx %arg5[%gather3A_582] : memref<100352xf32, #tpu.memory_space<vmem>>[vector<16xi32>], vector<16xf32>,
      %mul3A_584 = arith.mulf %mul3A_562, %gather3A_583 : vector<16xf32>
      %add3A_585 = vector.broadcast %scan3A_574 : i32 to vector<16xi32>
      %add3A_586 = arith.addi %add3A_27, %add3A_585 : vector<16xi32>
      %gather3A_587 = tpu.vector_load_idx %arg6[%add3A_586] : memref<12800xi32, #tpu.memory_space<vmem>>[vector<16xi32>], vector<16xi32>,
      %gather3A_588 = tpu.vector_load_idx %arg5[%gather3A_587] : memref<100352xf32, #tpu.memory_space<vmem>>[vector<16xi32>], vector<16xf32>,
      %mul3A_589 = arith.mulf %mul3A_567, %gather3A_588 : vector<16xf32>
      %add3A_590 = vector.broadcast %scan3A_574 : i32 to vector<16xi32>
      %add3A_591 = arith.addi %add3A_34, %add3A_590 : vector<16xi32>
      %gather3A_592 = tpu.vector_load_idx %arg6[%add3A_591] : memref<12800xi32, #tpu.memory_space<vmem>>[vector<16xi32>], vector<16xi32>,
      %gather3A_593 = tpu.vector_load_idx %arg5[%gather3A_592] : memref<100352xf32, #tpu.memory_space<vmem>>[vector<16xi32>], vector<16xf32>,
      %mul3A_594 = arith.mulf %mul3A_572, %gather3A_593 : vector<16xf32>
      %scan3A_595 = arith.constant 2 : i32
      %scan3A_596 = arith.addi %scan3A_549, %scan3A_595 : i32
      %add3A_597 = vector.broadcast %scan3A_596 : i32 to vector<16xi32>
      %add3A_598 = arith.addi %add3A_13, %add3A_597 : vector<16xi32>
      %gather3A_599 = tpu.vector_load_idx %arg6[%add3A_598] : memref<12800xi32, #tpu.memory_space<vmem>>[vector<16xi32>], vector<16xi32>,
      %gather3A_600 = tpu.vector_load_idx %arg5[%gather3A_599] : memref<100352xf32, #tpu.memory_space<vmem>>[vector<16xi32>], vector<16xf32>,
      %mul3A_601 = arith.mulf %mul3A_579, %gather3A_600 : vector<16xf32>
      %add3A_602 = vector.broadcast %scan3A_596 : i32 to vector<16xi32>
      %add3A_603 = arith.addi %add3A_20, %add3A_602 : vector<16xi32>
      %gather3A_604 = tpu.vector_load_idx %arg6[%add3A_603] : memref<12800xi32, #tpu.memory_space<vmem>>[vector<16xi32>], vector<16xi32>,
      %gather3A_605 = tpu.vector_load_idx %arg5[%gather3A_604] : memref<100352xf32, #tpu.memory_space<vmem>>[vector<16xi32>], vector<16xf32>,
      %mul3A_606 = arith.mulf %mul3A_584, %gather3A_605 : vector<16xf32>
      %add3A_607 = vector.broadcast %scan3A_596 : i32 to vector<16xi32>
      %add3A_608 = arith.addi %add3A_27, %add3A_607 : vector<16xi32>
      %gather3A_609 = tpu.vector_load_idx %arg6[%add3A_608] : memref<12800xi32, #tpu.memory_space<vmem>>[vector<16xi32>], vector<16xi32>,
      %gather3A_610 = tpu.vector_load_idx %arg5[%gather3A_609] : memref<100352xf32, #tpu.memory_space<vmem>>[vector<16xi32>], vector<16xf32>,
      %mul3A_611 = arith.mulf %mul3A_589, %gather3A_610 : vector<16xf32>
      %add3A_612 = vector.broadcast %scan3A_596 : i32 to vector<16xi32>
      %add3A_613 = arith.addi %add3A_34, %add3A_612 : vector<16xi32>
      %gather3A_614 = tpu.vector_load_idx %arg6[%add3A_613] : memref<12800xi32, #tpu.memory_space<vmem>>[vector<16xi32>], vector<16xi32>,
      %gather3A_615 = tpu.vector_load_idx %arg5[%gather3A_614] : memref<100352xf32, #tpu.memory_space<vmem>>[vector<16xi32>], vector<16xf32>,
      %mul3A_616 = arith.mulf %mul3A_594, %gather3A_615 : vector<16xf32>
      %scan3A_617 = arith.constant 3 : i32
      %scan3A_618 = arith.addi %scan3A_549, %scan3A_617 : i32
      %add3A_619 = vector.broadcast %scan3A_618 : i32 to vector<16xi32>
      %add3A_620 = arith.addi %add3A_13, %add3A_619 : vector<16xi32>
      %gather3A_621 = tpu.vector_load_idx %arg6[%add3A_620] : memref<12800xi32, #tpu.memory_space<vmem>>[vector<16xi32>], vector<16xi32>,
      %gather3A_622 = tpu.vector_load_idx %arg5[%gather3A_621] : memref<100352xf32, #tpu.memory_space<vmem>>[vector<16xi32>], vector<16xf32>,
      %mul3A_623 = arith.mulf %mul3A_601, %gather3A_622 : vector<16xf32>
      %add3A_624 = vector.broadcast %scan3A_618 : i32 to vector<16xi32>
      %add3A_625 = arith.addi %add3A_20, %add3A_624 : vector<16xi32>
      %gather3A_626 = tpu.vector_load_idx %arg6[%add3A_625] : memref<12800xi32, #tpu.memory_space<vmem>>[vector<16xi32>], vector<16xi32>,
      %gather3A_627 = tpu.vector_load_idx %arg5[%gather3A_626] : memref<100352xf32, #tpu.memory_space<vmem>>[vector<16xi32>], vector<16xf32>,
      %mul3A_628 = arith.mulf %mul3A_606, %gather3A_627 : vector<16xf32>
      %add3A_629 = vector.broadcast %scan3A_618 : i32 to vector<16xi32>
      %add3A_630 = arith.addi %add3A_27, %add3A_629 : vector<16xi32>
      %gather3A_631 = tpu.vector_load_idx %arg6[%add3A_630] : memref<12800xi32, #tpu.memory_space<vmem>>[vector<16xi32>], vector<16xi32>,
      %gather3A_632 = tpu.vector_load_idx %arg5[%gather3A_631] : memref<100352xf32, #tpu.memory_space<vmem>>[vector<16xi32>], vector<16xf32>,
      %mul3A_633 = arith.mulf %mul3A_611, %gather3A_632 : vector<16xf32>
      %add3A_634 = vector.broadcast %scan3A_618 : i32 to vector<16xi32>
      %add3A_635 = arith.addi %add3A_34, %add3A_634 : vector<16xi32>
      %gather3A_636 = tpu.vector_load_idx %arg6[%add3A_635] : memref<12800xi32, #tpu.memory_space<vmem>>[vector<16xi32>], vector<16xi32>,
      %gather3A_637 = tpu.vector_load_idx %arg5[%gather3A_636] : memref<100352xf32, #tpu.memory_space<vmem>>[vector<16xi32>], vector<16xf32>,
      %mul3A_638 = arith.mulf %mul3A_616, %gather3A_637 : vector<16xf32>
      scf.yield %mul3A_623, %mul3A_628, %mul3A_633, %mul3A_638 : vector<16xf32>, vector<16xf32>, vector<16xf32>, vector<16xf32>
    }
    %scan3A_444 = arith.constant 200 : i32
    %sub3A_445 = arith.constant 1.000000e+00 : f32
    %sub3A_446 = vector.broadcast %sub3A_445 : f32 to vector<16xf32>
    %sub3A_447 = arith.subf %sub3A_446, %scan3A_443#0 : vector<16xf32>
    %jit3A_448 = arith.constant 9.99999974E-5 : f32
    %jit3A_449 = arith.constant 0.999989986 : f32
    %max3A_450 = vector.broadcast %jit3A_448 : f32 to vector<16xf32>
    %max3A_451 = arith.maximumf %max3A_450, %sub3A_447 : vector<16xf32>
    %min3A_452 = vector.broadcast %jit3A_449 : f32 to vector<16xf32>
    %min3A_453 = arith.minimumf %min3A_452, %max3A_451 : vector<16xf32>
    %swap3A_454 = arith.constant 384 : index
    %swap3A_455 = tpu.vector_load %arg8[%swap3A_454] {strides = array<i32>} : memref<512xf32, #tpu.memory_space<vmem>>, vector<16xf32>,
    tpu.vector_store %arg8[%swap3A_454], %min3A_453 {strides = array<i32>} : memref<512xf32, #tpu.memory_space<vmem>>, vector<16xf32>,
    %sub3A_456 = arith.constant 1.000000e+00 : f32
    %sub3A_457 = vector.broadcast %sub3A_456 : f32 to vector<16xf32>
    %sub3A_458 = arith.subf %sub3A_457, %scan3A_443#1 : vector<16xf32>
    %jit3A_459 = arith.constant 9.99999974E-5 : f32
    %jit3A_460 = arith.constant 0.999989986 : f32
    %max3A_461 = vector.broadcast %jit3A_459 : f32 to vector<16xf32>
    %max3A_462 = arith.maximumf %max3A_461, %sub3A_458 : vector<16xf32>
    %min3A_463 = vector.broadcast %jit3A_460 : f32 to vector<16xf32>
    %min3A_464 = arith.minimumf %min3A_463, %max3A_462 : vector<16xf32>
    %swap3A_465 = arith.constant 400 : index
    %swap3A_466 = tpu.vector_load %arg8[%swap3A_465] {strides = array<i32>} : memref<512xf32, #tpu.memory_space<vmem>>, vector<16xf32>,
    tpu.vector_store %arg8[%swap3A_465], %min3A_464 {strides = array<i32>} : memref<512xf32, #tpu.memory_space<vmem>>, vector<16xf32>,
    %sub3A_467 = arith.constant 1.000000e+00 : f32
    %sub3A_468 = vector.broadcast %sub3A_467 : f32 to vector<16xf32>
    %sub3A_469 = arith.subf %sub3A_468, %scan3A_443#2 : vector<16xf32>
    %jit3A_470 = arith.constant 9.99999974E-5 : f32
    %jit3A_471 = arith.constant 0.999989986 : f32
    %max3A_472 = vector.broadcast %jit3A_470 : f32 to vector<16xf32>
    %max3A_473 = arith.maximumf %max3A_472, %sub3A_469 : vector<16xf32>
    %min3A_474 = vector.broadcast %jit3A_471 : f32 to vector<16xf32>
    %min3A_475 = arith.minimumf %min3A_474, %max3A_473 : vector<16xf32>
    %swap3A_476 = arith.constant 416 : index
    %swap3A_477 = tpu.vector_load %arg8[%swap3A_476] {strides = array<i32>} : memref<512xf32, #tpu.memory_space<vmem>>, vector<16xf32>,
    tpu.vector_store %arg8[%swap3A_476], %min3A_475 {strides = array<i32>} : memref<512xf32, #tpu.memory_space<vmem>>, vector<16xf32>,
    %sub3A_478 = arith.constant 1.000000e+00 : f32
    %sub3A_479 = vector.broadcast %sub3A_478 : f32 to vector<16xf32>
    %sub3A_480 = arith.subf %sub3A_479, %scan3A_443#3 : vector<16xf32>
    %jit3A_481 = arith.constant 9.99999974E-5 : f32
    %jit3A_482 = arith.constant 0.999989986 : f32
    %max3A_483 = vector.broadcast %jit3A_481 : f32 to vector<16xf32>
    %max3A_484 = arith.maximumf %max3A_483, %sub3A_480 : vector<16xf32>
    %min3A_485 = vector.broadcast %jit3A_482 : f32 to vector<16xf32>
    %min3A_486 = arith.minimumf %min3A_485, %max3A_484 : vector<16xf32>
    %swap3A_487 = arith.constant 432 : index
    %swap3A_488 = tpu.vector_load %arg8[%swap3A_487] {strides = array<i32>} : memref<512xf32, #tpu.memory_space<vmem>>, vector<16xf32>,
    tpu.vector_store %arg8[%swap3A_487], %min3A_486 {strides = array<i32>} : memref<512xf32, #tpu.memory_space<vmem>>, vector<16xf32>,
    %dma_wait3A_489 = tpu.memref_slice %arg2[%mul3A_426] : memref<3276800xi32, #tpu.memory_space<hbm>> -> memref<12800xi32, #tpu.memory_space<hbm>>
    %dma_wait3A_490 = tpu.memref_slice %arg2[%mul3A_426] : memref<3276800xi32, #tpu.memory_space<hbm>> -> memref<12800xi32, #tpu.memory_space<hbm>>
    tpu.wait_dma2 semaphore(%arg11 : memref<!tpu.dma_semaphore, #tpu.memory_space<semaphore_mem>>) src(%dma_wait3A_490 : memref<12800xi32, #tpu.memory_space<hbm>>) dst(%arg7 : memref<12800xi32, #tpu.memory_space<vmem>>)
    %broadcast_in_dim3A_491 = arith.constant 1.000000e+00 : f32
    %broadcast_in_dim3A_492 = vector.broadcast %broadcast_in_dim3A_491 : f32 to vector<16xf32>
    %broadcast_in_dim3A_493 = arith.constant 1.000000e+00 : f32
    %broadcast_in_dim3A_494 = vector.broadcast %broadcast_in_dim3A_493 : f32 to vector<16xf32>
    %broadcast_in_dim3A_495 = arith.constant 1.000000e+00 : f32
    %broadcast_in_dim3A_496 = vector.broadcast %broadcast_in_dim3A_495 : f32 to vector<16xf32>
    %broadcast_in_dim3A_497 = arith.constant 1.000000e+00 : f32
    %broadcast_in_dim3A_498 = vector.broadcast %broadcast_in_dim3A_497 : f32 to vector<16xf32>
    %scan3A_499 = arith.constant 0 : i32
    %scan3A_500 = arith.constant 200 : i32
    %scan3A_501 = arith.addi %scan3A_499, %scan3A_500 : i32
    %scan3A_502 = arith.constant 4 : i32
    %scan3A_503:4 = scf.for %scan3A_549 = %scan3A_499 to %scan3A_501 step %scan3A_502 iter_args(%scan3A_550 = %broadcast_in_dim3A_492, %scan3A_551 = %broadcast_in_dim3A_494, %scan3A_552 = %broadcast_in_dim3A_496, %scan3A_553 = %broadcast_in_dim3A_498) -> (vector<16xf32>, vector<16xf32>, vector<16xf32>, vector<16xf32>)  : i32 {
      %add3A_554 = vector.broadcast %scan3A_549 : i32 to vector<16xi32>
      %add3A_555 = arith.addi %add3A_13, %add3A_554 : vector<16xi32>
      %gather3A = tpu.vector_load_idx %arg7[%add3A_555] : memref<12800xi32, #tpu.memory_space<vmem>>[vector<16xi32>], vector<16xi32>,
      %gather3A_556 = tpu.vector_load_idx %arg5[%gather3A] : memref<100352xf32, #tpu.memory_space<vmem>>[vector<16xi32>], vector<16xf32>,
      %mul3A_557 = arith.mulf %scan3A_550, %gather3A_556 : vector<16xf32>
      %add3A_558 = vector.broadcast %scan3A_549 : i32 to vector<16xi32>
      %add3A_559 = arith.addi %add3A_20, %add3A_558 : vector<16xi32>
      %gather3A_560 = tpu.vector_load_idx %arg7[%add3A_559] : memref<12800xi32, #tpu.memory_space<vmem>>[vector<16xi32>], vector<16xi32>,
      %gather3A_561 = tpu.vector_load_idx %arg5[%gather3A_560] : memref<100352xf32, #tpu.memory_space<vmem>>[vector<16xi32>], vector<16xf32>,
      %mul3A_562 = arith.mulf %scan3A_551, %gather3A_561 : vector<16xf32>
      %add3A_563 = vector.broadcast %scan3A_549 : i32 to vector<16xi32>
      %add3A_564 = arith.addi %add3A_27, %add3A_563 : vector<16xi32>
      %gather3A_565 = tpu.vector_load_idx %arg7[%add3A_564] : memref<12800xi32, #tpu.memory_space<vmem>>[vector<16xi32>], vector<16xi32>,
      %gather3A_566 = tpu.vector_load_idx %arg5[%gather3A_565] : memref<100352xf32, #tpu.memory_space<vmem>>[vector<16xi32>], vector<16xf32>,
      %mul3A_567 = arith.mulf %scan3A_552, %gather3A_566 : vector<16xf32>
      %add3A_568 = vector.broadcast %scan3A_549 : i32 to vector<16xi32>
      %add3A_569 = arith.addi %add3A_34, %add3A_568 : vector<16xi32>
      %gather3A_570 = tpu.vector_load_idx %arg7[%add3A_569] : memref<12800xi32, #tpu.memory_space<vmem>>[vector<16xi32>], vector<16xi32>,
      %gather3A_571 = tpu.vector_load_idx %arg5[%gather3A_570] : memref<100352xf32, #tpu.memory_space<vmem>>[vector<16xi32>], vector<16xf32>,
      %mul3A_572 = arith.mulf %scan3A_553, %gather3A_571 : vector<16xf32>
      %scan3A_573 = arith.constant 1 : i32
      %scan3A_574 = arith.addi %scan3A_549, %scan3A_573 : i32
      %add3A_575 = vector.broadcast %scan3A_574 : i32 to vector<16xi32>
      %add3A_576 = arith.addi %add3A_13, %add3A_575 : vector<16xi32>
      %gather3A_577 = tpu.vector_load_idx %arg7[%add3A_576] : memref<12800xi32, #tpu.memory_space<vmem>>[vector<16xi32>], vector<16xi32>,
      %gather3A_578 = tpu.vector_load_idx %arg5[%gather3A_577] : memref<100352xf32, #tpu.memory_space<vmem>>[vector<16xi32>], vector<16xf32>,
      %mul3A_579 = arith.mulf %mul3A_557, %gather3A_578 : vector<16xf32>
      %add3A_580 = vector.broadcast %scan3A_574 : i32 to vector<16xi32>
      %add3A_581 = arith.addi %add3A_20, %add3A_580 : vector<16xi32>
      %gather3A_582 = tpu.vector_load_idx %arg7[%add3A_581] : memref<12800xi32, #tpu.memory_space<vmem>>[vector<16xi32>], vector<16xi32>,
      %gather3A_583 = tpu.vector_load_idx %arg5[%gather3A_582] : memref<100352xf32, #tpu.memory_space<vmem>>[vector<16xi32>], vector<16xf32>,
      %mul3A_584 = arith.mulf %mul3A_562, %gather3A_583 : vector<16xf32>
      %add3A_585 = vector.broadcast %scan3A_574 : i32 to vector<16xi32>
      %add3A_586 = arith.addi %add3A_27, %add3A_585 : vector<16xi32>
      %gather3A_587 = tpu.vector_load_idx %arg7[%add3A_586] : memref<12800xi32, #tpu.memory_space<vmem>>[vector<16xi32>], vector<16xi32>,
      %gather3A_588 = tpu.vector_load_idx %arg5[%gather3A_587] : memref<100352xf32, #tpu.memory_space<vmem>>[vector<16xi32>], vector<16xf32>,
      %mul3A_589 = arith.mulf %mul3A_567, %gather3A_588 : vector<16xf32>
      %add3A_590 = vector.broadcast %scan3A_574 : i32 to vector<16xi32>
      %add3A_591 = arith.addi %add3A_34, %add3A_590 : vector<16xi32>
      %gather3A_592 = tpu.vector_load_idx %arg7[%add3A_591] : memref<12800xi32, #tpu.memory_space<vmem>>[vector<16xi32>], vector<16xi32>,
      %gather3A_593 = tpu.vector_load_idx %arg5[%gather3A_592] : memref<100352xf32, #tpu.memory_space<vmem>>[vector<16xi32>], vector<16xf32>,
      %mul3A_594 = arith.mulf %mul3A_572, %gather3A_593 : vector<16xf32>
      %scan3A_595 = arith.constant 2 : i32
      %scan3A_596 = arith.addi %scan3A_549, %scan3A_595 : i32
      %add3A_597 = vector.broadcast %scan3A_596 : i32 to vector<16xi32>
      %add3A_598 = arith.addi %add3A_13, %add3A_597 : vector<16xi32>
      %gather3A_599 = tpu.vector_load_idx %arg7[%add3A_598] : memref<12800xi32, #tpu.memory_space<vmem>>[vector<16xi32>], vector<16xi32>,
      %gather3A_600 = tpu.vector_load_idx %arg5[%gather3A_599] : memref<100352xf32, #tpu.memory_space<vmem>>[vector<16xi32>], vector<16xf32>,
      %mul3A_601 = arith.mulf %mul3A_579, %gather3A_600 : vector<16xf32>
      %add3A_602 = vector.broadcast %scan3A_596 : i32 to vector<16xi32>
      %add3A_603 = arith.addi %add3A_20, %add3A_602 : vector<16xi32>
      %gather3A_604 = tpu.vector_load_idx %arg7[%add3A_603] : memref<12800xi32, #tpu.memory_space<vmem>>[vector<16xi32>], vector<16xi32>,
      %gather3A_605 = tpu.vector_load_idx %arg5[%gather3A_604] : memref<100352xf32, #tpu.memory_space<vmem>>[vector<16xi32>], vector<16xf32>,
      %mul3A_606 = arith.mulf %mul3A_584, %gather3A_605 : vector<16xf32>
      %add3A_607 = vector.broadcast %scan3A_596 : i32 to vector<16xi32>
      %add3A_608 = arith.addi %add3A_27, %add3A_607 : vector<16xi32>
      %gather3A_609 = tpu.vector_load_idx %arg7[%add3A_608] : memref<12800xi32, #tpu.memory_space<vmem>>[vector<16xi32>], vector<16xi32>,
      %gather3A_610 = tpu.vector_load_idx %arg5[%gather3A_609] : memref<100352xf32, #tpu.memory_space<vmem>>[vector<16xi32>], vector<16xf32>,
      %mul3A_611 = arith.mulf %mul3A_589, %gather3A_610 : vector<16xf32>
      %add3A_612 = vector.broadcast %scan3A_596 : i32 to vector<16xi32>
      %add3A_613 = arith.addi %add3A_34, %add3A_612 : vector<16xi32>
      %gather3A_614 = tpu.vector_load_idx %arg7[%add3A_613] : memref<12800xi32, #tpu.memory_space<vmem>>[vector<16xi32>], vector<16xi32>,
      %gather3A_615 = tpu.vector_load_idx %arg5[%gather3A_614] : memref<100352xf32, #tpu.memory_space<vmem>>[vector<16xi32>], vector<16xf32>,
      %mul3A_616 = arith.mulf %mul3A_594, %gather3A_615 : vector<16xf32>
      %scan3A_617 = arith.constant 3 : i32
      %scan3A_618 = arith.addi %scan3A_549, %scan3A_617 : i32
      %add3A_619 = vector.broadcast %scan3A_618 : i32 to vector<16xi32>
      %add3A_620 = arith.addi %add3A_13, %add3A_619 : vector<16xi32>
      %gather3A_621 = tpu.vector_load_idx %arg7[%add3A_620] : memref<12800xi32, #tpu.memory_space<vmem>>[vector<16xi32>], vector<16xi32>,
      %gather3A_622 = tpu.vector_load_idx %arg5[%gather3A_621] : memref<100352xf32, #tpu.memory_space<vmem>>[vector<16xi32>], vector<16xf32>,
      %mul3A_623 = arith.mulf %mul3A_601, %gather3A_622 : vector<16xf32>
      %add3A_624 = vector.broadcast %scan3A_618 : i32 to vector<16xi32>
      %add3A_625 = arith.addi %add3A_20, %add3A_624 : vector<16xi32>
      %gather3A_626 = tpu.vector_load_idx %arg7[%add3A_625] : memref<12800xi32, #tpu.memory_space<vmem>>[vector<16xi32>], vector<16xi32>,
      %gather3A_627 = tpu.vector_load_idx %arg5[%gather3A_626] : memref<100352xf32, #tpu.memory_space<vmem>>[vector<16xi32>], vector<16xf32>,
      %mul3A_628 = arith.mulf %mul3A_606, %gather3A_627 : vector<16xf32>
      %add3A_629 = vector.broadcast %scan3A_618 : i32 to vector<16xi32>
      %add3A_630 = arith.addi %add3A_27, %add3A_629 : vector<16xi32>
      %gather3A_631 = tpu.vector_load_idx %arg7[%add3A_630] : memref<12800xi32, #tpu.memory_space<vmem>>[vector<16xi32>], vector<16xi32>,
      %gather3A_632 = tpu.vector_load_idx %arg5[%gather3A_631] : memref<100352xf32, #tpu.memory_space<vmem>>[vector<16xi32>], vector<16xf32>,
      %mul3A_633 = arith.mulf %mul3A_611, %gather3A_632 : vector<16xf32>
      %add3A_634 = vector.broadcast %scan3A_618 : i32 to vector<16xi32>
      %add3A_635 = arith.addi %add3A_34, %add3A_634 : vector<16xi32>
      %gather3A_636 = tpu.vector_load_idx %arg7[%add3A_635] : memref<12800xi32, #tpu.memory_space<vmem>>[vector<16xi32>], vector<16xi32>,
      %gather3A_637 = tpu.vector_load_idx %arg5[%gather3A_636] : memref<100352xf32, #tpu.memory_space<vmem>>[vector<16xi32>], vector<16xf32>,
      %mul3A_638 = arith.mulf %mul3A_616, %gather3A_637 : vector<16xf32>
      scf.yield %mul3A_623, %mul3A_628, %mul3A_633, %mul3A_638 : vector<16xf32>, vector<16xf32>, vector<16xf32>, vector<16xf32>
    }
    %scan3A_504 = arith.constant 200 : i32
    %sub3A_505 = arith.constant 1.000000e+00 : f32
    %sub3A_506 = vector.broadcast %sub3A_505 : f32 to vector<16xf32>
    %sub3A_507 = arith.subf %sub3A_506, %scan3A_503#0 : vector<16xf32>
    %jit3A_508 = arith.constant 9.99999974E-5 : f32
    %jit3A_509 = arith.constant 0.999989986 : f32
    %max3A_510 = vector.broadcast %jit3A_508 : f32 to vector<16xf32>
    %max3A_511 = arith.maximumf %max3A_510, %sub3A_507 : vector<16xf32>
    %min3A_512 = vector.broadcast %jit3A_509 : f32 to vector<16xf32>
    %min3A_513 = arith.minimumf %min3A_512, %max3A_511 : vector<16xf32>
    %swap3A_514 = arith.constant 448 : index
    %swap3A_515 = tpu.vector_load %arg8[%swap3A_514] {strides = array<i32>} : memref<512xf32, #tpu.memory_space<vmem>>, vector<16xf32>,
    tpu.vector_store %arg8[%swap3A_514], %min3A_513 {strides = array<i32>} : memref<512xf32, #tpu.memory_space<vmem>>, vector<16xf32>,
    %sub3A_516 = arith.constant 1.000000e+00 : f32
    %sub3A_517 = vector.broadcast %sub3A_516 : f32 to vector<16xf32>
    %sub3A_518 = arith.subf %sub3A_517, %scan3A_503#1 : vector<16xf32>
    %jit3A_519 = arith.constant 9.99999974E-5 : f32
    %jit3A_520 = arith.constant 0.999989986 : f32
    %max3A_521 = vector.broadcast %jit3A_519 : f32 to vector<16xf32>
    %max3A_522 = arith.maximumf %max3A_521, %sub3A_518 : vector<16xf32>
    %min3A_523 = vector.broadcast %jit3A_520 : f32 to vector<16xf32>
    %min3A_524 = arith.minimumf %min3A_523, %max3A_522 : vector<16xf32>
    %swap3A_525 = arith.constant 464 : index
    %swap3A_526 = tpu.vector_load %arg8[%swap3A_525] {strides = array<i32>} : memref<512xf32, #tpu.memory_space<vmem>>, vector<16xf32>,
    tpu.vector_store %arg8[%swap3A_525], %min3A_524 {strides = array<i32>} : memref<512xf32, #tpu.memory_space<vmem>>, vector<16xf32>,
    %sub3A_527 = arith.constant 1.000000e+00 : f32
    %sub3A_528 = vector.broadcast %sub3A_527 : f32 to vector<16xf32>
    %sub3A_529 = arith.subf %sub3A_528, %scan3A_503#2 : vector<16xf32>
    %jit3A_530 = arith.constant 9.99999974E-5 : f32
    %jit3A_531 = arith.constant 0.999989986 : f32
    %max3A_532 = vector.broadcast %jit3A_530 : f32 to vector<16xf32>
    %max3A_533 = arith.maximumf %max3A_532, %sub3A_529 : vector<16xf32>
    %min3A_534 = vector.broadcast %jit3A_531 : f32 to vector<16xf32>
    %min3A_535 = arith.minimumf %min3A_534, %max3A_533 : vector<16xf32>
    %swap3A_536 = arith.constant 480 : index
    %swap3A_537 = tpu.vector_load %arg8[%swap3A_536] {strides = array<i32>} : memref<512xf32, #tpu.memory_space<vmem>>, vector<16xf32>,
    tpu.vector_store %arg8[%swap3A_536], %min3A_535 {strides = array<i32>} : memref<512xf32, #tpu.memory_space<vmem>>, vector<16xf32>,
    %sub3A_538 = arith.constant 1.000000e+00 : f32
    %sub3A_539 = vector.broadcast %sub3A_538 : f32 to vector<16xf32>
    %sub3A_540 = arith.subf %sub3A_539, %scan3A_503#3 : vector<16xf32>
    %jit3A_541 = arith.constant 9.99999974E-5 : f32
    %jit3A_542 = arith.constant 0.999989986 : f32
    %max3A_543 = vector.broadcast %jit3A_541 : f32 to vector<16xf32>
    %max3A_544 = arith.maximumf %max3A_543, %sub3A_540 : vector<16xf32>
    %min3A_545 = vector.broadcast %jit3A_542 : f32 to vector<16xf32>
    %min3A_546 = arith.minimumf %min3A_545, %max3A_544 : vector<16xf32>
    %swap3A_547 = arith.constant 496 : index
    %swap3A_548 = tpu.vector_load %arg8[%swap3A_547] {strides = array<i32>} : memref<512xf32, #tpu.memory_space<vmem>>, vector<16xf32>,
    tpu.vector_store %arg8[%swap3A_547], %min3A_546 {strides = array<i32>} : memref<512xf32, #tpu.memory_space<vmem>>, vector<16xf32>,
    "tpu.region"() ({
      %run_scoped3A = tpu.sem_alloc : memref<!tpu.dma_semaphore, #tpu.memory_space<semaphore_mem>>
      %dma_start3A_549 = tpu.memref_slice %arg4[%mul3A_2] : memref<16384xf32, #tpu.memory_space<hbm>> -> memref<512xf32, #tpu.memory_space<hbm>>
      %dma_start3A_550 = tpu.memref_slice %arg4[%mul3A_2] : memref<16384xf32, #tpu.memory_space<hbm>> -> memref<512xf32, #tpu.memory_space<hbm>>
      tpu.enqueue_dma source(%arg8 : memref<512xf32, #tpu.memory_space<vmem>>) target(%dma_start3A_550 : memref<512xf32, #tpu.memory_space<hbm>>) target_semaphore(%run_scoped3A : memref<!tpu.dma_semaphore, #tpu.memory_space<semaphore_mem>>)
      %dma_wait3A_551 = tpu.memref_slice %arg4[%mul3A_2] : memref<16384xf32, #tpu.memory_space<hbm>> -> memref<512xf32, #tpu.memory_space<hbm>>
      %dma_wait3A_552 = tpu.memref_slice %arg4[%mul3A_2] : memref<16384xf32, #tpu.memory_space<hbm>> -> memref<512xf32, #tpu.memory_space<hbm>>
      tpu.wait_dma2 semaphore(%run_scoped3A : memref<!tpu.dma_semaphore, #tpu.memory_space<semaphore_mem>>) src(%arg8 : memref<512xf32, #tpu.memory_space<vmem>>) dst(%dma_wait3A_552 : memref<512xf32, #tpu.memory_space<hbm>>)
      tpu.yield
    }) : () -> ()
    return
  }
}

</mosaic_0001>

<sc_bundles>
// kernel: kernel.4.cloned.1.call-start
scs
__scs_entry_jumppad:
0x0: {  	(pc) =	sbr.rel $0x88, $3  }
0x1: {  	(tag) =	ssettag $0x0;
	lr =	simm.s32 $0x1  }
0x2: {  	[smem:$0x3F9E] =	sst lr;
	_ =	strace $0xD0000000  }
0x3: {  	_ = 	snop  }
0x4: {  	_ = 	snop  }
0x5: {  	_ = 	snop  }
0x6: {  	_ = 	snop  }
0x7: {  	_ = 	snop  }
__scs_overlays_trampoline_lowered:
0x8: {  	[smem:$0x3FAD] =	sst s0  }
0x9: {  	[smem:$0x3FAE] =	sst s1  }
0xa: {  	[smem:$0x3FAF] =	sst s2  }
0xb: {  	[smem:$0x3FB0] =	sst s3  }
0xc: {  	[smem:$0x3FB1] =	sst s4  }
0xd: {  	[smem:$0x3FB2] =	sst s5  }
0xe: {  	[smem:$0x3FB3] =	sst s6  }
0xf: {  	[smem:$0x3FB4] =	sst s7  }
0x10: {  	[smem:$0x3FB5] =	sst s8  }
0x11: {  	[smem:$0x3FB6] =	sst s9;
	s0 =	simm.s32 @!p0 $0x0  }
0x12: {  	s1 =	sld [smem:$0x3F9C];
	s0 =	simm.s32 @p0 $0x1  }
0x13: {  	[smem:$0x3FB7] =	sst s0;
	s0 =	simm.s32 @!p1 $0x0  }
0x14: {  	s2 =	sld [smem:$0x3F9B];
	s0 =	simm.s32 @p1 $0x1  }
0x15: {  	[smem:$0x3FB8] =	sst s0;
	s0 =	simm.s32 @!p2 $0x0  }
0x16: {  	s3 =	sld [smem:$0x3FDB];
	s0 =	simm.s32 @p2 $0x1  }
0x17: {  	s4 =	simm.s32 $0x1BF5;
	[smem:$0x3FBA] =	sst s0  }
0x18: {  	s0 =	sld [smem:$0x3F9D];
	_ =	swait.ge [sflag:s4], $0x0  }
0x19: {  	s7 =	sld [smem:$0x3F9E]  }
0x1a: {  	s8 =	sadd.s32 $0xFFFFE003, lr  }
0x1b: {  	s9 =	sadd.s32 $0xFFFFFEF7, lr;
	s5 =	simm.s32 $0xFFFFFFFF;
	p2 =	slt.u32 s8, $0xFFFFF086  }
0x1c: {  	p1 =	slt.u32 s9, $0xF7A;
	s5 =	simm.s32 @!p2 $0x0  }
0x1d: {  	s5 =	simm.s32 @p1 $0x1;
	p0 =	seq.s32 s7, s2  }
0x1e: {  	s7 =	smul.u32 @!p0 $0xF7A, s2;
	p2 =	seq.s32 @!p0 s5, $0x0  }
0x1f: {  	s9 =	smul.u32 $0xF7A, s1;
	s8 =	simm.s32 @!p0 $0x1BF5;
	p2 =	por !p2, p0  }
0x20: {  	[sflag:s8] =	ssyncset.s32 @!p0 $0xFFFFF086;
	s6 =	sadd.s32 @!p0 s3, s7;
	s7 =	simm.s32 @!p0 $0x108  }
0x21: {  	s3 =	sadd.s32 s3, s9;
	s6 =	sadd.s32 @!p0 $0x88, s6;
	s7 =	simm.s32 @p2 $0x1082  }
0x22: {  	[simem:s7], [sflag:s8] =	dma.local @!p0 [hbm:s6], $0xF7A  }
0x23: {  	s9 =	sor.u32 $0xD0000000, s2;
	s6 =	simm.s32 $0x108;
	_ =	swait.ge @!p0 [sflag:s8], $0x0  }
0x24: {  	s3 =	sadd.s32 $0x88, s3;
	s6 =	simm.s32 @!p1 $0x1082;
	[sflag:s4] =	ssyncset.s32 $0xFFFFF086  }
0x25: {  	[simem:s6], [sflag:s4] =	dma.local [hbm:s3], $0xF7A  }
0x26: {  	[smem:$0x3F9E] =	sst s1;
	(tag) =	ssettag s2;
	_ =	strace s9  }
0x27: {  	s1 =	sld [smem:$0x3FAE]  }
0x28: {  	s2 =	sld [smem:$0x3FAF]  }
0x29: {  	s4 =	sld [smem:$0x3FB1]  }
0x2a: {  	p0 =	seq.s32 s5, $0x0;
	s5 =	sld [smem:$0x3FB2]  }
0x2b: {  	s6 =	sld [smem:$0x3FB3]  }
0x2c: {  	s7 =	sld [smem:$0x3FB4]  }
0x2d: {  	s3 =	simm.s32 $0x108;
	s8 =	sld [smem:$0x3FB5]  }
0x2e: {  	s3 =	simm.s32 @!p0 $0x1082;
	s9 =	sld [smem:$0x3FB6]  }
0x2f: {  	lr =	sadd.s32 s0, s3;
	s0 =	sld [smem:$0x3FAD]  }
0x30: {  	s3 =	sld [smem:$0x3FB0]  }
0x31: {  	[smem:$0x3FB9] =	sst s10  }
0x32: {  	s10 =	sld [smem:$0x3FB7];
	_ =	sdelay $0x3  }
0x33: {  	p0 =	seq.s32 s10, $0x1;
	s10 =	sld [smem:$0x3FB9];
	_ =	sdelay $0x3  }
0x34: {  	[smem:$0x3FB9] =	sst s10  }
0x35: {  	s10 =	sld [smem:$0x3FB8];
	_ =	sdelay $0x3  }
0x36: {  	p1 =	seq.s32 s10, $0x1;
	s10 =	sld [smem:$0x3FB9];
	_ =	sdelay $0x3  }
0x37: {  	[smem:$0x3FB9] =	sst s10  }
0x38: {  	s10 =	sld [smem:$0x3FBA]  }
0x39: {  	_ = 	snop;
	(pc) =	sbr.ind lr, $3  }
0x3a: {  	_ = 	snop  }
0x3b: {  	_ = 	snop  }
0x3c: {  	p2 =	seq.s32 s10, $0x1;
	s10 =	sld [smem:$0x3FB9]  }
0x3d: {  	_ =	shalt  }
0x3e: {  	_ =	shalt  }
0x3f: {  	_ =	shalt  }
0x40: {  	_ =	shalt  }
0x41: {  	_ =	shalt  }
0x42: {  	_ =	shalt  }
0x43: {  	_ =	shalt  }
0x44: {  	_ =	shalt  }
0x45: {  	_ =	shalt  }
0x46: {  	_ =	shalt  }
0x47: {  	_ =	shalt  }
0x48: {  	_ =	shalt  }
0x49: {  	_ =	shalt  }
0x4a: {  	_ =	shalt  }
0x4b: {  	_ =	shalt  }
0x4c: {  	_ =	shalt  }
0x4d: {  	_ =	shalt  }
0x4e: {  	_ =	shalt  }
0x4f: {  	_ =	shalt  }
0x50: {  	_ =	shalt  }
0x51: {  	_ =	shalt  }
0x52: {  	_ =	shalt  }
0x53: {  	_ =	shalt  }
0x54: {  	_ =	shalt  }
0x55: {  	_ =	shalt  }
0x56: {  	_ =	shalt  }
0x57: {  	_ =	shalt  }
0x58: {  	_ =	shalt  }
0x59: {  	_ =	shalt  }
0x5a: {  	_ =	shalt  }
0x5b: {  	_ =	shalt  }
0x5c: {  	_ =	shalt  }
0x5d: {  	_ =	shalt  }
0x5e: {  	_ =	shalt  }
0x5f: {  	_ =	shalt  }
0x60: {  	_ =	shalt  }
0x61: {  	_ =	shalt  }
0x62: {  	_ =	shalt  }
0x63: {  	_ =	shalt  }
0x64: {  	_ =	shalt  }
0x65: {  	_ =	shalt  }
0x66: {  	_ =	shalt  }
0x67: {  	_ =	shalt  }
0x68: {  	_ =	shalt  }
0x69: {  	_ =	shalt  }
0x6a: {  	_ =	shalt  }
0x6b: {  	_ =	shalt  }
0x6c: {  	_ =	shalt  }
0x6d: {  	_ =	shalt  }
0x6e: {  	_ =	shalt  }
0x6f: {  	_ =	shalt  }
0x70: {  	_ =	shalt  }
0x71: {  	_ =	shalt  }
0x72: {  	_ =	shalt  }
0x73: {  	_ =	shalt  }
0x74: {  	_ =	shalt  }
0x75: {  	_ =	shalt  }
0x76: {  	_ =	shalt  }
0x77: {  	_ =	shalt  }
0x78: {  	_ =	shalt  }
0x79: {  	_ =	shalt  }
0x7a: {  	_ =	shalt  }
0x7b: {  	_ =	shalt  }
0x7c: {  	_ =	shalt  }
0x7d: {  	_ =	shalt  }
0x7e: {  	_ =	shalt  }
0x7f: {  	_ =	shalt  }
0x80: {  	_ =	shalt  }
0x81: {  	_ =	shalt  }
0x82: {  	_ =	shalt  }
0x83: {  	_ =	shalt  }
0x84: {  	_ =	shalt  }
0x85: {  	_ =	shalt  }
0x86: {  	_ =	shalt  }
0x87: {  	_ =	shalt  }
.Lfunc_end0:
.L_simem_size_0:
called_computation_lowered:
.L_overlay_start_0:
0x88: {  	s2 =	sld [smem:$0x3FD9]  }
0x89: {  	s3 =	sld [smem:$0x3FFE];
	_ =	sdelay $0x1  }
0x8a: {  	s1 =	srdreg.scid  }
0x8b: {  	s0 =	sand.u32 $0x1, s1  }
0x8c: {  	s17 =	sshll.u32 s0, $0xA;
	s2 =	sadd.s32 s3, s2  }
0x8d: {  	s2 =	sadd.s32 s2, s17  }
0x8e: {  	[smem:$0x3FC5] =	sst s2  }
0x8f: {  	_ = 	snop  }
0x90: {  	s2 =	sld [smem:$0x3FD0];
	(tm) =	ssettm $0x1  }
0x91: {  	s18 =	sld [smem:$0x3FFB];
	_ =	sdelay $0x3  }
0x92: {  	_ =	strace s18  }
0x93: {  	s3 =	sld [smem:$0x3FFC];
	_ =	sdelay $0x3  }
0x94: {  	_ =	strace s3  }
0x95: {  	s3 =	sld [smem:$0x3FFD];
	_ =	sdelay $0x3  }
0x96: {  	_ =	strace s3  }
0x97: {  	_ =	strace $0x8FFFFFFF  }
0x98: {  	s19 =	sld [smem:$0x3FDB];
	_ =	sdelay $0x1  }
0x99: {  	s4 =	simm.s32 $_scs_section_size  }
0x9a: {  	s5 =	simm.s32 $_size__tile_overlayer_lowered;
	s6 =	simm.s32 $_tile_overlayer_lowered  }
0x9b: {  	s22 =	simm.s32 $0x1BFF;
	s21 =	sshll.u32 s6, $0x1;
	s3 =	sadd.s32 s4, s19  }
0x9c: {  	s7 =	simm.s32 $0x0;
	s20 =	sshll.u32 s5, $0x1;
	s5 =	sadd.s32 s21, s3  }
0x9d: {  	[timem:s7], [sflag:s22] =	dma.local [hbm:s5], s20  }
0x9e: {  	_ =	swait.ge [sflag:s22], s20  }
0x9f: {  	s4 =	ssub.s32 $0x0, s20;
	[sflag:s22] =	ssyncset.done $0x0  }
0xa0: {  	[sflag:s22] =	ssyncadd.s32 s4;
	_ =	sdelay $0x1  }
0xa1: {  	s23 =	simm.s32 $0x1B8B  }
0xa2: {  	_ =	swait.ge [sflag:s23], $0x1  }
0xa3: {  	[sflag:s23] =	ssyncset.done $0x0  }
0xa4: {  	s25 =	simm.s32 $0x1B8E;
	s24 =	sld [smem:$0x3FFE];
	[sflag:s23] =	ssyncadd.s32 $0xFFFFFFFF  }
0xa5: {  	s26 =	simm.s32 $execute0_lowered;
	[smem:$0x3FD2] =	sst s25  }
0xa6: {  	s5 =	sshll.u32 s26, $0x1;
	_ =	strace $0x80000046;
	[dreg:$0x1] =	wrdreg $0xFFFFFFFF  }
0xa7: {  	s28 =	simm.s32 $_size_execute0_lowered;
	s3 =	sadd.s32 s3, s5;
	[dreg:$0x0] =	wrdreg $0x0  }
0xa8: {  	s5 =	sshll.u32 s28, $0x1;
	[dreg:$0x2] =	wrdreg s3  }
0xa9: {  	[dreg:$0x3] =	wrdreg s5  }
0xaa: {  	[dreg:$0x4] =	wrdreg $0xC0  }
0xab: {  	_ =	task [dreg:s7], $0x5FFFF  }
0xac: {  	[dreg:$0x1] =	wrdreg $0xFFFFFFFF  }
0xad: {  	[dreg:$0x0] =	wrdreg $0x60  }
0xae: {  	[dreg:$0x2] =	wrdreg s24  }
0xaf: {  	[dreg:$0x3] =	wrdreg s2  }
0xb0: {  	[dreg:$0x4] =	wrdreg $0x9  }
0xb1: {  	_ =	task.clear_ibuf [dreg:s7], $0x5FFFF;
	_ =	strace $0x90000046  }
0xb2: {  	s29 =	simm.s32 $0x9;
	_ =	strace $0x80000048  }
0xb3: {  	_ =	swait.ge [sflag:s29], $0x1  }
0xb4: {  	[sflag:s29] =	ssyncadd.s32 $0xFFFFFFFF  }
0xb5: {  	_ =	strace $0x90000048  }
0xb6: {  	_ =	sfence  }
0xb7: {  	s30 =	sld [smem:$0x0];
	_ =	sdelay $0x2  }
0xb8: {  	s31 =	sshll.u32 s1, $0xD;
	s1 =	sshrl.u32 s1, $0x2  }
0xb9: {  	s3 =	sand.u32 $0x4000, s31;
	s1 =	sadd.s32 s1, s30  }
0xba: {  	s0 =	sor.u32 s3, s0;
	s1 =	sshll.u32 s1, $0x11  }
0xbb: {  	s0 =	sor.u32 s1, s0  }
0xbc: {  	s0 =	sadd.s32 $0x8F2B, s0  }
0xbd: {  	[sflag:s0] =	ssyncadd.remote.s32 $0x1  }
0xbe: {  	_ =	sfence.sel $0xFFFF  }
0xbf: {  	[dreg:$0x0] =	wrdreg $0xFFFFFFFF;
	(pc) =	sbr.abs _section_cstart, $3  }
0xc0: {  	[dreg:$0x1] =	wrdreg $0xFFFFFFFF  }
0xc1: {  	_ =	task.clear_ibuf [dreg:s7], $0x2FFFF;
	_ =	strace $0x9FFFFFFF  }
0xc2: {  	(tm) =	ssettm $0x7FFFFFFF  }
0xc3: {  	_ =	shalt  }
tec
execute0_lowered:
.L_overlay_start_1:
0x0: {  	(tag) =	ssettag $0x1  }
0x1: {  	s1 =	srdreg.scid;
	s5 =	rddreg [dreg:$0x0]  }
0x2: {  	s0 =	stileid.u32;
	s2 =	rddreg [dreg:$0x1];
	s3 =	simm.s32 $0x0  }
0x3: {  	s7 =	simm.s32 $0x1;
	s4 =	sand.u32 $0x1, s1;
	s30 =	sshll.u32 s0, $0x1  }
0x4: {  	s8 =	simm.s32 $0xC80;
	s9 =	simm.s32 $0x2080;
	s1 =	sor.u32 s4, s30  }
0x5: {  	[smem:$0x7FF] =	sst s3;
	s4 =	ssub.s32 $0x2, s4;
	s6 =	smul.u32 $0x188, s1  }
0x6: {  	s10 =	simm.s32 $0x0;
	s1 =	rddreg [dreg:$0x2];
	s31 =	sshrl.u32 s4, $0x1  }
0x7: {  	_ =	strace $0x80000047;
	s5 =	sadd.s32 s6, s5;
	s6 =	ssub.s32 s4, s31  }
0x8: {  	s4 =	sadd.s32 $0x800, s5;
	s5 =	sadd.s32 $0x3A00, s5;
	s6 =	smax.u32 s6, $0x1  }
.LBB2_1:
0x9: {  	[tilespmem:s3], [sflag:$0x1] =	stream.linear.gather [hbm4b:s4+s3], $0xC40, $0x38;
	[tilespmem:$0x2D00] =	vst v63  }
0xa: {  	_ =	swait.ge [sflag:s7], $0xC40  }
0xb: {  	[sflag:s7] =	ssyncset.done $0x0  }
0xc: {  	[sflag:s7] =	ssyncadd.s32 $0xFFFFF3C0  }
0xd: {  	[tilespmem:s8], [sflag:$0x1] =	stream.linear.gather [hbm4b:s2+s3], $0x1400, $0x38;
	[tilespmem:$0x2D00] =	vst v63  }
0xe: {  	_ =	swait.ge [sflag:s7], $0x1400  }
0xf: {  	[sflag:s7] =	ssyncset.done $0x0  }
0x10: {  	s11 =	simm.s32 $0x0;
	[sflag:s7] =	ssyncadd.s32 $0xFFFFEC00  }
0x11: {  	v0 =	vld [tilespmem:s11+$0x0];
	_ =	sdelay $0x7  }
0x12: {  	v1 =	vld.idx.msk [tilespmem:v0+s8+$0x0], $0xffff;
	_ =	sdelay $0x4  }
0x13: {  	v1 =	vmul.f32 $1.442695020e+00, v1;
	_ =	sdelay $0x1  }
0x14: {  	(erf) = vpow2.f32 v1;
	_ =	sdelay $0x8  }
0x15: {  	v1 =	vpop (erf)  }
0x16: {  	v1 =	vadd.f32 $1.000000000e+00, v1;
	_ =	sdelay $0x1  }
0x17: {  	(erf) = vrcp.f32 v1;
	_ =	sdelay $0x2  }
0x18: {  	s13 =	simm.s32 $0x10;
	s12 =	simm.s32 $0x80  }
.LBB2_2:
0x19: {  	p0 =	sne.s32 s12, $0x30C0;
	v1 =	vld [tilespmem:s13+$0x0];
	_ =	sdelay $0x4  }
0x1a: {  	vm0 =	veq.s32 v0, $0x1388;
	v2 =	vpop (erf);
	v0 =	vmov v1  }
0x1b: {  	v2 =	vsel vm0, $0x3F800000, v2  }
0x1c: {  	[tilespmem:s11+$0x2080] =	vst v2;
	s11 =	smov.u32 s13  }
0x1d: {  	v1 =	vld.idx.msk [tilespmem:v1+s8+$0x0], $0xffff;
	_ =	sdelay $0x5  }
0x1e: {  	v1 =	vmul.f32 $1.442695020e+00, v1;
	_ =	sdelay $0x1  }
0x1f: {  	(erf) = vpow2.f32 v1;
	_ =	sdelay $0x8  }
0x20: {  	v1 =	vpop (erf)  }
0x21: {  	v1 =	vadd.f32 $1.000000000e+00, v1  }
.Ltmp0:
0x22: {  	(pc) =	sbr.rel @p0 .LBB2_2-.Ltmp0, $2  }
0x23: {  	(erf) = vrcp.f32 v1;
	_ =	sdelay $0x2  }
0x24: {  	s13 =	sshra.s32 s12, $0x2;
	s12 =	sadd.s32 $0x40, s12  }
0x25: {  	v1 =	vld [tilespmem:s13+$0x0];
	_ =	sdelay $0x4  }
0x26: {  	vm0 =	veq.s32 v0, $0x1388;
	v63 =	vpop (erf)  }
0x27: {  	v0 =	vsel vm0, $0x3F800000, v63  }
0x28: {  	[tilespmem:s11+$0x2080] =	vst v0  }
0x29: {  	v0 =	vld.idx.msk [tilespmem:v1+s8+$0x0], $0xffff;
	_ =	sdelay $0x4  }
0x2a: {  	v0 =	vmul.f32 $1.442695020e+00, v0;
	_ =	sdelay $0x1  }
0x2b: {  	(erf) = vpow2.f32 v0;
	_ =	sdelay $0x8  }
0x2c: {  	v0 =	vpop (erf)  }
0x2d: {  	v0 =	vadd.f32 $1.000000000e+00, v0;
	_ =	sdelay $0x1  }
0x2e: {  	(erf) = vrcp.f32 v0;
	_ =	sdelay $0x8  }
0x2f: {  	s10 =	sadd.s32 $0x1, s10;
	vm15 =	veq.s32 v1, $0x1388;
	v0 =	vpop (erf)  }
0x30: {  	p0 =	sne.s32 s10, s6;
	v0 =	vsel vm15, $0x3F800000, v0  }
.Ltmp1:
0x31: {  	[tilespmem:s13+$0x2080] =	vst v0;
	(pc) =	sbr.rel @p0 .LBB2_1-.Ltmp1, $4  }
0x32: {  	[hbm4b:s5+s3] =	stream.linear.scatter [tilespmem:s9], [sflag:$0x1], $0xC40, $0x38;
	[tilespmem:$0x2D00] =	vst v63  }
0x33: {  	_ =	swait.ge [sflag:s7], $0xC40  }
0x34: {  	[sflag:s7] =	ssyncset.done $0x0  }
0x35: {  	[sflag:s7] =	ssyncadd.s32 $0xFFFFF3C0  }
0x36: {  	_ =	sfence.sel $0x180000  }
0x37: {  	[bflag:$0x0] =	sbarrier.arrive $0xFFFF  }
0x38: {  	p0 =	sne.s32 s0, $0x0;
	_ =	strace $0x90000047  }
0x39: {  	s0 =	sadd.s32 @!p0 $0x100000, s1;
	[bflag:$0x2] =	sbarrier.arrive $0xFFFF  }
0x3a: {  	[sflag:s0] =	ssyncadd.tile.s32 @!p0 $0x1;
	_ =	shalt  }
.Lfunc_end2:
_tile_overlayer_lowered:
.L_overlay_start_2:
0x3b: {  	(tag) =	ssettag $0x2  }
0x3c: {  	s0 =	rddreg [dreg:$0x0];
	s2 =	stileid.u32  }
0x3d: {  	s1 =	rddreg [dreg:$0x1];
	p0 =	sne.s32 s2, $0x0  }
0x3e: {  	s3 =	rddreg [dreg:$0x2];
	[bflag:$0x3] =	sbarrier.arrive $0xFFFF;
	s2 =	simm.s32 @!p0 $0x1C01  }
0x3f: {  	[timem:s3], [sflag:s2] =	dma.local @!p0 [hbm:s0], s1  }
0x40: {  	s0 =	simm.s32 @!p0 $0x1  }
0x41: {  	_ =	swait.ge @!p0 [sflag:s0], s1  }
0x42: {  	s1 =	ssub.s32 @!p0 $0x0, s1;
	[sflag:s0] =	ssyncset.done @!p0 $0x0  }
0x43: {  	[sflag:s0] =	ssyncadd.s32 @!p0 s1  }
0x44: {  	[bflag:$0x3] =	sbarrier.arrive $0xFFFF  }
0x45: {  	_ =	shalt  }

// kernel: kernel.7.cloned.1.call-start
scs
__scs_entry_jumppad:
0x0: {  	(pc) =	sbr.rel $0x88, $3  }
0x1: {  	(tag) =	ssettag $0x0;
	lr =	simm.s32 $0x1  }
0x2: {  	[smem:$0x3F9E] =	sst lr;
	_ =	strace $0xD0000000  }
0x3: {  	_ = 	snop  }
0x4: {  	_ = 	snop  }
0x5: {  	_ = 	snop  }
0x6: {  	_ = 	snop  }
0x7: {  	_ = 	snop  }
__scs_overlays_trampoline_lowered:
0x8: {  	[smem:$0x3FAD] =	sst s0  }
0x9: {  	[smem:$0x3FAE] =	sst s1  }
0xa: {  	[smem:$0x3FAF] =	sst s2  }
0xb: {  	[smem:$0x3FB0] =	sst s3  }
0xc: {  	[smem:$0x3FB1] =	sst s4  }
0xd: {  	[smem:$0x3FB2] =	sst s5  }
0xe: {  	[smem:$0x3FB3] =	sst s6  }
0xf: {  	[smem:$0x3FB4] =	sst s7  }
0x10: {  	[smem:$0x3FB5] =	sst s8  }
0x11: {  	[smem:$0x3FB6] =	sst s9;
	s0 =	simm.s32 @!p0 $0x0  }
0x12: {  	s1 =	sld [smem:$0x3F9C];
	s0 =	simm.s32 @p0 $0x1  }
0x13: {  	[smem:$0x3FB7] =	sst s0;
	s0 =	simm.s32 @!p1 $0x0  }
0x14: {  	s2 =	sld [smem:$0x3F9B];
	s0 =	simm.s32 @p1 $0x1  }
0x15: {  	[smem:$0x3FB8] =	sst s0;
	s0 =	simm.s32 @!p2 $0x0  }
0x16: {  	s3 =	sld [smem:$0x3FDB];
	s0 =	simm.s32 @p2 $0x1  }
0x17: {  	s4 =	simm.s32 $0x1BF5;
	[smem:$0x3FBA] =	sst s0  }
0x18: {  	s0 =	sld [smem:$0x3F9D];
	_ =	swait.ge [sflag:s4], $0x0  }
0x19: {  	s7 =	sld [smem:$0x3F9E]  }
0x1a: {  	s8 =	sadd.s32 $0xFFFFE003, lr  }
0x1b: {  	s9 =	sadd.s32 $0xFFFFFEF7, lr;
	s5 =	simm.s32 $0xFFFFFFFF;
	p2 =	slt.u32 s8, $0xFFFFF086  }
0x1c: {  	p1 =	slt.u32 s9, $0xF7A;
	s5 =	simm.s32 @!p2 $0x0  }
0x1d: {  	s5 =	simm.s32 @p1 $0x1;
	p0 =	seq.s32 s7, s2  }
0x1e: {  	s7 =	smul.u32 @!p0 $0xF7A, s2;
	p2 =	seq.s32 @!p0 s5, $0x0  }
0x1f: {  	s9 =	smul.u32 $0xF7A, s1;
	s8 =	simm.s32 @!p0 $0x1BF5;
	p2 =	por !p2, p0  }
0x20: {  	[sflag:s8] =	ssyncset.s32 @!p0 $0xFFFFF086;
	s6 =	sadd.s32 @!p0 s3, s7;
	s7 =	simm.s32 @!p0 $0x108  }
0x21: {  	s3 =	sadd.s32 s3, s9;
	s6 =	sadd.s32 @!p0 $0x88, s6;
	s7 =	simm.s32 @p2 $0x1082  }
0x22: {  	[simem:s7], [sflag:s8] =	dma.local @!p0 [hbm:s6], $0xF7A  }
0x23: {  	s9 =	sor.u32 $0xD0000000, s2;
	s6 =	simm.s32 $0x108;
	_ =	swait.ge @!p0 [sflag:s8], $0x0  }
0x24: {  	s3 =	sadd.s32 $0x88, s3;
	s6 =	simm.s32 @!p1 $0x1082;
	[sflag:s4] =	ssyncset.s32 $0xFFFFF086  }
0x25: {  	[simem:s6], [sflag:s4] =	dma.local [hbm:s3], $0xF7A  }
0x26: {  	[smem:$0x3F9E] =	sst s1;
	(tag) =	ssettag s2;
	_ =	strace s9  }
0x27: {  	s1 =	sld [smem:$0x3FAE]  }
0x28: {  	s2 =	sld [smem:$0x3FAF]  }
0x29: {  	s4 =	sld [smem:$0x3FB1]  }
0x2a: {  	p0 =	seq.s32 s5, $0x0;
	s5 =	sld [smem:$0x3FB2]  }
0x2b: {  	s6 =	sld [smem:$0x3FB3]  }
0x2c: {  	s7 =	sld [smem:$0x3FB4]  }
0x2d: {  	s3 =	simm.s32 $0x108;
	s8 =	sld [smem:$0x3FB5]  }
0x2e: {  	s3 =	simm.s32 @!p0 $0x1082;
	s9 =	sld [smem:$0x3FB6]  }
0x2f: {  	lr =	sadd.s32 s0, s3;
	s0 =	sld [smem:$0x3FAD]  }
0x30: {  	s3 =	sld [smem:$0x3FB0]  }
0x31: {  	[smem:$0x3FB9] =	sst s10  }
0x32: {  	s10 =	sld [smem:$0x3FB7];
	_ =	sdelay $0x3  }
0x33: {  	p0 =	seq.s32 s10, $0x1;
	s10 =	sld [smem:$0x3FB9];
	_ =	sdelay $0x3  }
0x34: {  	[smem:$0x3FB9] =	sst s10  }
0x35: {  	s10 =	sld [smem:$0x3FB8];
	_ =	sdelay $0x3  }
0x36: {  	p1 =	seq.s32 s10, $0x1;
	s10 =	sld [smem:$0x3FB9];
	_ =	sdelay $0x3  }
0x37: {  	[smem:$0x3FB9] =	sst s10  }
0x38: {  	s10 =	sld [smem:$0x3FBA]  }
0x39: {  	_ = 	snop;
	(pc) =	sbr.ind lr, $3  }
0x3a: {  	_ = 	snop  }
0x3b: {  	_ = 	snop  }
0x3c: {  	p2 =	seq.s32 s10, $0x1;
	s10 =	sld [smem:$0x3FB9]  }
0x3d: {  	_ =	shalt  }
0x3e: {  	_ =	shalt  }
0x3f: {  	_ =	shalt  }
0x40: {  	_ =	shalt  }
0x41: {  	_ =	shalt  }
0x42: {  	_ =	shalt  }
0x43: {  	_ =	shalt  }
0x44: {  	_ =	shalt  }
0x45: {  	_ =	shalt  }
0x46: {  	_ =	shalt  }
0x47: {  	_ =	shalt  }
0x48: {  	_ =	shalt  }
0x49: {  	_ =	shalt  }
0x4a: {  	_ =	shalt  }
0x4b: {  	_ =	shalt  }
0x4c: {  	_ =	shalt  }
0x4d: {  	_ =	shalt  }
0x4e: {  	_ =	shalt  }
0x4f: {  	_ =	shalt  }
0x50: {  	_ =	shalt  }
0x51: {  	_ =	shalt  }
0x52: {  	_ =	shalt  }
0x53: {  	_ =	shalt  }
0x54: {  	_ =	shalt  }
0x55: {  	_ =	shalt  }
0x56: {  	_ =	shalt  }
0x57: {  	_ =	shalt  }
0x58: {  	_ =	shalt  }
0x59: {  	_ =	shalt  }
0x5a: {  	_ =	shalt  }
0x5b: {  	_ =	shalt  }
0x5c: {  	_ =	shalt  }
0x5d: {  	_ =	shalt  }
0x5e: {  	_ =	shalt  }
0x5f: {  	_ =	shalt  }
0x60: {  	_ =	shalt  }
0x61: {  	_ =	shalt  }
0x62: {  	_ =	shalt  }
0x63: {  	_ =	shalt  }
0x64: {  	_ =	shalt  }
0x65: {  	_ =	shalt  }
0x66: {  	_ =	shalt  }
0x67: {  	_ =	shalt  }
0x68: {  	_ =	shalt  }
0x69: {  	_ =	shalt  }
0x6a: {  	_ =	shalt  }
0x6b: {  	_ =	shalt  }
0x6c: {  	_ =	shalt  }
0x6d: {  	_ =	shalt  }
0x6e: {  	_ =	shalt  }
0x6f: {  	_ =	shalt  }
0x70: {  	_ =	shalt  }
0x71: {  	_ =	shalt  }
0x72: {  	_ =	shalt  }
0x73: {  	_ =	shalt  }
0x74: {  	_ =	shalt  }
0x75: {  	_ =	shalt  }
0x76: {  	_ =	shalt  }
0x77: {  	_ =	shalt  }
0x78: {  	_ =	shalt  }
0x79: {  	_ =	shalt  }
0x7a: {  	_ =	shalt  }
0x7b: {  	_ =	shalt  }
0x7c: {  	_ =	shalt  }
0x7d: {  	_ =	shalt  }
0x7e: {  	_ =	shalt  }
0x7f: {  	_ =	shalt  }
0x80: {  	_ =	shalt  }
0x81: {  	_ =	shalt  }
0x82: {  	_ =	shalt  }
0x83: {  	_ =	shalt  }
0x84: {  	_ =	shalt  }
0x85: {  	_ =	shalt  }
0x86: {  	_ =	shalt  }
0x87: {  	_ =	shalt  }
.Lfunc_end0:
.L_simem_size_0:
called_computation.1_lowered:
.L_overlay_start_0:
0x88: {  	s2 =	sld [smem:$0x3FD9]  }
0x89: {  	s3 =	sld [smem:$0x3FFE];
	_ =	sdelay $0x1  }
0x8a: {  	s1 =	srdreg.scid  }
0x8b: {  	s0 =	sand.u32 $0x1, s1  }
0x8c: {  	s17 =	sshll.u32 s0, $0xA;
	s2 =	sadd.s32 s3, s2  }
0x8d: {  	s2 =	sadd.s32 s2, s17  }
0x8e: {  	[smem:$0x3FC5] =	sst s2  }
0x8f: {  	_ = 	snop  }
0x90: {  	s2 =	sld [smem:$0x3FD0];
	(tm) =	ssettm $0x1  }
0x91: {  	s18 =	sld [smem:$0x3FFB];
	_ =	sdelay $0x3  }
0x92: {  	_ =	strace s18  }
0x93: {  	s3 =	sld [smem:$0x3FFC];
	_ =	sdelay $0x3  }
0x94: {  	_ =	strace s3  }
0x95: {  	s3 =	sld [smem:$0x3FFD];
	_ =	sdelay $0x3  }
0x96: {  	_ =	strace s3  }
0x97: {  	_ =	strace $0x8FFFFFFF  }
0x98: {  	s19 =	sld [smem:$0x3FDB];
	_ =	sdelay $0x1  }
0x99: {  	s4 =	simm.s32 $_scs_section_size  }
0x9a: {  	s5 =	simm.s32 $_size__tile_overlayer_lowered;
	s6 =	simm.s32 $_tile_overlayer_lowered  }
0x9b: {  	s22 =	simm.s32 $0x1BFF;
	s21 =	sshll.u32 s6, $0x1;
	s3 =	sadd.s32 s4, s19  }
0x9c: {  	s7 =	simm.s32 $0x0;
	s20 =	sshll.u32 s5, $0x1;
	s5 =	sadd.s32 s21, s3  }
0x9d: {  	[timem:s7], [sflag:s22] =	dma.local [hbm:s5], s20  }
0x9e: {  	_ =	swait.ge [sflag:s22], s20  }
0x9f: {  	s4 =	ssub.s32 $0x0, s20;
	[sflag:s22] =	ssyncset.done $0x0  }
0xa0: {  	[sflag:s22] =	ssyncadd.s32 s4;
	_ =	sdelay $0x1  }
0xa1: {  	s23 =	simm.s32 $0x1B8B  }
0xa2: {  	_ =	swait.ge [sflag:s23], $0x1  }
0xa3: {  	[sflag:s23] =	ssyncset.done $0x0  }
0xa4: {  	s25 =	simm.s32 $0x1B8E;
	s24 =	sld [smem:$0x3FFE];
	[sflag:s23] =	ssyncadd.s32 $0xFFFFFFFF  }
0xa5: {  	s26 =	simm.s32 $execute0_lowered;
	[smem:$0x3FD2] =	sst s25  }
0xa6: {  	s5 =	sshll.u32 s26, $0x1;
	_ =	strace $0x80000049;
	[dreg:$0x1] =	wrdreg $0xFFFFFFFF  }
0xa7: {  	s28 =	simm.s32 $_size_execute0_lowered;
	s3 =	sadd.s32 s3, s5;
	[dreg:$0x0] =	wrdreg $0x0  }
0xa8: {  	s5 =	sshll.u32 s28, $0x1;
	[dreg:$0x2] =	wrdreg s3  }
0xa9: {  	[dreg:$0x3] =	wrdreg s5  }
0xaa: {  	[dreg:$0x4] =	wrdreg $0xC0  }
0xab: {  	_ =	task [dreg:s7], $0x5FFFF  }
0xac: {  	[dreg:$0x1] =	wrdreg $0xFFFFFFFF  }
0xad: {  	[dreg:$0x0] =	wrdreg $0x60  }
0xae: {  	[dreg:$0x2] =	wrdreg s24  }
0xaf: {  	[dreg:$0x3] =	wrdreg s2  }
0xb0: {  	[dreg:$0x4] =	wrdreg $0x9  }
0xb1: {  	_ =	task.clear_ibuf [dreg:s7], $0x5FFFF;
	_ =	strace $0x90000049  }
0xb2: {  	s29 =	simm.s32 $0x9;
	_ =	strace $0x8000004B  }
0xb3: {  	_ =	swait.ge [sflag:s29], $0x1  }
0xb4: {  	[sflag:s29] =	ssyncadd.s32 $0xFFFFFFFF  }
0xb5: {  	_ =	strace $0x9000004B  }
0xb6: {  	_ =	sfence  }
0xb7: {  	s30 =	sld [smem:$0x0];
	_ =	sdelay $0x2  }
0xb8: {  	s31 =	sshll.u32 s1, $0xD;
	s1 =	sshrl.u32 s1, $0x2  }
0xb9: {  	s3 =	sand.u32 $0x4000, s31;
	s1 =	sadd.s32 s1, s30  }
0xba: {  	s0 =	sor.u32 s3, s0;
	s1 =	sshll.u32 s1, $0x11  }
0xbb: {  	s0 =	sor.u32 s1, s0  }
0xbc: {  	s0 =	sadd.s32 $0x8F2B, s0  }
0xbd: {  	[sflag:s0] =	ssyncadd.remote.s32 $0x1  }
0xbe: {  	_ =	sfence.sel $0xFFFF  }
0xbf: {  	[dreg:$0x0] =	wrdreg $0xFFFFFFFF;
	(pc) =	sbr.abs _section_cstart, $3  }
0xc0: {  	[dreg:$0x1] =	wrdreg $0xFFFFFFFF  }
0xc1: {  	_ =	task.clear_ibuf [dreg:s7], $0x2FFFF;
	_ =	strace $0x9FFFFFFF  }
0xc2: {  	(tm) =	ssettm $0x7FFFFFFF  }
0xc3: {  	_ =	shalt  }
tec
execute0_lowered:
.L_overlay_start_1:
0x0: {  	(tag) =	ssettag $0x1  }
0x1: {  	s3 =	rddreg [dreg:$0x0]  }
0x2: {  	s12 =	rddreg [dreg:$0x1]  }
0x3: {  	s0 =	rddreg [dreg:$0x2]  }
0x4: {  	s4 =	srdreg.scid;
	s1 =	stileid.u32;
	s2 =	simm.s32 $0x0  }
0x5: {  	s15 =	simm.s32 $0x1;
	s16 =	simm.s32 $0x1BA00;
	s17 =	simm.s32 $0x2  }
0x6: {  	s18 =	simm.s32 $0x3;
	s19 =	simm.s32 $0x1EC00;
	s20 =	simm.s32 $0x4  }
0x7: {  	s21 =	simm.s32 $0x0;
	s4 =	sand.u32 $0x1, s4;
	s5 =	sshll.u32 s1, $0x1  }
0x8: {  	[smem:$0x7FF] =	sst s2;
	s6 =	sadd.s32 $0x6C00, s3;
	s10 =	sor.u32 s4, s5  }
0x9: {  	s3 =	sadd.s32 $0x3A00, s3;
	s4 =	ssub.s32 $0x2, s4;
	s5 =	smul.u32 $0x19000, s10  }
0xa: {  	_ =	strace $0x8000004A;
	s7 =	smul.u32 $0x3200, s10;
	s8 =	sshrl.u32 s4, $0x1  }
0xb: {  	s14 =	sshll.u32 s10, $0x6;
	s13 =	ssub.s32 s4, s8;
	s5 =	sshrl.u32 s5, $0x3  }
0xc: {  	v0 =	vlaneseq.u32;
	s12 =	sadd.s32 s12, s14;
	s14 =	simm.s32 $0x18800;
	s11 =	sadd.s32 s6, s5  }
0xd: {  	v0 =	vmul.u32 $0xC8, v0;
	s4 =	sadd.s32 s6, s7;
	s13 =	smax.u32 s13, $0x1;
	s5 =	sadd.s32 $0x640, s11  }
0xe: {  	s6 =	sadd.s32 $0xC80, s11;
	s7 =	sadd.s32 $0x12C0, s11;
	s8 =	sadd.s32 $0x1900, s11  }
0xf: {  	v1 =	vadd.s32 $0xC80, v0;
	v2 =	vadd.s32 $0x1900, v0;
	v3 =	vadd.s32 $0x2580, v0;
	s9 =	sadd.s32 $0x1F40, s11;
	s10 =	sadd.s32 $0x2580, s11;
	s11 =	sadd.s32 $0x2BC0, s11  }
.LBB2_1:
0x10: {  	[tilespmem:s2], [sflag:$0x1] =	stream.linear.gather [hbm4b:s3+s2], $0x18800, $0x38;
	[tilespmem:$0x1EE00] =	vst v63  }
0x11: {  	_ = 	snop  }
0x12: {  	[tilespmem:s14], [sflag:$0x2] =	stream.linear.gather [hbm4b:s4+s2], $0x3200, $0x38;
	[tilespmem:$0x1EE00] =	vst v63  }
0x13: {  	_ =	swait.ge [sflag:s15], $0x18800  }
0x14: {  	[sflag:s15] =	ssyncset.done $0x0  }
0x15: {  	v4 =	vadd.s32 s2, v0;
	[sflag:s15] =	ssyncadd.s32 $0xFFFE7800  }
0x16: {  	v5 =	vadd.s32 s2, v1;
	[tilespmem:s16], [sflag:$0x3] =	stream.linear.gather [hbm4b:s5+s2], $0x3200, $0x38;
	[tilespmem:$0x1EE00] =	vst v63  }
0x17: {  	v6 =	vadd.s32 s2, v2;
	_ =	swait.ge [sflag:s17], $0x3200  }
0x18: {  	v8 =	vadd.s32 s2, v3;
	s22 =	simm.s32 $0x3;
	[sflag:s17] =	ssyncset.done $0x0  }
0x19: {  	s23 =	simm.s32 $0x2;
	v9 =	vadd.s32 s22, v0;
	[sflag:s17] =	ssyncadd.s32 $0xFFFFCE00  }
0x1a: {  	v11 =	vadd.s32 s23, v1;
	v7 =	vld.idx.msk [tilespmem:v4+s14+$0x0], $0xffff  }
0x1b: {  	s31 =	simm.s32 $0x1;
	v17 =	vadd.s32 s23, v3;
	v10 =	vld.idx.msk [tilespmem:v5+s14+$0x0], $0xffff  }
0x1c: {  	v20 =	vadd.s32 s31, v0;
	v12 =	vld.idx.msk [tilespmem:v6+s14+$0x0], $0xffff  }
0x1d: {  	v4 =	vadd.s32 s22, v1;
	v13 =	vld.idx.msk [tilespmem:v8+s14+$0x0], $0xffff  }
0x1e: {  	v5 =	vadd.s32 s22, v2;
	v14 =	vld.idx.msk [tilespmem:v9+s14+$0x0], $0xffff  }
0x1f: {  	v6 =	vadd.s32 s22, v3;
	v19 =	vld.idx.msk [tilespmem:v11+s14+$0x0], $0xffff  }
0x20: {  	v8 =	vadd.s32 s23, v0;
	v17 =	vld.idx.msk [tilespmem:v17+s14+$0x0], $0xffff  }
0x21: {  	v9 =	vadd.s32 s23, v2;
	v20 =	vld.idx.msk [tilespmem:v20+s14+$0x0], $0xffff  }
0x22: {  	v21 =	vadd.s32 s31, v1;
	v15 =	vld.idx.msk [tilespmem:v4+s14+$0x0], $0xffff  }
0x23: {  	v22 =	vadd.s32 s31, v2;
	v5 =	vld.idx.msk [tilespmem:v5+s14+$0x0], $0xffff  }
0x24: {  	v23 =	vadd.s32 s31, v3;
	v4 =	vld.idx.msk [tilespmem:v6+s14+$0x0], $0xffff  }
0x25: {  	v11 =	vimm.f32 $1.000000000e+00;
	v18 =	vld.idx.msk [tilespmem:v8+s14+$0x0], $0xffff  }
0x26: {  	s22 =	simm.s32 $0x4;
	v6 =	vimm.f32 $1.000000000e+00;
	v16 =	vld.idx.msk [tilespmem:v9+s14+$0x0], $0xffff;
	v9 =	vimm.f32 $1.000000000e+00;
	v8 =	vimm.f32 $1.000000000e+00  }
.LBB2_2:
0x27: {  	p0 =	slt.u32 s22, $0xC4;
	v21 =	vld.idx.msk [tilespmem:v21+s14+$0x0], $0xffff  }
0x28: {  	v22 =	vld.idx.msk [tilespmem:v22+s14+$0x0], $0xffff  }
0x29: {  	v23 =	vld.idx.msk [tilespmem:v23+s14+$0x0], $0xffff  }
0x2a: {  	v7 =	vld.idx.msk [tilespmem:v7+s2+$0x0], $0xffff  }
0x2b: {  	v10 =	vld.idx.msk [tilespmem:v10+s2+$0x0], $0xffff  }
0x2c: {  	v12 =	vld.idx.msk [tilespmem:v12+s2+$0x0], $0xffff  }
0x2d: {  	v13 =	vld.idx.msk [tilespmem:v13+s2+$0x0], $0xffff  }
0x2e: {  	v24 =	vld.idx.msk [tilespmem:v14+s2+$0x0], $0xffff  }
0x2f: {  	v15 =	vld.idx.msk [tilespmem:v15+s2+$0x0], $0xffff  }
0x30: {  	v14 =	vld.idx.msk [tilespmem:v18+s2+$0x0], $0xffff  }
0x31: {  	v18 =	vld.idx.msk [tilespmem:v19+s2+$0x0], $0xffff  }
0x32: {  	v19 =	vld.idx.msk [tilespmem:v20+s2+$0x0], $0xffff  }
0x33: {  	v20 =	vld.idx.msk [tilespmem:v21+s2+$0x0], $0xffff  }
0x34: {  	v21 =	vld.idx.msk [tilespmem:v22+s2+$0x0], $0xffff  }
0x35: {  	v22 =	vadd.s32 s22, v0;
	v23 =	vld.idx.msk [tilespmem:v23+s2+$0x0], $0xffff  }
0x36: {  	v25 =	vadd.s32 s22, v1;
	v16 =	vld.idx.msk [tilespmem:v16+s2+$0x0], $0xffff  }
0x37: {  	v26 =	vadd.s32 s22, v2;
	v17 =	vld.idx.msk [tilespmem:v17+s2+$0x0], $0xffff  }
0x38: {  	v27 =	vadd.s32 s22, v3;
	s23 =	sadd.s32 $0x3, s22;
	v6 =	vmul.f32 v7, v6;
	v10 =	vmul.f32 v10, v11;
	v5 =	vld.idx.msk [tilespmem:v5+s2+$0x0], $0xffff  }
0x39: {  	v11 =	vadd.s32 s23, v0;
	v9 =	vmul.f32 v12, v9;
	v8 =	vmul.f32 v13, v8;
	v4 =	vld.idx.msk [tilespmem:v4+s2+$0x0], $0xffff  }
0x3a: {  	v6 =	vmul.f32 v19, v6;
	v13 =	vmul.f32 v20, v10;
	v7 =	vld.idx.msk [tilespmem:v22+s14+$0x0], $0xffff;
	v22 =	vadd.s32 s23, v1  }
0x3b: {  	v19 =	vadd.s32 s23, v2;
	v9 =	vmul.f32 v21, v9;
	v8 =	vmul.f32 v23, v8;
	v10 =	vld.idx.msk [tilespmem:v25+s14+$0x0], $0xffff  }
0x3c: {  	s24 =	sadd.s32 $0x2, s22;
	v20 =	vadd.s32 s23, v3;
	v6 =	vmul.f32 v14, v6;
	v18 =	vmul.f32 v18, v13;
	v12 =	vld.idx.msk [tilespmem:v26+s14+$0x0], $0xffff  }
0x3d: {  	v23 =	vadd.s32 s24, v0;
	v9 =	vmul.f32 v16, v9;
	v8 =	vmul.f32 v17, v8;
	v13 =	vld.idx.msk [tilespmem:v27+s14+$0x0], $0xffff  }
0x3e: {  	v16 =	vadd.s32 s24, v1;
	v6 =	vmul.f32 v24, v6;
	v14 =	vld.idx.msk [tilespmem:v11+s14+$0x0], $0xffff;
	v11 =	vmul.f32 v15, v18  }
0x3f: {  	v17 =	vadd.s32 s24, v2;
	v9 =	vmul.f32 v5, v9;
	v8 =	vmul.f32 v4, v8;
	v15 =	vld.idx.msk [tilespmem:v22+s14+$0x0], $0xffff  }
0x40: {  	s23 =	sadd.s32 $0x1, s22;
	v24 =	vadd.s32 s24, v3;
	v5 =	vld.idx.msk [tilespmem:v19+s14+$0x0], $0xffff  }
0x41: {  	v25 =	vadd.s32 s23, v0;
	v4 =	vld.idx.msk [tilespmem:v20+s14+$0x0], $0xffff  }
.Ltmp0:
0x42: {  	v21 =	vadd.s32 s23, v1;
	v18 =	vld.idx.msk [tilespmem:v23+s14+$0x0], $0xffff;
	(pc) =	sbr.rel @p0 .LBB2_2-.Ltmp0, $4  }
0x43: {  	v22 =	vadd.s32 s23, v2;
	v19 =	vld.idx.msk [tilespmem:v16+s14+$0x0], $0xffff  }
0x44: {  	v23 =	vadd.s32 s23, v3;
	v16 =	vld.idx.msk [tilespmem:v17+s14+$0x0], $0xffff  }
0x45: {  	v17 =	vld.idx.msk [tilespmem:v24+s14+$0x0], $0xffff  }
0x46: {  	s22 =	sadd.s32 $0x4, s22;
	v20 =	vld.idx.msk [tilespmem:v25+s14+$0x0], $0xffff  }
0x47: {  	_ =	sdelay $0x3  }
0x48: {  	v21 =	vld.idx.msk [tilespmem:v21+s14+$0x0], $0xffff  }
0x49: {  	v22 =	vld.idx.msk [tilespmem:v22+s14+$0x0], $0xffff  }
0x4a: {  	v23 =	vld.idx.msk [tilespmem:v23+s14+$0x0], $0xffff  }
0x4b: {  	v7 =	vld.idx.msk [tilespmem:v7+s2+$0x0], $0xffff  }
0x4c: {  	v10 =	vld.idx.msk [tilespmem:v10+s2+$0x0], $0xffff  }
0x4d: {  	v12 =	vld.idx.msk [tilespmem:v12+s2+$0x0], $0xffff  }
0x4e: {  	v13 =	vld.idx.msk [tilespmem:v13+s2+$0x0], $0xffff  }
0x4f: {  	v14 =	vld.idx.msk [tilespmem:v14+s2+$0x0], $0xffff  }
0x50: {  	v15 =	vld.idx.msk [tilespmem:v15+s2+$0x0], $0xffff  }
0x51: {  	v18 =	vld.idx.msk [tilespmem:v18+s2+$0x0], $0xffff  }
0x52: {  	v19 =	vld.idx.msk [tilespmem:v19+s2+$0x0], $0xffff  }
0x53: {  	v20 =	vld.idx.msk [tilespmem:v20+s2+$0x0], $0xffff  }
0x54: {  	v21 =	vld.idx.msk [tilespmem:v21+s2+$0x0], $0xffff  }
0x55: {  	v22 =	vld.idx.msk [tilespmem:v22+s2+$0x0], $0xffff  }
0x56: {  	v6 =	vmul.f32 v7, v6;
	v23 =	vld.idx.msk [tilespmem:v23+s2+$0x0], $0xffff  }
0x57: {  	v7 =	vld.idx.msk [tilespmem:v16+s2+$0x0], $0xffff;
	v10 =	vmul.f32 v10, v11  }
0x58: {  	v11 =	vld.idx.msk [tilespmem:v17+s2+$0x0], $0xffff;
	v9 =	vmul.f32 v12, v9;
	v6 =	vmul.f32 v20, v6  }
0x59: {  	v5 =	vld.idx.msk [tilespmem:v5+s2+$0x0], $0xffff;
	v8 =	vmul.f32 v13, v8;
	v10 =	vmul.f32 v21, v10  }
0x5a: {  	v4 =	vld.idx.msk [tilespmem:v4+s2+$0x0], $0xffff;
	v6 =	vmul.f32 v18, v6;
	v9 =	vmul.f32 v22, v9  }
0x5b: {  	v8 =	vmul.f32 v23, v8;
	v10 =	vmul.f32 v19, v10  }
0x5c: {  	v6 =	vmul.f32 v14, v6;
	v7 =	vmul.f32 v7, v9  }
0x5d: {  	v8 =	vmul.f32 v11, v8;
	v9 =	vmul.f32 v15, v10  }
0x5e: {  	v6 =	vsub.f32 $1.000000000e+00, v6;
	v5 =	vmul.f32 v5, v7  }
0x5f: {  	v4 =	vmul.f32 v4, v8;
	v7 =	vsub.f32 $1.000000000e+00, v9  }
0x60: {  	v6 =	vmax.f32 v6, $9.999999740e-05;
	v5 =	vsub.f32 $1.000000000e+00, v5  }
0x61: {  	v6 =	vmin.f32 v6, $9.999899860e-01;
	v4 =	vsub.f32 $1.000000000e+00, v4;
	v7 =	vmax.f32 v7, $9.999999740e-05  }
0x62: {  	[tilespmem:$0x1EC00] =	vst v6;
	v5 =	vmax.f32 v5, $9.999999740e-05;
	v6 =	vmin.f32 v7, $9.999899860e-01  }
0x63: {  	v4 =	vmax.f32 v4, $9.999999740e-05;
	v5 =	vmin.f32 v5, $9.999899860e-01;
	[tilespmem:$0x1EC10] =	vst v6  }
0x64: {  	s22 =	simm.s32 $0x0;
	v4 =	vmin.f32 v4, $9.999899860e-01;
	[tilespmem:$0x1EC20] =	vst v5  }
0x65: {  	[tilespmem:$0x1EC30] =	vst v4;
	v4 =	vadd.s32 s22, v0  }
0x66: {  	v5 =	vadd.s32 s22, v1;
	[tilespmem:s14], [sflag:$0x2] =	stream.linear.gather [hbm4b:s6+s22], $0x3200, $0x38;
	[tilespmem:$0x1EE00] =	vst v63  }
0x67: {  	v6 =	vadd.s32 s22, v2;
	_ =	swait.ge [sflag:s18], $0x3200  }
0x68: {  	s30 =	simm.s32 $0x3;
	v8 =	vadd.s32 s22, v3;
	[sflag:s18] =	ssyncset.done $0x0  }
0x69: {  	s23 =	simm.s32 $0x2;
	v9 =	vadd.s32 s30, v0;
	[sflag:s18] =	ssyncadd.s32 $0xFFFFCE00  }
0x6a: {  	v11 =	vadd.s32 s23, v1;
	v7 =	vld.idx.msk [tilespmem:v4+s16+$0x0], $0xffff  }
0x6b: {  	s31 =	simm.s32 $0x1;
	v17 =	vadd.s32 s23, v3;
	v10 =	vld.idx.msk [tilespmem:v5+s16+$0x0], $0xffff  }
0x6c: {  	v20 =	vadd.s32 s31, v0;
	v12 =	vld.idx.msk [tilespmem:v6+s16+$0x0], $0xffff  }
0x6d: {  	v4 =	vadd.s32 s30, v1;
	v13 =	vld.idx.msk [tilespmem:v8+s16+$0x0], $0xffff  }
0x6e: {  	v5 =	vadd.s32 s30, v2;
	v14 =	vld.idx.msk [tilespmem:v9+s16+$0x0], $0xffff  }
0x6f: {  	v6 =	vadd.s32 s30, v3;
	v19 =	vld.idx.msk [tilespmem:v11+s16+$0x0], $0xffff  }
0x70: {  	v8 =	vadd.s32 s23, v0;
	v17 =	vld.idx.msk [tilespmem:v17+s16+$0x0], $0xffff  }
0x71: {  	v9 =	vadd.s32 s23, v2;
	v20 =	vld.idx.msk [tilespmem:v20+s16+$0x0], $0xffff  }
0x72: {  	v21 =	vadd.s32 s31, v1;
	v15 =	vld.idx.msk [tilespmem:v4+s16+$0x0], $0xffff  }
0x73: {  	v22 =	vadd.s32 s31, v2;
	v5 =	vld.idx.msk [tilespmem:v5+s16+$0x0], $0xffff  }
0x74: {  	v23 =	vadd.s32 s31, v3;
	v4 =	vld.idx.msk [tilespmem:v6+s16+$0x0], $0xffff  }
0x75: {  	v11 =	vimm.f32 $1.000000000e+00;
	v18 =	vld.idx.msk [tilespmem:v8+s16+$0x0], $0xffff  }
0x76: {  	s22 =	simm.s32 $0x4;
	v6 =	vimm.f32 $1.000000000e+00;
	v16 =	vld.idx.msk [tilespmem:v9+s16+$0x0], $0xffff;
	v9 =	vimm.f32 $1.000000000e+00;
	v8 =	vimm.f32 $1.000000000e+00  }
.LBB2_4:
0x77: {  	p0 =	slt.u32 s22, $0xC4;
	v21 =	vld.idx.msk [tilespmem:v21+s16+$0x0], $0xffff  }
0x78: {  	v22 =	vld.idx.msk [tilespmem:v22+s16+$0x0], $0xffff  }
0x79: {  	v23 =	vld.idx.msk [tilespmem:v23+s16+$0x0], $0xffff  }
0x7a: {  	v7 =	vld.idx.msk [tilespmem:v7+s2+$0x0], $0xffff  }
0x7b: {  	v10 =	vld.idx.msk [tilespmem:v10+s2+$0x0], $0xffff  }
0x7c: {  	v12 =	vld.idx.msk [tilespmem:v12+s2+$0x0], $0xffff  }
0x7d: {  	v13 =	vld.idx.msk [tilespmem:v13+s2+$0x0], $0xffff  }
0x7e: {  	v24 =	vld.idx.msk [tilespmem:v14+s2+$0x0], $0xffff  }
0x7f: {  	v15 =	vld.idx.msk [tilespmem:v15+s2+$0x0], $0xffff  }
0x80: {  	v14 =	vld.idx.msk [tilespmem:v18+s2+$0x0], $0xffff  }
0x81: {  	v18 =	vld.idx.msk [tilespmem:v19+s2+$0x0], $0xffff  }
0x82: {  	v19 =	vld.idx.msk [tilespmem:v20+s2+$0x0], $0xffff  }
0x83: {  	v20 =	vld.idx.msk [tilespmem:v21+s2+$0x0], $0xffff  }
0x84: {  	v21 =	vld.idx.msk [tilespmem:v22+s2+$0x0], $0xffff  }
0x85: {  	v22 =	vadd.s32 s22, v0;
	v23 =	vld.idx.msk [tilespmem:v23+s2+$0x0], $0xffff  }
0x86: {  	v25 =	vadd.s32 s22, v1;
	v16 =	vld.idx.msk [tilespmem:v16+s2+$0x0], $0xffff  }
0x87: {  	v26 =	vadd.s32 s22, v2;
	v17 =	vld.idx.msk [tilespmem:v17+s2+$0x0], $0xffff  }
0x88: {  	v27 =	vadd.s32 s22, v3;
	s23 =	sadd.s32 $0x3, s22;
	v6 =	vmul.f32 v7, v6;
	v10 =	vmul.f32 v10, v11;
	v5 =	vld.idx.msk [tilespmem:v5+s2+$0x0], $0xffff  }
0x89: {  	v11 =	vadd.s32 s23, v0;
	v9 =	vmul.f32 v12, v9;
	v8 =	vmul.f32 v13, v8;
	v4 =	vld.idx.msk [tilespmem:v4+s2+$0x0], $0xffff  }
0x8a: {  	v6 =	vmul.f32 v19, v6;
	v13 =	vmul.f32 v20, v10;
	v7 =	vld.idx.msk [tilespmem:v22+s16+$0x0], $0xffff;
	v22 =	vadd.s32 s23, v1  }
0x8b: {  	v19 =	vadd.s32 s23, v2;
	v9 =	vmul.f32 v21, v9;
	v8 =	vmul.f32 v23, v8;
	v10 =	vld.idx.msk [tilespmem:v25+s16+$0x0], $0xffff  }
0x8c: {  	s24 =	sadd.s32 $0x2, s22;
	v20 =	vadd.s32 s23, v3;
	v6 =	vmul.f32 v14, v6;
	v18 =	vmul.f32 v18, v13;
	v12 =	vld.idx.msk [tilespmem:v26+s16+$0x0], $0xffff  }
0x8d: {  	v23 =	vadd.s32 s24, v0;
	v9 =	vmul.f32 v16, v9;
	v8 =	vmul.f32 v17, v8;
	v13 =	vld.idx.msk [tilespmem:v27+s16+$0x0], $0xffff  }
0x8e: {  	v16 =	vadd.s32 s24, v1;
	v6 =	vmul.f32 v24, v6;
	v14 =	vld.idx.msk [tilespmem:v11+s16+$0x0], $0xffff;
	v11 =	vmul.f32 v15, v18  }
0x8f: {  	v17 =	vadd.s32 s24, v2;
	v9 =	vmul.f32 v5, v9;
	v8 =	vmul.f32 v4, v8;
	v15 =	vld.idx.msk [tilespmem:v22+s16+$0x0], $0xffff  }
0x90: {  	s23 =	sadd.s32 $0x1, s22;
	v24 =	vadd.s32 s24, v3;
	v5 =	vld.idx.msk [tilespmem:v19+s16+$0x0], $0xffff  }
0x91: {  	v25 =	vadd.s32 s23, v0;
	v4 =	vld.idx.msk [tilespmem:v20+s16+$0x0], $0xffff  }
.Ltmp1:
0x92: {  	v21 =	vadd.s32 s23, v1;
	v18 =	vld.idx.msk [tilespmem:v23+s16+$0x0], $0xffff;
	(pc) =	sbr.rel @p0 .LBB2_4-.Ltmp1, $4  }
0x93: {  	v22 =	vadd.s32 s23, v2;
	v19 =	vld.idx.msk [tilespmem:v16+s16+$0x0], $0xffff  }
0x94: {  	v23 =	vadd.s32 s23, v3;
	v16 =	vld.idx.msk [tilespmem:v17+s16+$0x0], $0xffff  }
0x95: {  	v17 =	vld.idx.msk [tilespmem:v24+s16+$0x0], $0xffff  }
0x96: {  	s22 =	sadd.s32 $0x4, s22;
	v20 =	vld.idx.msk [tilespmem:v25+s16+$0x0], $0xffff  }
0x97: {  	_ =	sdelay $0x3  }
0x98: {  	v21 =	vld.idx.msk [tilespmem:v21+s16+$0x0], $0xffff  }
0x99: {  	v22 =	vld.idx.msk [tilespmem:v22+s16+$0x0], $0xffff  }
0x9a: {  	v23 =	vld.idx.msk [tilespmem:v23+s16+$0x0], $0xffff  }
0x9b: {  	v7 =	vld.idx.msk [tilespmem:v7+s2+$0x0], $0xffff  }
0x9c: {  	v10 =	vld.idx.msk [tilespmem:v10+s2+$0x0], $0xffff  }
0x9d: {  	v12 =	vld.idx.msk [tilespmem:v12+s2+$0x0], $0xffff  }
0x9e: {  	v13 =	vld.idx.msk [tilespmem:v13+s2+$0x0], $0xffff  }
0x9f: {  	v14 =	vld.idx.msk [tilespmem:v14+s2+$0x0], $0xffff  }
0xa0: {  	v15 =	vld.idx.msk [tilespmem:v15+s2+$0x0], $0xffff  }
0xa1: {  	v18 =	vld.idx.msk [tilespmem:v18+s2+$0x0], $0xffff  }
0xa2: {  	v19 =	vld.idx.msk [tilespmem:v19+s2+$0x0], $0xffff  }
0xa3: {  	v20 =	vld.idx.msk [tilespmem:v20+s2+$0x0], $0xffff  }
0xa4: {  	v21 =	vld.idx.msk [tilespmem:v21+s2+$0x0], $0xffff  }
0xa5: {  	v22 =	vld.idx.msk [tilespmem:v22+s2+$0x0], $0xffff  }
0xa6: {  	v6 =	vmul.f32 v7, v6;
	v23 =	vld.idx.msk [tilespmem:v23+s2+$0x0], $0xffff  }
0xa7: {  	v7 =	vld.idx.msk [tilespmem:v16+s2+$0x0], $0xffff;
	v10 =	vmul.f32 v10, v11  }
0xa8: {  	v11 =	vld.idx.msk [tilespmem:v17+s2+$0x0], $0xffff;
	v9 =	vmul.f32 v12, v9;
	v6 =	vmul.f32 v20, v6  }
0xa9: {  	v5 =	vld.idx.msk [tilespmem:v5+s2+$0x0], $0xffff;
	v8 =	vmul.f32 v13, v8;
	v10 =	vmul.f32 v21, v10  }
0xaa: {  	v4 =	vld.idx.msk [tilespmem:v4+s2+$0x0], $0xffff;
	v6 =	vmul.f32 v18, v6;
	v9 =	vmul.f32 v22, v9  }
0xab: {  	v8 =	vmul.f32 v23, v8;
	v10 =	vmul.f32 v19, v10  }
0xac: {  	v6 =	vmul.f32 v14, v6;
	v7 =	vmul.f32 v7, v9  }
0xad: {  	v8 =	vmul.f32 v11, v8;
	v9 =	vmul.f32 v15, v10  }
0xae: {  	v6 =	vsub.f32 $1.000000000e+00, v6;
	v5 =	vmul.f32 v5, v7  }
0xaf: {  	v4 =	vmul.f32 v4, v8;
	v7 =	vsub.f32 $1.000000000e+00, v9  }
0xb0: {  	v6 =	vmax.f32 v6, $9.999999740e-05;
	v5 =	vsub.f32 $1.000000000e+00, v5  }
0xb1: {  	v6 =	vmin.f32 v6, $9.999899860e-01;
	v4 =	vsub.f32 $1.000000000e+00, v4;
	v7 =	vmax.f32 v7, $9.999999740e-05  }
0xb2: {  	[tilespmem:$0x1EC40] =	vst v6;
	v5 =	vmax.f32 v5, $9.999999740e-05;
	v6 =	vmin.f32 v7, $9.999899860e-01  }
0xb3: {  	v4 =	vmax.f32 v4, $9.999999740e-05;
	v5 =	vmin.f32 v5, $9.999899860e-01;
	[tilespmem:$0x1EC50] =	vst v6  }
0xb4: {  	s22 =	simm.s32 $0x0;
	v4 =	vmin.f32 v4, $9.999899860e-01;
	[tilespmem:$0x1EC60] =	vst v5  }
0xb5: {  	[tilespmem:$0x1EC70] =	vst v4;
	v4 =	vadd.s32 s22, v0  }
0xb6: {  	v5 =	vadd.s32 s22, v1;
	[tilespmem:s16], [sflag:$0x3] =	stream.linear.gather [hbm4b:s7+s22], $0x3200, $0x38;
	[tilespmem:$0x1EE00] =	vst v63  }
0xb7: {  	v6 =	vadd.s32 s22, v2;
	_ =	swait.ge [sflag:s17], $0x3200  }
0xb8: {  	s30 =	simm.s32 $0x3;
	v8 =	vadd.s32 s22, v3;
	[sflag:s17] =	ssyncset.done $0x0  }
0xb9: {  	s23 =	simm.s32 $0x2;
	v9 =	vadd.s32 s30, v0;
	[sflag:s17] =	ssyncadd.s32 $0xFFFFCE00  }
0xba: {  	v11 =	vadd.s32 s23, v1;
	v7 =	vld.idx.msk [tilespmem:v4+s14+$0x0], $0xffff  }
0xbb: {  	s31 =	simm.s32 $0x1;
	v17 =	vadd.s32 s23, v3;
	v10 =	vld.idx.msk [tilespmem:v5+s14+$0x0], $0xffff  }
0xbc: {  	v20 =	vadd.s32 s31, v0;
	v12 =	vld.idx.msk [tilespmem:v6+s14+$0x0], $0xffff  }
0xbd: {  	v4 =	vadd.s32 s30, v1;
	v13 =	vld.idx.msk [tilespmem:v8+s14+$0x0], $0xffff  }
0xbe: {  	v5 =	vadd.s32 s30, v2;
	v14 =	vld.idx.msk [tilespmem:v9+s14+$0x0], $0xffff  }
0xbf: {  	v6 =	vadd.s32 s30, v3;
	v19 =	vld.idx.msk [tilespmem:v11+s14+$0x0], $0xffff  }
0xc0: {  	v8 =	vadd.s32 s23, v0;
	v17 =	vld.idx.msk [tilespmem:v17+s14+$0x0], $0xffff  }
0xc1: {  	v9 =	vadd.s32 s23, v2;
	v20 =	vld.idx.msk [tilespmem:v20+s14+$0x0], $0xffff  }
0xc2: {  	v21 =	vadd.s32 s31, v1;
	v15 =	vld.idx.msk [tilespmem:v4+s14+$0x0], $0xffff  }
0xc3: {  	v22 =	vadd.s32 s31, v2;
	v5 =	vld.idx.msk [tilespmem:v5+s14+$0x0], $0xffff  }
0xc4: {  	v23 =	vadd.s32 s31, v3;
	v4 =	vld.idx.msk [tilespmem:v6+s14+$0x0], $0xffff  }
0xc5: {  	v11 =	vimm.f32 $1.000000000e+00;
	v18 =	vld.idx.msk [tilespmem:v8+s14+$0x0], $0xffff  }
0xc6: {  	s22 =	simm.s32 $0x4;
	v6 =	vimm.f32 $1.000000000e+00;
	v16 =	vld.idx.msk [tilespmem:v9+s14+$0x0], $0xffff;
	v9 =	vimm.f32 $1.000000000e+00;
	v8 =	vimm.f32 $1.000000000e+00  }
.LBB2_6:
0xc7: {  	p0 =	slt.u32 s22, $0xC4;
	v21 =	vld.idx.msk [tilespmem:v21+s14+$0x0], $0xffff  }
0xc8: {  	v22 =	vld.idx.msk [tilespmem:v22+s14+$0x0], $0xffff  }
0xc9: {  	v23 =	vld.idx.msk [tilespmem:v23+s14+$0x0], $0xffff  }
0xca: {  	v7 =	vld.idx.msk [tilespmem:v7+s2+$0x0], $0xffff  }
0xcb: {  	v10 =	vld.idx.msk [tilespmem:v10+s2+$0x0], $0xffff  }
0xcc: {  	v12 =	vld.idx.msk [tilespmem:v12+s2+$0x0], $0xffff  }
0xcd: {  	v13 =	vld.idx.msk [tilespmem:v13+s2+$0x0], $0xffff  }
0xce: {  	v24 =	vld.idx.msk [tilespmem:v14+s2+$0x0], $0xffff  }
0xcf: {  	v15 =	vld.idx.msk [tilespmem:v15+s2+$0x0], $0xffff  }
0xd0: {  	v14 =	vld.idx.msk [tilespmem:v18+s2+$0x0], $0xffff  }
0xd1: {  	v18 =	vld.idx.msk [tilespmem:v19+s2+$0x0], $0xffff  }
0xd2: {  	v19 =	vld.idx.msk [tilespmem:v20+s2+$0x0], $0xffff  }
0xd3: {  	v20 =	vld.idx.msk [tilespmem:v21+s2+$0x0], $0xffff  }
0xd4: {  	v21 =	vld.idx.msk [tilespmem:v22+s2+$0x0], $0xffff  }
0xd5: {  	v22 =	vadd.s32 s22, v0;
	v23 =	vld.idx.msk [tilespmem:v23+s2+$0x0], $0xffff  }
0xd6: {  	v25 =	vadd.s32 s22, v1;
	v16 =	vld.idx.msk [tilespmem:v16+s2+$0x0], $0xffff  }
0xd7: {  	v26 =	vadd.s32 s22, v2;
	v17 =	vld.idx.msk [tilespmem:v17+s2+$0x0], $0xffff  }
0xd8: {  	v27 =	vadd.s32 s22, v3;
	s23 =	sadd.s32 $0x3, s22;
	v6 =	vmul.f32 v7, v6;
	v10 =	vmul.f32 v10, v11;
	v5 =	vld.idx.msk [tilespmem:v5+s2+$0x0], $0xffff  }
0xd9: {  	v11 =	vadd.s32 s23, v0;
	v9 =	vmul.f32 v12, v9;
	v8 =	vmul.f32 v13, v8;
	v4 =	vld.idx.msk [tilespmem:v4+s2+$0x0], $0xffff  }
0xda: {  	v6 =	vmul.f32 v19, v6;
	v13 =	vmul.f32 v20, v10;
	v7 =	vld.idx.msk [tilespmem:v22+s14+$0x0], $0xffff;
	v22 =	vadd.s32 s23, v1  }
0xdb: {  	v19 =	vadd.s32 s23, v2;
	v9 =	vmul.f32 v21, v9;
	v8 =	vmul.f32 v23, v8;
	v10 =	vld.idx.msk [tilespmem:v25+s14+$0x0], $0xffff  }
0xdc: {  	s24 =	sadd.s32 $0x2, s22;
	v20 =	vadd.s32 s23, v3;
	v6 =	vmul.f32 v14, v6;
	v18 =	vmul.f32 v18, v13;
	v12 =	vld.idx.msk [tilespmem:v26+s14+$0x0], $0xffff  }
0xdd: {  	v23 =	vadd.s32 s24, v0;
	v9 =	vmul.f32 v16, v9;
	v8 =	vmul.f32 v17, v8;
	v13 =	vld.idx.msk [tilespmem:v27+s14+$0x0], $0xffff  }
0xde: {  	v16 =	vadd.s32 s24, v1;
	v6 =	vmul.f32 v24, v6;
	v14 =	vld.idx.msk [tilespmem:v11+s14+$0x0], $0xffff;
	v11 =	vmul.f32 v15, v18  }
0xdf: {  	v17 =	vadd.s32 s24, v2;
	v9 =	vmul.f32 v5, v9;
	v8 =	vmul.f32 v4, v8;
	v15 =	vld.idx.msk [tilespmem:v22+s14+$0x0], $0xffff  }
0xe0: {  	s23 =	sadd.s32 $0x1, s22;
	v24 =	vadd.s32 s24, v3;
	v5 =	vld.idx.msk [tilespmem:v19+s14+$0x0], $0xffff  }
0xe1: {  	v25 =	vadd.s32 s23, v0;
	v4 =	vld.idx.msk [tilespmem:v20+s14+$0x0], $0xffff  }
.Ltmp2:
0xe2: {  	v21 =	vadd.s32 s23, v1;
	v18 =	vld.idx.msk [tilespmem:v23+s14+$0x0], $0xffff;
	(pc) =	sbr.rel @p0 .LBB2_6-.Ltmp2, $4  }
0xe3: {  	v22 =	vadd.s32 s23, v2;
	v19 =	vld.idx.msk [tilespmem:v16+s14+$0x0], $0xffff  }
0xe4: {  	v23 =	vadd.s32 s23, v3;
	v16 =	vld.idx.msk [tilespmem:v17+s14+$0x0], $0xffff  }
0xe5: {  	v17 =	vld.idx.msk [tilespmem:v24+s14+$0x0], $0xffff  }
0xe6: {  	s22 =	sadd.s32 $0x4, s22;
	v20 =	vld.idx.msk [tilespmem:v25+s14+$0x0], $0xffff  }
0xe7: {  	_ =	sdelay $0x3  }
0xe8: {  	v21 =	vld.idx.msk [tilespmem:v21+s14+$0x0], $0xffff  }
0xe9: {  	v22 =	vld.idx.msk [tilespmem:v22+s14+$0x0], $0xffff  }
0xea: {  	v23 =	vld.idx.msk [tilespmem:v23+s14+$0x0], $0xffff  }
0xeb: {  	v7 =	vld.idx.msk [tilespmem:v7+s2+$0x0], $0xffff  }
0xec: {  	v10 =	vld.idx.msk [tilespmem:v10+s2+$0x0], $0xffff  }
0xed: {  	v12 =	vld.idx.msk [tilespmem:v12+s2+$0x0], $0xffff  }
0xee: {  	v13 =	vld.idx.msk [tilespmem:v13+s2+$0x0], $0xffff  }
0xef: {  	v14 =	vld.idx.msk [tilespmem:v14+s2+$0x0], $0xffff  }
0xf0: {  	v15 =	vld.idx.msk [tilespmem:v15+s2+$0x0], $0xffff  }
0xf1: {  	v18 =	vld.idx.msk [tilespmem:v18+s2+$0x0], $0xffff  }
0xf2: {  	v19 =	vld.idx.msk [tilespmem:v19+s2+$0x0], $0xffff  }
0xf3: {  	v20 =	vld.idx.msk [tilespmem:v20+s2+$0x0], $0xffff  }
0xf4: {  	v21 =	vld.idx.msk [tilespmem:v21+s2+$0x0], $0xffff  }
0xf5: {  	v22 =	vld.idx.msk [tilespmem:v22+s2+$0x0], $0xffff  }
0xf6: {  	v6 =	vmul.f32 v7, v6;
	v23 =	vld.idx.msk [tilespmem:v23+s2+$0x0], $0xffff  }
0xf7: {  	v7 =	vld.idx.msk [tilespmem:v16+s2+$0x0], $0xffff;
	v10 =	vmul.f32 v10, v11  }
0xf8: {  	v11 =	vld.idx.msk [tilespmem:v17+s2+$0x0], $0xffff;
	v9 =	vmul.f32 v12, v9;
	v6 =	vmul.f32 v20, v6  }
0xf9: {  	v5 =	vld.idx.msk [tilespmem:v5+s2+$0x0], $0xffff;
	v8 =	vmul.f32 v13, v8;
	v10 =	vmul.f32 v21, v10  }
0xfa: {  	v4 =	vld.idx.msk [tilespmem:v4+s2+$0x0], $0xffff;
	v6 =	vmul.f32 v18, v6;
	v9 =	vmul.f32 v22, v9  }
0xfb: {  	v8 =	vmul.f32 v23, v8;
	v10 =	vmul.f32 v19, v10  }
0xfc: {  	v6 =	vmul.f32 v14, v6;
	v7 =	vmul.f32 v7, v9  }
0xfd: {  	v8 =	vmul.f32 v11, v8;
	v9 =	vmul.f32 v15, v10  }
0xfe: {  	v6 =	vsub.f32 $1.000000000e+00, v6;
	v5 =	vmul.f32 v5, v7  }
0xff: {  	v4 =	vmul.f32 v4, v8;
	v7 =	vsub.f32 $1.000000000e+00, v9  }
0x100: {  	v6 =	vmax.f32 v6, $9.999999740e-05;
	v5 =	vsub.f32 $1.000000000e+00, v5  }
0x101: {  	v6 =	vmin.f32 v6, $9.999899860e-01;
	v4 =	vsub.f32 $1.000000000e+00, v4;
	v7 =	vmax.f32 v7, $9.999999740e-05  }
0x102: {  	[tilespmem:$0x1EC80] =	vst v6;
	v5 =	vmax.f32 v5, $9.999999740e-05;
	v6 =	vmin.f32 v7, $9.999899860e-01  }
0x103: {  	v4 =	vmax.f32 v4, $9.999999740e-05;
	v5 =	vmin.f32 v5, $9.999899860e-01;
	[tilespmem:$0x1EC90] =	vst v6  }
0x104: {  	s22 =	simm.s32 $0x0;
	v4 =	vmin.f32 v4, $9.999899860e-01;
	[tilespmem:$0x1ECA0] =	vst v5  }
0x105: {  	[tilespmem:$0x1ECB0] =	vst v4;
	v4 =	vadd.s32 s22, v0  }
0x106: {  	v5 =	vadd.s32 s22, v1;
	[tilespmem:s14], [sflag:$0x2] =	stream.linear.gather [hbm4b:s8+s22], $0x3200, $0x38;
	[tilespmem:$0x1EE00] =	vst v63  }
0x107: {  	v6 =	vadd.s32 s22, v2;
	_ =	swait.ge [sflag:s18], $0x3200  }
0x108: {  	s30 =	simm.s32 $0x3;
	v8 =	vadd.s32 s22, v3;
	[sflag:s18] =	ssyncset.done $0x0  }
0x109: {  	s23 =	simm.s32 $0x2;
	v9 =	vadd.s32 s30, v0;
	[sflag:s18] =	ssyncadd.s32 $0xFFFFCE00  }
0x10a: {  	v11 =	vadd.s32 s23, v1;
	v7 =	vld.idx.msk [tilespmem:v4+s16+$0x0], $0xffff  }
0x10b: {  	s31 =	simm.s32 $0x1;
	v17 =	vadd.s32 s23, v3;
	v10 =	vld.idx.msk [tilespmem:v5+s16+$0x0], $0xffff  }
0x10c: {  	v20 =	vadd.s32 s31, v0;
	v12 =	vld.idx.msk [tilespmem:v6+s16+$0x0], $0xffff  }
0x10d: {  	v4 =	vadd.s32 s30, v1;
	v13 =	vld.idx.msk [tilespmem:v8+s16+$0x0], $0xffff  }
0x10e: {  	v5 =	vadd.s32 s30, v2;
	v14 =	vld.idx.msk [tilespmem:v9+s16+$0x0], $0xffff  }
0x10f: {  	v6 =	vadd.s32 s30, v3;
	v19 =	vld.idx.msk [tilespmem:v11+s16+$0x0], $0xffff  }
0x110: {  	v8 =	vadd.s32 s23, v0;
	v17 =	vld.idx.msk [tilespmem:v17+s16+$0x0], $0xffff  }
0x111: {  	v9 =	vadd.s32 s23, v2;
	v20 =	vld.idx.msk [tilespmem:v20+s16+$0x0], $0xffff  }
0x112: {  	v21 =	vadd.s32 s31, v1;
	v15 =	vld.idx.msk [tilespmem:v4+s16+$0x0], $0xffff  }
0x113: {  	v22 =	vadd.s32 s31, v2;
	v5 =	vld.idx.msk [tilespmem:v5+s16+$0x0], $0xffff  }
0x114: {  	v23 =	vadd.s32 s31, v3;
	v4 =	vld.idx.msk [tilespmem:v6+s16+$0x0], $0xffff  }
0x115: {  	v11 =	vimm.f32 $1.000000000e+00;
	v18 =	vld.idx.msk [tilespmem:v8+s16+$0x0], $0xffff  }
0x116: {  	s22 =	simm.s32 $0x4;
	v6 =	vimm.f32 $1.000000000e+00;
	v16 =	vld.idx.msk [tilespmem:v9+s16+$0x0], $0xffff;
	v9 =	vimm.f32 $1.000000000e+00;
	v8 =	vimm.f32 $1.000000000e+00  }
.LBB2_8:
0x117: {  	p0 =	slt.u32 s22, $0xC4;
	v21 =	vld.idx.msk [tilespmem:v21+s16+$0x0], $0xffff  }
0x118: {  	v22 =	vld.idx.msk [tilespmem:v22+s16+$0x0], $0xffff  }
0x119: {  	v23 =	vld.idx.msk [tilespmem:v23+s16+$0x0], $0xffff  }
0x11a: {  	v7 =	vld.idx.msk [tilespmem:v7+s2+$0x0], $0xffff  }
0x11b: {  	v10 =	vld.idx.msk [tilespmem:v10+s2+$0x0], $0xffff  }
0x11c: {  	v12 =	vld.idx.msk [tilespmem:v12+s2+$0x0], $0xffff  }
0x11d: {  	v13 =	vld.idx.msk [tilespmem:v13+s2+$0x0], $0xffff  }
0x11e: {  	v24 =	vld.idx.msk [tilespmem:v14+s2+$0x0], $0xffff  }
0x11f: {  	v15 =	vld.idx.msk [tilespmem:v15+s2+$0x0], $0xffff  }
0x120: {  	v14 =	vld.idx.msk [tilespmem:v18+s2+$0x0], $0xffff  }
0x121: {  	v18 =	vld.idx.msk [tilespmem:v19+s2+$0x0], $0xffff  }
0x122: {  	v19 =	vld.idx.msk [tilespmem:v20+s2+$0x0], $0xffff  }
0x123: {  	v20 =	vld.idx.msk [tilespmem:v21+s2+$0x0], $0xffff  }
0x124: {  	v21 =	vld.idx.msk [tilespmem:v22+s2+$0x0], $0xffff  }
0x125: {  	v22 =	vadd.s32 s22, v0;
	v23 =	vld.idx.msk [tilespmem:v23+s2+$0x0], $0xffff  }
0x126: {  	v25 =	vadd.s32 s22, v1;
	v16 =	vld.idx.msk [tilespmem:v16+s2+$0x0], $0xffff  }
0x127: {  	v26 =	vadd.s32 s22, v2;
	v17 =	vld.idx.msk [tilespmem:v17+s2+$0x0], $0xffff  }
0x128: {  	v27 =	vadd.s32 s22, v3;
	s23 =	sadd.s32 $0x3, s22;
	v6 =	vmul.f32 v7, v6;
	v10 =	vmul.f32 v10, v11;
	v5 =	vld.idx.msk [tilespmem:v5+s2+$0x0], $0xffff  }
0x129: {  	v11 =	vadd.s32 s23, v0;
	v9 =	vmul.f32 v12, v9;
	v8 =	vmul.f32 v13, v8;
	v4 =	vld.idx.msk [tilespmem:v4+s2+$0x0], $0xffff  }
0x12a: {  	v6 =	vmul.f32 v19, v6;
	v13 =	vmul.f32 v20, v10;
	v7 =	vld.idx.msk [tilespmem:v22+s16+$0x0], $0xffff;
	v22 =	vadd.s32 s23, v1  }
0x12b: {  	v19 =	vadd.s32 s23, v2;
	v9 =	vmul.f32 v21, v9;
	v8 =	vmul.f32 v23, v8;
	v10 =	vld.idx.msk [tilespmem:v25+s16+$0x0], $0xffff  }
0x12c: {  	s24 =	sadd.s32 $0x2, s22;
	v20 =	vadd.s32 s23, v3;
	v6 =	vmul.f32 v14, v6;
	v18 =	vmul.f32 v18, v13;
	v12 =	vld.idx.msk [tilespmem:v26+s16+$0x0], $0xffff  }
0x12d: {  	v23 =	vadd.s32 s24, v0;
	v9 =	vmul.f32 v16, v9;
	v8 =	vmul.f32 v17, v8;
	v13 =	vld.idx.msk [tilespmem:v27+s16+$0x0], $0xffff  }
0x12e: {  	v16 =	vadd.s32 s24, v1;
	v6 =	vmul.f32 v24, v6;
	v14 =	vld.idx.msk [tilespmem:v11+s16+$0x0], $0xffff;
	v11 =	vmul.f32 v15, v18  }
0x12f: {  	v17 =	vadd.s32 s24, v2;
	v9 =	vmul.f32 v5, v9;
	v8 =	vmul.f32 v4, v8;
	v15 =	vld.idx.msk [tilespmem:v22+s16+$0x0], $0xffff  }
0x130: {  	s23 =	sadd.s32 $0x1, s22;
	v24 =	vadd.s32 s24, v3;
	v5 =	vld.idx.msk [tilespmem:v19+s16+$0x0], $0xffff  }
0x131: {  	v25 =	vadd.s32 s23, v0;
	v4 =	vld.idx.msk [tilespmem:v20+s16+$0x0], $0xffff  }
.Ltmp3:
0x132: {  	v21 =	vadd.s32 s23, v1;
	v18 =	vld.idx.msk [tilespmem:v23+s16+$0x0], $0xffff;
	(pc) =	sbr.rel @p0 .LBB2_8-.Ltmp3, $4  }
0x133: {  	v22 =	vadd.s32 s23, v2;
	v19 =	vld.idx.msk [tilespmem:v16+s16+$0x0], $0xffff  }
0x134: {  	v23 =	vadd.s32 s23, v3;
	v16 =	vld.idx.msk [tilespmem:v17+s16+$0x0], $0xffff  }
0x135: {  	v17 =	vld.idx.msk [tilespmem:v24+s16+$0x0], $0xffff  }
0x136: {  	s22 =	sadd.s32 $0x4, s22;
	v20 =	vld.idx.msk [tilespmem:v25+s16+$0x0], $0xffff  }
0x137: {  	_ =	sdelay $0x3  }
0x138: {  	v21 =	vld.idx.msk [tilespmem:v21+s16+$0x0], $0xffff  }
0x139: {  	v22 =	vld.idx.msk [tilespmem:v22+s16+$0x0], $0xffff  }
0x13a: {  	v23 =	vld.idx.msk [tilespmem:v23+s16+$0x0], $0xffff  }
0x13b: {  	v7 =	vld.idx.msk [tilespmem:v7+s2+$0x0], $0xffff  }
0x13c: {  	v10 =	vld.idx.msk [tilespmem:v10+s2+$0x0], $0xffff  }
0x13d: {  	v12 =	vld.idx.msk [tilespmem:v12+s2+$0x0], $0xffff  }
0x13e: {  	v13 =	vld.idx.msk [tilespmem:v13+s2+$0x0], $0xffff  }
0x13f: {  	v14 =	vld.idx.msk [tilespmem:v14+s2+$0x0], $0xffff  }
0x140: {  	v15 =	vld.idx.msk [tilespmem:v15+s2+$0x0], $0xffff  }
0x141: {  	v18 =	vld.idx.msk [tilespmem:v18+s2+$0x0], $0xffff  }
0x142: {  	v19 =	vld.idx.msk [tilespmem:v19+s2+$0x0], $0xffff  }
0x143: {  	v20 =	vld.idx.msk [tilespmem:v20+s2+$0x0], $0xffff  }
0x144: {  	v21 =	vld.idx.msk [tilespmem:v21+s2+$0x0], $0xffff  }
0x145: {  	v22 =	vld.idx.msk [tilespmem:v22+s2+$0x0], $0xffff  }
0x146: {  	v6 =	vmul.f32 v7, v6;
	v23 =	vld.idx.msk [tilespmem:v23+s2+$0x0], $0xffff  }
0x147: {  	v7 =	vld.idx.msk [tilespmem:v16+s2+$0x0], $0xffff;
	v10 =	vmul.f32 v10, v11  }
0x148: {  	v11 =	vld.idx.msk [tilespmem:v17+s2+$0x0], $0xffff;
	v9 =	vmul.f32 v12, v9;
	v6 =	vmul.f32 v20, v6  }
0x149: {  	v5 =	vld.idx.msk [tilespmem:v5+s2+$0x0], $0xffff;
	v8 =	vmul.f32 v13, v8;
	v10 =	vmul.f32 v21, v10  }
0x14a: {  	v4 =	vld.idx.msk [tilespmem:v4+s2+$0x0], $0xffff;
	v6 =	vmul.f32 v18, v6;
	v9 =	vmul.f32 v22, v9  }
0x14b: {  	v8 =	vmul.f32 v23, v8;
	v10 =	vmul.f32 v19, v10  }
0x14c: {  	v6 =	vmul.f32 v14, v6;
	v7 =	vmul.f32 v7, v9  }
0x14d: {  	v8 =	vmul.f32 v11, v8;
	v9 =	vmul.f32 v15, v10  }
0x14e: {  	v6 =	vsub.f32 $1.000000000e+00, v6;
	v5 =	vmul.f32 v5, v7  }
0x14f: {  	v4 =	vmul.f32 v4, v8;
	v7 =	vsub.f32 $1.000000000e+00, v9  }
0x150: {  	v6 =	vmax.f32 v6, $9.999999740e-05;
	v5 =	vsub.f32 $1.000000000e+00, v5  }
0x151: {  	v6 =	vmin.f32 v6, $9.999899860e-01;
	v4 =	vsub.f32 $1.000000000e+00, v4;
	v7 =	vmax.f32 v7, $9.999999740e-05  }
0x152: {  	[tilespmem:$0x1ECC0] =	vst v6;
	v5 =	vmax.f32 v5, $9.999999740e-05;
	v6 =	vmin.f32 v7, $9.999899860e-01  }
0x153: {  	v4 =	vmax.f32 v4, $9.999999740e-05;
	v5 =	vmin.f32 v5, $9.999899860e-01;
	[tilespmem:$0x1ECD0] =	vst v6  }
0x154: {  	s22 =	simm.s32 $0x0;
	v4 =	vmin.f32 v4, $9.999899860e-01;
	[tilespmem:$0x1ECE0] =	vst v5  }
0x155: {  	[tilespmem:$0x1ECF0] =	vst v4;
	v4 =	vadd.s32 s22, v0  }
0x156: {  	v5 =	vadd.s32 s22, v1;
	[tilespmem:s16], [sflag:$0x3] =	stream.linear.gather [hbm4b:s9+s22], $0x3200, $0x38;
	[tilespmem:$0x1EE00] =	vst v63  }
0x157: {  	v6 =	vadd.s32 s22, v2;
	_ =	swait.ge [sflag:s17], $0x3200  }
0x158: {  	s30 =	simm.s32 $0x3;
	v8 =	vadd.s32 s22, v3;
	[sflag:s17] =	ssyncset.done $0x0  }
0x159: {  	s23 =	simm.s32 $0x2;
	v9 =	vadd.s32 s30, v0;
	[sflag:s17] =	ssyncadd.s32 $0xFFFFCE00  }
0x15a: {  	v11 =	vadd.s32 s23, v1;
	v7 =	vld.idx.msk [tilespmem:v4+s14+$0x0], $0xffff  }
0x15b: {  	s31 =	simm.s32 $0x1;
	v17 =	vadd.s32 s23, v3;
	v10 =	vld.idx.msk [tilespmem:v5+s14+$0x0], $0xffff  }
0x15c: {  	v20 =	vadd.s32 s31, v0;
	v12 =	vld.idx.msk [tilespmem:v6+s14+$0x0], $0xffff  }
0x15d: {  	v4 =	vadd.s32 s30, v1;
	v13 =	vld.idx.msk [tilespmem:v8+s14+$0x0], $0xffff  }
0x15e: {  	v5 =	vadd.s32 s30, v2;
	v14 =	vld.idx.msk [tilespmem:v9+s14+$0x0], $0xffff  }
0x15f: {  	v6 =	vadd.s32 s30, v3;
	v19 =	vld.idx.msk [tilespmem:v11+s14+$0x0], $0xffff  }
0x160: {  	v8 =	vadd.s32 s23, v0;
	v17 =	vld.idx.msk [tilespmem:v17+s14+$0x0], $0xffff  }
0x161: {  	v9 =	vadd.s32 s23, v2;
	v20 =	vld.idx.msk [tilespmem:v20+s14+$0x0], $0xffff  }
0x162: {  	v21 =	vadd.s32 s31, v1;
	v15 =	vld.idx.msk [tilespmem:v4+s14+$0x0], $0xffff  }
0x163: {  	v22 =	vadd.s32 s31, v2;
	v5 =	vld.idx.msk [tilespmem:v5+s14+$0x0], $0xffff  }
0x164: {  	v23 =	vadd.s32 s31, v3;
	v4 =	vld.idx.msk [tilespmem:v6+s14+$0x0], $0xffff  }
0x165: {  	v11 =	vimm.f32 $1.000000000e+00;
	v18 =	vld.idx.msk [tilespmem:v8+s14+$0x0], $0xffff  }
0x166: {  	s22 =	simm.s32 $0x4;
	v6 =	vimm.f32 $1.000000000e+00;
	v16 =	vld.idx.msk [tilespmem:v9+s14+$0x0], $0xffff;
	v9 =	vimm.f32 $1.000000000e+00;
	v8 =	vimm.f32 $1.000000000e+00  }
.LBB2_10:
0x167: {  	p0 =	slt.u32 s22, $0xC4;
	v21 =	vld.idx.msk [tilespmem:v21+s14+$0x0], $0xffff  }
0x168: {  	v22 =	vld.idx.msk [tilespmem:v22+s14+$0x0], $0xffff  }
0x169: {  	v23 =	vld.idx.msk [tilespmem:v23+s14+$0x0], $0xffff  }
0x16a: {  	v7 =	vld.idx.msk [tilespmem:v7+s2+$0x0], $0xffff  }
0x16b: {  	v10 =	vld.idx.msk [tilespmem:v10+s2+$0x0], $0xffff  }
0x16c: {  	v12 =	vld.idx.msk [tilespmem:v12+s2+$0x0], $0xffff  }
0x16d: {  	v13 =	vld.idx.msk [tilespmem:v13+s2+$0x0], $0xffff  }
0x16e: {  	v24 =	vld.idx.msk [tilespmem:v14+s2+$0x0], $0xffff  }
0x16f: {  	v15 =	vld.idx.msk [tilespmem:v15+s2+$0x0], $0xffff  }
0x170: {  	v14 =	vld.idx.msk [tilespmem:v18+s2+$0x0], $0xffff  }
0x171: {  	v18 =	vld.idx.msk [tilespmem:v19+s2+$0x0], $0xffff  }
0x172: {  	v19 =	vld.idx.msk [tilespmem:v20+s2+$0x0], $0xffff  }
0x173: {  	v20 =	vld.idx.msk [tilespmem:v21+s2+$0x0], $0xffff  }
0x174: {  	v21 =	vld.idx.msk [tilespmem:v22+s2+$0x0], $0xffff  }
0x175: {  	v22 =	vadd.s32 s22, v0;
	v23 =	vld.idx.msk [tilespmem:v23+s2+$0x0], $0xffff  }
0x176: {  	v25 =	vadd.s32 s22, v1;
	v16 =	vld.idx.msk [tilespmem:v16+s2+$0x0], $0xffff  }
0x177: {  	v26 =	vadd.s32 s22, v2;
	v17 =	vld.idx.msk [tilespmem:v17+s2+$0x0], $0xffff  }
0x178: {  	v27 =	vadd.s32 s22, v3;
	s23 =	sadd.s32 $0x3, s22;
	v6 =	vmul.f32 v7, v6;
	v10 =	vmul.f32 v10, v11;
	v5 =	vld.idx.msk [tilespmem:v5+s2+$0x0], $0xffff  }
0x179: {  	v11 =	vadd.s32 s23, v0;
	v9 =	vmul.f32 v12, v9;
	v8 =	vmul.f32 v13, v8;
	v4 =	vld.idx.msk [tilespmem:v4+s2+$0x0], $0xffff  }
0x17a: {  	v6 =	vmul.f32 v19, v6;
	v13 =	vmul.f32 v20, v10;
	v7 =	vld.idx.msk [tilespmem:v22+s14+$0x0], $0xffff;
	v22 =	vadd.s32 s23, v1  }
0x17b: {  	v19 =	vadd.s32 s23, v2;
	v9 =	vmul.f32 v21, v9;
	v8 =	vmul.f32 v23, v8;
	v10 =	vld.idx.msk [tilespmem:v25+s14+$0x0], $0xffff  }
0x17c: {  	s24 =	sadd.s32 $0x2, s22;
	v20 =	vadd.s32 s23, v3;
	v6 =	vmul.f32 v14, v6;
	v18 =	vmul.f32 v18, v13;
	v12 =	vld.idx.msk [tilespmem:v26+s14+$0x0], $0xffff  }
0x17d: {  	v23 =	vadd.s32 s24, v0;
	v9 =	vmul.f32 v16, v9;
	v8 =	vmul.f32 v17, v8;
	v13 =	vld.idx.msk [tilespmem:v27+s14+$0x0], $0xffff  }
0x17e: {  	v16 =	vadd.s32 s24, v1;
	v6 =	vmul.f32 v24, v6;
	v14 =	vld.idx.msk [tilespmem:v11+s14+$0x0], $0xffff;
	v11 =	vmul.f32 v15, v18  }
0x17f: {  	v17 =	vadd.s32 s24, v2;
	v9 =	vmul.f32 v5, v9;
	v8 =	vmul.f32 v4, v8;
	v15 =	vld.idx.msk [tilespmem:v22+s14+$0x0], $0xffff  }
0x180: {  	s23 =	sadd.s32 $0x1, s22;
	v24 =	vadd.s32 s24, v3;
	v5 =	vld.idx.msk [tilespmem:v19+s14+$0x0], $0xffff  }
0x181: {  	v25 =	vadd.s32 s23, v0;
	v4 =	vld.idx.msk [tilespmem:v20+s14+$0x0], $0xffff  }
.Ltmp4:
0x182: {  	v21 =	vadd.s32 s23, v1;
	v18 =	vld.idx.msk [tilespmem:v23+s14+$0x0], $0xffff;
	(pc) =	sbr.rel @p0 .LBB2_10-.Ltmp4, $4  }
0x183: {  	v22 =	vadd.s32 s23, v2;
	v19 =	vld.idx.msk [tilespmem:v16+s14+$0x0], $0xffff  }
0x184: {  	v23 =	vadd.s32 s23, v3;
	v16 =	vld.idx.msk [tilespmem:v17+s14+$0x0], $0xffff  }
0x185: {  	v17 =	vld.idx.msk [tilespmem:v24+s14+$0x0], $0xffff  }
0x186: {  	s22 =	sadd.s32 $0x4, s22;
	v20 =	vld.idx.msk [tilespmem:v25+s14+$0x0], $0xffff  }
0x187: {  	_ =	sdelay $0x3  }
0x188: {  	v21 =	vld.idx.msk [tilespmem:v21+s14+$0x0], $0xffff  }
0x189: {  	v22 =	vld.idx.msk [tilespmem:v22+s14+$0x0], $0xffff  }
0x18a: {  	v23 =	vld.idx.msk [tilespmem:v23+s14+$0x0], $0xffff  }
0x18b: {  	v7 =	vld.idx.msk [tilespmem:v7+s2+$0x0], $0xffff  }
0x18c: {  	v10 =	vld.idx.msk [tilespmem:v10+s2+$0x0], $0xffff  }
0x18d: {  	v12 =	vld.idx.msk [tilespmem:v12+s2+$0x0], $0xffff  }
0x18e: {  	v13 =	vld.idx.msk [tilespmem:v13+s2+$0x0], $0xffff  }
0x18f: {  	v14 =	vld.idx.msk [tilespmem:v14+s2+$0x0], $0xffff  }
0x190: {  	v15 =	vld.idx.msk [tilespmem:v15+s2+$0x0], $0xffff  }
0x191: {  	v18 =	vld.idx.msk [tilespmem:v18+s2+$0x0], $0xffff  }
0x192: {  	v19 =	vld.idx.msk [tilespmem:v19+s2+$0x0], $0xffff  }
0x193: {  	v20 =	vld.idx.msk [tilespmem:v20+s2+$0x0], $0xffff  }
0x194: {  	v21 =	vld.idx.msk [tilespmem:v21+s2+$0x0], $0xffff  }
0x195: {  	v22 =	vld.idx.msk [tilespmem:v22+s2+$0x0], $0xffff  }
0x196: {  	v6 =	vmul.f32 v7, v6;
	v23 =	vld.idx.msk [tilespmem:v23+s2+$0x0], $0xffff  }
0x197: {  	v7 =	vld.idx.msk [tilespmem:v16+s2+$0x0], $0xffff;
	v10 =	vmul.f32 v10, v11  }
0x198: {  	v11 =	vld.idx.msk [tilespmem:v17+s2+$0x0], $0xffff;
	v9 =	vmul.f32 v12, v9;
	v6 =	vmul.f32 v20, v6  }
0x199: {  	v5 =	vld.idx.msk [tilespmem:v5+s2+$0x0], $0xffff;
	v8 =	vmul.f32 v13, v8;
	v10 =	vmul.f32 v21, v10  }
0x19a: {  	v4 =	vld.idx.msk [tilespmem:v4+s2+$0x0], $0xffff;
	v6 =	vmul.f32 v18, v6;
	v9 =	vmul.f32 v22, v9  }
0x19b: {  	v8 =	vmul.f32 v23, v8;
	v10 =	vmul.f32 v19, v10  }
0x19c: {  	v6 =	vmul.f32 v14, v6;
	v7 =	vmul.f32 v7, v9  }
0x19d: {  	v8 =	vmul.f32 v11, v8;
	v9 =	vmul.f32 v15, v10  }
0x19e: {  	v6 =	vsub.f32 $1.000000000e+00, v6;
	v5 =	vmul.f32 v5, v7  }
0x19f: {  	v4 =	vmul.f32 v4, v8;
	v7 =	vsub.f32 $1.000000000e+00, v9  }
0x1a0: {  	v6 =	vmax.f32 v6, $9.999999740e-05;
	v5 =	vsub.f32 $1.000000000e+00, v5  }
0x1a1: {  	v6 =	vmin.f32 v6, $9.999899860e-01;
	v4 =	vsub.f32 $1.000000000e+00, v4;
	v7 =	vmax.f32 v7, $9.999999740e-05  }
0x1a2: {  	[tilespmem:$0x1ED00] =	vst v6;
	v5 =	vmax.f32 v5, $9.999999740e-05;
	v6 =	vmin.f32 v7, $9.999899860e-01  }
0x1a3: {  	v4 =	vmax.f32 v4, $9.999999740e-05;
	v5 =	vmin.f32 v5, $9.999899860e-01;
	[tilespmem:$0x1ED10] =	vst v6  }
0x1a4: {  	s22 =	simm.s32 $0x0;
	v4 =	vmin.f32 v4, $9.999899860e-01;
	[tilespmem:$0x1ED20] =	vst v5  }
0x1a5: {  	[tilespmem:$0x1ED30] =	vst v4;
	v4 =	vadd.s32 s22, v0  }
0x1a6: {  	v5 =	vadd.s32 s22, v1;
	[tilespmem:s14], [sflag:$0x2] =	stream.linear.gather [hbm4b:s10+s22], $0x3200, $0x38;
	[tilespmem:$0x1EE00] =	vst v63  }
0x1a7: {  	v6 =	vadd.s32 s22, v2;
	_ =	swait.ge [sflag:s18], $0x3200  }
0x1a8: {  	s30 =	simm.s32 $0x3;
	v8 =	vadd.s32 s22, v3;
	[sflag:s18] =	ssyncset.done $0x0  }
0x1a9: {  	s23 =	simm.s32 $0x2;
	v9 =	vadd.s32 s30, v0;
	[sflag:s18] =	ssyncadd.s32 $0xFFFFCE00  }
0x1aa: {  	v11 =	vadd.s32 s23, v1;
	v7 =	vld.idx.msk [tilespmem:v4+s16+$0x0], $0xffff  }
0x1ab: {  	s31 =	simm.s32 $0x1;
	v17 =	vadd.s32 s23, v3;
	v10 =	vld.idx.msk [tilespmem:v5+s16+$0x0], $0xffff  }
0x1ac: {  	v20 =	vadd.s32 s31, v0;
	v12 =	vld.idx.msk [tilespmem:v6+s16+$0x0], $0xffff  }
0x1ad: {  	v4 =	vadd.s32 s30, v1;
	v13 =	vld.idx.msk [tilespmem:v8+s16+$0x0], $0xffff  }
0x1ae: {  	v5 =	vadd.s32 s30, v2;
	v14 =	vld.idx.msk [tilespmem:v9+s16+$0x0], $0xffff  }
0x1af: {  	v6 =	vadd.s32 s30, v3;
	v19 =	vld.idx.msk [tilespmem:v11+s16+$0x0], $0xffff  }
0x1b0: {  	v8 =	vadd.s32 s23, v0;
	v17 =	vld.idx.msk [tilespmem:v17+s16+$0x0], $0xffff  }
0x1b1: {  	v9 =	vadd.s32 s23, v2;
	v20 =	vld.idx.msk [tilespmem:v20+s16+$0x0], $0xffff  }
0x1b2: {  	v21 =	vadd.s32 s31, v1;
	v15 =	vld.idx.msk [tilespmem:v4+s16+$0x0], $0xffff  }
0x1b3: {  	v22 =	vadd.s32 s31, v2;
	v5 =	vld.idx.msk [tilespmem:v5+s16+$0x0], $0xffff  }
0x1b4: {  	v23 =	vadd.s32 s31, v3;
	v4 =	vld.idx.msk [tilespmem:v6+s16+$0x0], $0xffff  }
0x1b5: {  	v11 =	vimm.f32 $1.000000000e+00;
	v18 =	vld.idx.msk [tilespmem:v8+s16+$0x0], $0xffff  }
0x1b6: {  	s22 =	simm.s32 $0x4;
	v6 =	vimm.f32 $1.000000000e+00;
	v16 =	vld.idx.msk [tilespmem:v9+s16+$0x0], $0xffff;
	v9 =	vimm.f32 $1.000000000e+00;
	v8 =	vimm.f32 $1.000000000e+00  }
.LBB2_12:
0x1b7: {  	p0 =	slt.u32 s22, $0xC4;
	v21 =	vld.idx.msk [tilespmem:v21+s16+$0x0], $0xffff  }
0x1b8: {  	v22 =	vld.idx.msk [tilespmem:v22+s16+$0x0], $0xffff  }
0x1b9: {  	v23 =	vld.idx.msk [tilespmem:v23+s16+$0x0], $0xffff  }
0x1ba: {  	v7 =	vld.idx.msk [tilespmem:v7+s2+$0x0], $0xffff  }
0x1bb: {  	v10 =	vld.idx.msk [tilespmem:v10+s2+$0x0], $0xffff  }
0x1bc: {  	v12 =	vld.idx.msk [tilespmem:v12+s2+$0x0], $0xffff  }
0x1bd: {  	v13 =	vld.idx.msk [tilespmem:v13+s2+$0x0], $0xffff  }
0x1be: {  	v24 =	vld.idx.msk [tilespmem:v14+s2+$0x0], $0xffff  }
0x1bf: {  	v15 =	vld.idx.msk [tilespmem:v15+s2+$0x0], $0xffff  }
0x1c0: {  	v14 =	vld.idx.msk [tilespmem:v18+s2+$0x0], $0xffff  }
0x1c1: {  	v18 =	vld.idx.msk [tilespmem:v19+s2+$0x0], $0xffff  }
0x1c2: {  	v19 =	vld.idx.msk [tilespmem:v20+s2+$0x0], $0xffff  }
0x1c3: {  	v20 =	vld.idx.msk [tilespmem:v21+s2+$0x0], $0xffff  }
0x1c4: {  	v21 =	vld.idx.msk [tilespmem:v22+s2+$0x0], $0xffff  }
0x1c5: {  	v22 =	vadd.s32 s22, v0;
	v23 =	vld.idx.msk [tilespmem:v23+s2+$0x0], $0xffff  }
0x1c6: {  	v25 =	vadd.s32 s22, v1;
	v16 =	vld.idx.msk [tilespmem:v16+s2+$0x0], $0xffff  }
0x1c7: {  	v26 =	vadd.s32 s22, v2;
	v17 =	vld.idx.msk [tilespmem:v17+s2+$0x0], $0xffff  }
0x1c8: {  	v27 =	vadd.s32 s22, v3;
	s23 =	sadd.s32 $0x3, s22;
	v6 =	vmul.f32 v7, v6;
	v10 =	vmul.f32 v10, v11;
	v5 =	vld.idx.msk [tilespmem:v5+s2+$0x0], $0xffff  }
0x1c9: {  	v11 =	vadd.s32 s23, v0;
	v9 =	vmul.f32 v12, v9;
	v8 =	vmul.f32 v13, v8;
	v4 =	vld.idx.msk [tilespmem:v4+s2+$0x0], $0xffff  }
0x1ca: {  	v6 =	vmul.f32 v19, v6;
	v13 =	vmul.f32 v20, v10;
	v7 =	vld.idx.msk [tilespmem:v22+s16+$0x0], $0xffff;
	v22 =	vadd.s32 s23, v1  }
0x1cb: {  	v19 =	vadd.s32 s23, v2;
	v9 =	vmul.f32 v21, v9;
	v8 =	vmul.f32 v23, v8;
	v10 =	vld.idx.msk [tilespmem:v25+s16+$0x0], $0xffff  }
0x1cc: {  	s24 =	sadd.s32 $0x2, s22;
	v20 =	vadd.s32 s23, v3;
	v6 =	vmul.f32 v14, v6;
	v18 =	vmul.f32 v18, v13;
	v12 =	vld.idx.msk [tilespmem:v26+s16+$0x0], $0xffff  }
0x1cd: {  	v23 =	vadd.s32 s24, v0;
	v9 =	vmul.f32 v16, v9;
	v8 =	vmul.f32 v17, v8;
	v13 =	vld.idx.msk [tilespmem:v27+s16+$0x0], $0xffff  }
0x1ce: {  	v16 =	vadd.s32 s24, v1;
	v6 =	vmul.f32 v24, v6;
	v14 =	vld.idx.msk [tilespmem:v11+s16+$0x0], $0xffff;
	v11 =	vmul.f32 v15, v18  }
0x1cf: {  	v17 =	vadd.s32 s24, v2;
	v9 =	vmul.f32 v5, v9;
	v8 =	vmul.f32 v4, v8;
	v15 =	vld.idx.msk [tilespmem:v22+s16+$0x0], $0xffff  }
0x1d0: {  	s23 =	sadd.s32 $0x1, s22;
	v24 =	vadd.s32 s24, v3;
	v5 =	vld.idx.msk [tilespmem:v19+s16+$0x0], $0xffff  }
0x1d1: {  	v25 =	vadd.s32 s23, v0;
	v4 =	vld.idx.msk [tilespmem:v20+s16+$0x0], $0xffff  }
.Ltmp5:
0x1d2: {  	v21 =	vadd.s32 s23, v1;
	v18 =	vld.idx.msk [tilespmem:v23+s16+$0x0], $0xffff;
	(pc) =	sbr.rel @p0 .LBB2_12-.Ltmp5, $4  }
0x1d3: {  	v22 =	vadd.s32 s23, v2;
	v19 =	vld.idx.msk [tilespmem:v16+s16+$0x0], $0xffff  }
0x1d4: {  	v23 =	vadd.s32 s23, v3;
	v16 =	vld.idx.msk [tilespmem:v17+s16+$0x0], $0xffff  }
0x1d5: {  	v17 =	vld.idx.msk [tilespmem:v24+s16+$0x0], $0xffff  }
0x1d6: {  	s22 =	sadd.s32 $0x4, s22;
	v20 =	vld.idx.msk [tilespmem:v25+s16+$0x0], $0xffff  }
0x1d7: {  	_ =	sdelay $0x3  }
0x1d8: {  	v21 =	vld.idx.msk [tilespmem:v21+s16+$0x0], $0xffff  }
0x1d9: {  	v22 =	vld.idx.msk [tilespmem:v22+s16+$0x0], $0xffff  }
0x1da: {  	v23 =	vld.idx.msk [tilespmem:v23+s16+$0x0], $0xffff  }
0x1db: {  	v7 =	vld.idx.msk [tilespmem:v7+s2+$0x0], $0xffff  }
0x1dc: {  	v10 =	vld.idx.msk [tilespmem:v10+s2+$0x0], $0xffff  }
0x1dd: {  	v12 =	vld.idx.msk [tilespmem:v12+s2+$0x0], $0xffff  }
0x1de: {  	v13 =	vld.idx.msk [tilespmem:v13+s2+$0x0], $0xffff  }
0x1df: {  	v14 =	vld.idx.msk [tilespmem:v14+s2+$0x0], $0xffff  }
0x1e0: {  	v15 =	vld.idx.msk [tilespmem:v15+s2+$0x0], $0xffff  }
0x1e1: {  	v18 =	vld.idx.msk [tilespmem:v18+s2+$0x0], $0xffff  }
0x1e2: {  	v19 =	vld.idx.msk [tilespmem:v19+s2+$0x0], $0xffff  }
0x1e3: {  	v20 =	vld.idx.msk [tilespmem:v20+s2+$0x0], $0xffff  }
0x1e4: {  	v21 =	vld.idx.msk [tilespmem:v21+s2+$0x0], $0xffff  }
0x1e5: {  	v22 =	vld.idx.msk [tilespmem:v22+s2+$0x0], $0xffff  }
0x1e6: {  	v6 =	vmul.f32 v7, v6;
	v23 =	vld.idx.msk [tilespmem:v23+s2+$0x0], $0xffff  }
0x1e7: {  	v7 =	vld.idx.msk [tilespmem:v16+s2+$0x0], $0xffff;
	v10 =	vmul.f32 v10, v11  }
0x1e8: {  	v11 =	vld.idx.msk [tilespmem:v17+s2+$0x0], $0xffff;
	v9 =	vmul.f32 v12, v9;
	v6 =	vmul.f32 v20, v6  }
0x1e9: {  	v5 =	vld.idx.msk [tilespmem:v5+s2+$0x0], $0xffff;
	v8 =	vmul.f32 v13, v8;
	v10 =	vmul.f32 v21, v10  }
0x1ea: {  	v4 =	vld.idx.msk [tilespmem:v4+s2+$0x0], $0xffff;
	v6 =	vmul.f32 v18, v6;
	v9 =	vmul.f32 v22, v9  }
0x1eb: {  	v8 =	vmul.f32 v23, v8;
	v10 =	vmul.f32 v19, v10  }
0x1ec: {  	v6 =	vmul.f32 v14, v6;
	v7 =	vmul.f32 v7, v9  }
0x1ed: {  	v8 =	vmul.f32 v11, v8;
	v9 =	vmul.f32 v15, v10  }
0x1ee: {  	v6 =	vsub.f32 $1.000000000e+00, v6;
	v5 =	vmul.f32 v5, v7  }
0x1ef: {  	v4 =	vmul.f32 v4, v8;
	v7 =	vsub.f32 $1.000000000e+00, v9  }
0x1f0: {  	v6 =	vmax.f32 v6, $9.999999740e-05;
	v5 =	vsub.f32 $1.000000000e+00, v5  }
0x1f1: {  	v6 =	vmin.f32 v6, $9.999899860e-01;
	v4 =	vsub.f32 $1.000000000e+00, v4;
	v7 =	vmax.f32 v7, $9.999999740e-05  }
0x1f2: {  	[tilespmem:$0x1ED40] =	vst v6;
	v5 =	vmax.f32 v5, $9.999999740e-05;
	v6 =	vmin.f32 v7, $9.999899860e-01  }
0x1f3: {  	v4 =	vmax.f32 v4, $9.999999740e-05;
	v5 =	vmin.f32 v5, $9.999899860e-01;
	[tilespmem:$0x1ED50] =	vst v6  }
0x1f4: {  	s22 =	simm.s32 $0x0;
	v4 =	vmin.f32 v4, $9.999899860e-01;
	[tilespmem:$0x1ED60] =	vst v5  }
0x1f5: {  	[tilespmem:$0x1ED70] =	vst v4;
	v4 =	vadd.s32 s22, v0  }
0x1f6: {  	v5 =	vadd.s32 s22, v1;
	[tilespmem:s16], [sflag:$0x3] =	stream.linear.gather [hbm4b:s11+s22], $0x3200, $0x38;
	[tilespmem:$0x1EE00] =	vst v63  }
0x1f7: {  	v6 =	vadd.s32 s22, v2;
	_ =	swait.ge [sflag:s17], $0x3200  }
0x1f8: {  	s30 =	simm.s32 $0x3;
	v8 =	vadd.s32 s22, v3;
	[sflag:s17] =	ssyncset.done $0x0  }
0x1f9: {  	s23 =	simm.s32 $0x2;
	v9 =	vadd.s32 s30, v0;
	[sflag:s17] =	ssyncadd.s32 $0xFFFFCE00  }
0x1fa: {  	v11 =	vadd.s32 s23, v1;
	v7 =	vld.idx.msk [tilespmem:v4+s14+$0x0], $0xffff  }
0x1fb: {  	s31 =	simm.s32 $0x1;
	v17 =	vadd.s32 s23, v3;
	v10 =	vld.idx.msk [tilespmem:v5+s14+$0x0], $0xffff  }
0x1fc: {  	v20 =	vadd.s32 s31, v0;
	v12 =	vld.idx.msk [tilespmem:v6+s14+$0x0], $0xffff  }
0x1fd: {  	v4 =	vadd.s32 s30, v1;
	v13 =	vld.idx.msk [tilespmem:v8+s14+$0x0], $0xffff  }
0x1fe: {  	v5 =	vadd.s32 s30, v2;
	v14 =	vld.idx.msk [tilespmem:v9+s14+$0x0], $0xffff  }
0x1ff: {  	v6 =	vadd.s32 s30, v3;
	v19 =	vld.idx.msk [tilespmem:v11+s14+$0x0], $0xffff  }
0x200: {  	v8 =	vadd.s32 s23, v0;
	v17 =	vld.idx.msk [tilespmem:v17+s14+$0x0], $0xffff  }
0x201: {  	v9 =	vadd.s32 s23, v2;
	v20 =	vld.idx.msk [tilespmem:v20+s14+$0x0], $0xffff  }
0x202: {  	v21 =	vadd.s32 s31, v1;
	v15 =	vld.idx.msk [tilespmem:v4+s14+$0x0], $0xffff  }
0x203: {  	v22 =	vadd.s32 s31, v2;
	v5 =	vld.idx.msk [tilespmem:v5+s14+$0x0], $0xffff  }
0x204: {  	v23 =	vadd.s32 s31, v3;
	v4 =	vld.idx.msk [tilespmem:v6+s14+$0x0], $0xffff  }
0x205: {  	v11 =	vimm.f32 $1.000000000e+00;
	v18 =	vld.idx.msk [tilespmem:v8+s14+$0x0], $0xffff  }
0x206: {  	s22 =	simm.s32 $0x4;
	v6 =	vimm.f32 $1.000000000e+00;
	v16 =	vld.idx.msk [tilespmem:v9+s14+$0x0], $0xffff;
	v9 =	vimm.f32 $1.000000000e+00;
	v8 =	vimm.f32 $1.000000000e+00  }
.LBB2_14:
0x207: {  	p0 =	slt.u32 s22, $0xC4;
	v21 =	vld.idx.msk [tilespmem:v21+s14+$0x0], $0xffff  }
0x208: {  	v22 =	vld.idx.msk [tilespmem:v22+s14+$0x0], $0xffff  }
0x209: {  	v23 =	vld.idx.msk [tilespmem:v23+s14+$0x0], $0xffff  }
0x20a: {  	v7 =	vld.idx.msk [tilespmem:v7+s2+$0x0], $0xffff  }
0x20b: {  	v10 =	vld.idx.msk [tilespmem:v10+s2+$0x0], $0xffff  }
0x20c: {  	v12 =	vld.idx.msk [tilespmem:v12+s2+$0x0], $0xffff  }
0x20d: {  	v13 =	vld.idx.msk [tilespmem:v13+s2+$0x0], $0xffff  }
0x20e: {  	v24 =	vld.idx.msk [tilespmem:v14+s2+$0x0], $0xffff  }
0x20f: {  	v15 =	vld.idx.msk [tilespmem:v15+s2+$0x0], $0xffff  }
0x210: {  	v14 =	vld.idx.msk [tilespmem:v18+s2+$0x0], $0xffff  }
0x211: {  	v18 =	vld.idx.msk [tilespmem:v19+s2+$0x0], $0xffff  }
0x212: {  	v19 =	vld.idx.msk [tilespmem:v20+s2+$0x0], $0xffff  }
0x213: {  	v20 =	vld.idx.msk [tilespmem:v21+s2+$0x0], $0xffff  }
0x214: {  	v21 =	vld.idx.msk [tilespmem:v22+s2+$0x0], $0xffff  }
0x215: {  	v22 =	vadd.s32 s22, v0;
	v23 =	vld.idx.msk [tilespmem:v23+s2+$0x0], $0xffff  }
0x216: {  	v25 =	vadd.s32 s22, v1;
	v16 =	vld.idx.msk [tilespmem:v16+s2+$0x0], $0xffff  }
0x217: {  	v26 =	vadd.s32 s22, v2;
	v17 =	vld.idx.msk [tilespmem:v17+s2+$0x0], $0xffff  }
0x218: {  	v27 =	vadd.s32 s22, v3;
	s23 =	sadd.s32 $0x3, s22;
	v6 =	vmul.f32 v7, v6;
	v10 =	vmul.f32 v10, v11;
	v5 =	vld.idx.msk [tilespmem:v5+s2+$0x0], $0xffff  }
0x219: {  	v11 =	vadd.s32 s23, v0;
	v9 =	vmul.f32 v12, v9;
	v8 =	vmul.f32 v13, v8;
	v4 =	vld.idx.msk [tilespmem:v4+s2+$0x0], $0xffff  }
0x21a: {  	v6 =	vmul.f32 v19, v6;
	v13 =	vmul.f32 v20, v10;
	v7 =	vld.idx.msk [tilespmem:v22+s14+$0x0], $0xffff;
	v22 =	vadd.s32 s23, v1  }
0x21b: {  	v19 =	vadd.s32 s23, v2;
	v9 =	vmul.f32 v21, v9;
	v8 =	vmul.f32 v23, v8;
	v10 =	vld.idx.msk [tilespmem:v25+s14+$0x0], $0xffff  }
0x21c: {  	s24 =	sadd.s32 $0x2, s22;
	v20 =	vadd.s32 s23, v3;
	v6 =	vmul.f32 v14, v6;
	v18 =	vmul.f32 v18, v13;
	v12 =	vld.idx.msk [tilespmem:v26+s14+$0x0], $0xffff  }
0x21d: {  	v23 =	vadd.s32 s24, v0;
	v9 =	vmul.f32 v16, v9;
	v8 =	vmul.f32 v17, v8;
	v13 =	vld.idx.msk [tilespmem:v27+s14+$0x0], $0xffff  }
0x21e: {  	v16 =	vadd.s32 s24, v1;
	v6 =	vmul.f32 v24, v6;
	v14 =	vld.idx.msk [tilespmem:v11+s14+$0x0], $0xffff;
	v11 =	vmul.f32 v15, v18  }
0x21f: {  	v17 =	vadd.s32 s24, v2;
	v9 =	vmul.f32 v5, v9;
	v8 =	vmul.f32 v4, v8;
	v15 =	vld.idx.msk [tilespmem:v22+s14+$0x0], $0xffff  }
0x220: {  	s23 =	sadd.s32 $0x1, s22;
	v24 =	vadd.s32 s24, v3;
	v5 =	vld.idx.msk [tilespmem:v19+s14+$0x0], $0xffff  }
0x221: {  	v25 =	vadd.s32 s23, v0;
	v4 =	vld.idx.msk [tilespmem:v20+s14+$0x0], $0xffff  }
.Ltmp6:
0x222: {  	v21 =	vadd.s32 s23, v1;
	v18 =	vld.idx.msk [tilespmem:v23+s14+$0x0], $0xffff;
	(pc) =	sbr.rel @p0 .LBB2_14-.Ltmp6, $4  }
0x223: {  	v22 =	vadd.s32 s23, v2;
	v19 =	vld.idx.msk [tilespmem:v16+s14+$0x0], $0xffff  }
0x224: {  	v23 =	vadd.s32 s23, v3;
	v16 =	vld.idx.msk [tilespmem:v17+s14+$0x0], $0xffff  }
0x225: {  	v17 =	vld.idx.msk [tilespmem:v24+s14+$0x0], $0xffff  }
0x226: {  	s22 =	sadd.s32 $0x4, s22;
	v20 =	vld.idx.msk [tilespmem:v25+s14+$0x0], $0xffff  }
0x227: {  	_ =	sdelay $0x3  }
0x228: {  	v21 =	vld.idx.msk [tilespmem:v21+s14+$0x0], $0xffff  }
0x229: {  	v22 =	vld.idx.msk [tilespmem:v22+s14+$0x0], $0xffff  }
0x22a: {  	v23 =	vld.idx.msk [tilespmem:v23+s14+$0x0], $0xffff  }
0x22b: {  	v7 =	vld.idx.msk [tilespmem:v7+s2+$0x0], $0xffff  }
0x22c: {  	v10 =	vld.idx.msk [tilespmem:v10+s2+$0x0], $0xffff  }
0x22d: {  	v12 =	vld.idx.msk [tilespmem:v12+s2+$0x0], $0xffff  }
0x22e: {  	v13 =	vld.idx.msk [tilespmem:v13+s2+$0x0], $0xffff  }
0x22f: {  	v14 =	vld.idx.msk [tilespmem:v14+s2+$0x0], $0xffff  }
0x230: {  	v15 =	vld.idx.msk [tilespmem:v15+s2+$0x0], $0xffff  }
0x231: {  	v18 =	vld.idx.msk [tilespmem:v18+s2+$0x0], $0xffff  }
0x232: {  	v19 =	vld.idx.msk [tilespmem:v19+s2+$0x0], $0xffff  }
0x233: {  	v20 =	vld.idx.msk [tilespmem:v20+s2+$0x0], $0xffff  }
0x234: {  	v21 =	vld.idx.msk [tilespmem:v21+s2+$0x0], $0xffff  }
0x235: {  	v22 =	vld.idx.msk [tilespmem:v22+s2+$0x0], $0xffff  }
0x236: {  	v6 =	vmul.f32 v7, v6;
	v23 =	vld.idx.msk [tilespmem:v23+s2+$0x0], $0xffff  }
0x237: {  	v7 =	vld.idx.msk [tilespmem:v16+s2+$0x0], $0xffff;
	v10 =	vmul.f32 v10, v11  }
0x238: {  	v11 =	vld.idx.msk [tilespmem:v17+s2+$0x0], $0xffff;
	v9 =	vmul.f32 v12, v9;
	v6 =	vmul.f32 v20, v6  }
0x239: {  	v5 =	vld.idx.msk [tilespmem:v5+s2+$0x0], $0xffff;
	v8 =	vmul.f32 v13, v8;
	v10 =	vmul.f32 v21, v10  }
0x23a: {  	v4 =	vld.idx.msk [tilespmem:v4+s2+$0x0], $0xffff;
	v6 =	vmul.f32 v18, v6;
	v9 =	vmul.f32 v22, v9  }
0x23b: {  	v8 =	vmul.f32 v23, v8;
	v10 =	vmul.f32 v19, v10  }
0x23c: {  	v6 =	vmul.f32 v14, v6;
	v7 =	vmul.f32 v7, v9  }
0x23d: {  	v8 =	vmul.f32 v11, v8;
	v9 =	vmul.f32 v15, v10  }
0x23e: {  	v6 =	vsub.f32 $1.000000000e+00, v6;
	v5 =	vmul.f32 v5, v7  }
0x23f: {  	v4 =	vmul.f32 v4, v8;
	v7 =	vsub.f32 $1.000000000e+00, v9  }
0x240: {  	v6 =	vmax.f32 v6, $9.999999740e-05;
	v5 =	vsub.f32 $1.000000000e+00, v5  }
0x241: {  	v6 =	vmin.f32 v6, $9.999899860e-01;
	v4 =	vsub.f32 $1.000000000e+00, v4;
	v7 =	vmax.f32 v7, $9.999999740e-05  }
0x242: {  	[tilespmem:$0x1ED80] =	vst v6;
	v5 =	vmax.f32 v5, $9.999999740e-05;
	v6 =	vmin.f32 v7, $9.999899860e-01  }
0x243: {  	s22 =	simm.s32 $0x0;
	v4 =	vmax.f32 v4, $9.999999740e-05;
	v5 =	vmin.f32 v5, $9.999899860e-01;
	[tilespmem:$0x1ED90] =	vst v6  }
0x244: {  	s30 =	simm.s32 $0x3;
	v8 =	vadd.s32 s22, v3;
	v4 =	vmin.f32 v4, $9.999899860e-01;
	[tilespmem:$0x1EDA0] =	vst v5  }
0x245: {  	s23 =	simm.s32 $0x2;
	v9 =	vadd.s32 s30, v0;
	[tilespmem:$0x1EDB0] =	vst v4  }
0x246: {  	v11 =	vadd.s32 s23, v1;
	_ =	swait.ge [sflag:s18], $0x3200  }
0x247: {  	s31 =	simm.s32 $0x1;
	v17 =	vadd.s32 s23, v3;
	[sflag:s18] =	ssyncset.done $0x0  }
0x248: {  	v20 =	vadd.s32 s31, v0;
	[sflag:s18] =	ssyncadd.s32 $0xFFFFCE00  }
0x249: {  	v5 =	vadd.s32 s22, v0;
	v13 =	vld.idx.msk [tilespmem:v8+s16+$0x0], $0xffff  }
0x24a: {  	v4 =	vadd.s32 s22, v1;
	v14 =	vld.idx.msk [tilespmem:v9+s16+$0x0], $0xffff  }
0x24b: {  	v6 =	vadd.s32 s22, v2;
	v19 =	vld.idx.msk [tilespmem:v11+s16+$0x0], $0xffff  }
0x24c: {  	v8 =	vadd.s32 s23, v0;
	v17 =	vld.idx.msk [tilespmem:v17+s16+$0x0], $0xffff  }
0x24d: {  	v9 =	vadd.s32 s23, v2;
	v20 =	vld.idx.msk [tilespmem:v20+s16+$0x0], $0xffff  }
0x24e: {  	v7 =	vld.idx.msk [tilespmem:v5+s16+$0x0], $0xffff;
	v5 =	vadd.s32 s30, v1  }
0x24f: {  	v10 =	vld.idx.msk [tilespmem:v4+s16+$0x0], $0xffff;
	v4 =	vadd.s32 s30, v2  }
0x250: {  	v12 =	vld.idx.msk [tilespmem:v6+s16+$0x0], $0xffff;
	v6 =	vadd.s32 s30, v3  }
0x251: {  	v21 =	vadd.s32 s31, v1;
	v18 =	vld.idx.msk [tilespmem:v8+s16+$0x0], $0xffff  }
0x252: {  	v22 =	vadd.s32 s31, v2;
	v16 =	vld.idx.msk [tilespmem:v9+s16+$0x0], $0xffff  }
0x253: {  	v23 =	vadd.s32 s31, v3;
	v15 =	vld.idx.msk [tilespmem:v5+s16+$0x0], $0xffff  }
0x254: {  	v11 =	vimm.f32 $1.000000000e+00;
	v5 =	vld.idx.msk [tilespmem:v4+s16+$0x0], $0xffff  }
0x255: {  	s22 =	simm.s32 $0x4;
	v9 =	vimm.f32 $1.000000000e+00;
	v8 =	vimm.f32 $1.000000000e+00;
	v4 =	vld.idx.msk [tilespmem:v6+s16+$0x0], $0xffff;
	v6 =	vimm.f32 $1.000000000e+00  }
.LBB2_16:
0x256: {  	p0 =	slt.u32 s22, $0xC4;
	v21 =	vld.idx.msk [tilespmem:v21+s16+$0x0], $0xffff  }
0x257: {  	v22 =	vld.idx.msk [tilespmem:v22+s16+$0x0], $0xffff  }
0x258: {  	v23 =	vld.idx.msk [tilespmem:v23+s16+$0x0], $0xffff  }
0x259: {  	v7 =	vld.idx.msk [tilespmem:v7+s2+$0x0], $0xffff  }
0x25a: {  	v10 =	vld.idx.msk [tilespmem:v10+s2+$0x0], $0xffff  }
0x25b: {  	v12 =	vld.idx.msk [tilespmem:v12+s2+$0x0], $0xffff  }
0x25c: {  	v13 =	vld.idx.msk [tilespmem:v13+s2+$0x0], $0xffff  }
0x25d: {  	v24 =	vld.idx.msk [tilespmem:v14+s2+$0x0], $0xffff  }
0x25e: {  	v15 =	vld.idx.msk [tilespmem:v15+s2+$0x0], $0xffff  }
0x25f: {  	v14 =	vld.idx.msk [tilespmem:v18+s2+$0x0], $0xffff  }
0x260: {  	v18 =	vld.idx.msk [tilespmem:v19+s2+$0x0], $0xffff  }
0x261: {  	v19 =	vld.idx.msk [tilespmem:v20+s2+$0x0], $0xffff  }
0x262: {  	v20 =	vld.idx.msk [tilespmem:v21+s2+$0x0], $0xffff  }
0x263: {  	v21 =	vld.idx.msk [tilespmem:v22+s2+$0x0], $0xffff  }
0x264: {  	v22 =	vadd.s32 s22, v0;
	v23 =	vld.idx.msk [tilespmem:v23+s2+$0x0], $0xffff  }
0x265: {  	v25 =	vadd.s32 s22, v1;
	v16 =	vld.idx.msk [tilespmem:v16+s2+$0x0], $0xffff  }
0x266: {  	v26 =	vadd.s32 s22, v2;
	v17 =	vld.idx.msk [tilespmem:v17+s2+$0x0], $0xffff  }
0x267: {  	v27 =	vadd.s32 s22, v3;
	s23 =	sadd.s32 $0x3, s22;
	v6 =	vmul.f32 v7, v6;
	v10 =	vmul.f32 v10, v11;
	v5 =	vld.idx.msk [tilespmem:v5+s2+$0x0], $0xffff  }
0x268: {  	v11 =	vadd.s32 s23, v0;
	v9 =	vmul.f32 v12, v9;
	v8 =	vmul.f32 v13, v8;
	v4 =	vld.idx.msk [tilespmem:v4+s2+$0x0], $0xffff  }
0x269: {  	v6 =	vmul.f32 v19, v6;
	v13 =	vmul.f32 v20, v10;
	v7 =	vld.idx.msk [tilespmem:v22+s16+$0x0], $0xffff;
	v22 =	vadd.s32 s23, v1  }
0x26a: {  	v19 =	vadd.s32 s23, v2;
	v9 =	vmul.f32 v21, v9;
	v8 =	vmul.f32 v23, v8;
	v10 =	vld.idx.msk [tilespmem:v25+s16+$0x0], $0xffff  }
0x26b: {  	s24 =	sadd.s32 $0x2, s22;
	v20 =	vadd.s32 s23, v3;
	v6 =	vmul.f32 v14, v6;
	v18 =	vmul.f32 v18, v13;
	v12 =	vld.idx.msk [tilespmem:v26+s16+$0x0], $0xffff  }
0x26c: {  	v23 =	vadd.s32 s24, v0;
	v9 =	vmul.f32 v16, v9;
	v8 =	vmul.f32 v17, v8;
	v13 =	vld.idx.msk [tilespmem:v27+s16+$0x0], $0xffff  }
0x26d: {  	v16 =	vadd.s32 s24, v1;
	v6 =	vmul.f32 v24, v6;
	v14 =	vld.idx.msk [tilespmem:v11+s16+$0x0], $0xffff;
	v11 =	vmul.f32 v15, v18  }
0x26e: {  	v17 =	vadd.s32 s24, v2;
	v9 =	vmul.f32 v5, v9;
	v8 =	vmul.f32 v4, v8;
	v15 =	vld.idx.msk [tilespmem:v22+s16+$0x0], $0xffff  }
0x26f: {  	s23 =	sadd.s32 $0x1, s22;
	v24 =	vadd.s32 s24, v3;
	v5 =	vld.idx.msk [tilespmem:v19+s16+$0x0], $0xffff  }
0x270: {  	v25 =	vadd.s32 s23, v0;
	v4 =	vld.idx.msk [tilespmem:v20+s16+$0x0], $0xffff  }
.Ltmp7:
0x271: {  	v21 =	vadd.s32 s23, v1;
	v18 =	vld.idx.msk [tilespmem:v23+s16+$0x0], $0xffff;
	(pc) =	sbr.rel @p0 .LBB2_16-.Ltmp7, $4  }
0x272: {  	v22 =	vadd.s32 s23, v2;
	v19 =	vld.idx.msk [tilespmem:v16+s16+$0x0], $0xffff  }
0x273: {  	v23 =	vadd.s32 s23, v3;
	v16 =	vld.idx.msk [tilespmem:v17+s16+$0x0], $0xffff  }
0x274: {  	v17 =	vld.idx.msk [tilespmem:v24+s16+$0x0], $0xffff  }
0x275: {  	s22 =	sadd.s32 $0x4, s22;
	v20 =	vld.idx.msk [tilespmem:v25+s16+$0x0], $0xffff  }
0x276: {  	_ =	sdelay $0x3  }
0x277: {  	v21 =	vld.idx.msk [tilespmem:v21+s16+$0x0], $0xffff  }
0x278: {  	v22 =	vld.idx.msk [tilespmem:v22+s16+$0x0], $0xffff  }
0x279: {  	v23 =	vld.idx.msk [tilespmem:v23+s16+$0x0], $0xffff  }
0x27a: {  	v7 =	vld.idx.msk [tilespmem:v7+s2+$0x0], $0xffff  }
0x27b: {  	v10 =	vld.idx.msk [tilespmem:v10+s2+$0x0], $0xffff  }
0x27c: {  	v12 =	vld.idx.msk [tilespmem:v12+s2+$0x0], $0xffff  }
0x27d: {  	v13 =	vld.idx.msk [tilespmem:v13+s2+$0x0], $0xffff  }
0x27e: {  	v14 =	vld.idx.msk [tilespmem:v14+s2+$0x0], $0xffff  }
0x27f: {  	v15 =	vld.idx.msk [tilespmem:v15+s2+$0x0], $0xffff  }
0x280: {  	v18 =	vld.idx.msk [tilespmem:v18+s2+$0x0], $0xffff  }
0x281: {  	v19 =	vld.idx.msk [tilespmem:v19+s2+$0x0], $0xffff  }
0x282: {  	v20 =	vld.idx.msk [tilespmem:v20+s2+$0x0], $0xffff  }
0x283: {  	v21 =	vld.idx.msk [tilespmem:v21+s2+$0x0], $0xffff  }
0x284: {  	v22 =	vld.idx.msk [tilespmem:v22+s2+$0x0], $0xffff  }
0x285: {  	v6 =	vmul.f32 v7, v6;
	v23 =	vld.idx.msk [tilespmem:v23+s2+$0x0], $0xffff  }
0x286: {  	v59 =	vld.idx.msk [tilespmem:v16+s2+$0x0], $0xffff;
	v10 =	vmul.f32 v10, v11  }
0x287: {  	v60 =	vld.idx.msk [tilespmem:v17+s2+$0x0], $0xffff;
	v9 =	vmul.f32 v12, v9;
	v6 =	vmul.f32 v20, v6  }
0x288: {  	v5 =	vld.idx.msk [tilespmem:v5+s2+$0x0], $0xffff;
	v8 =	vmul.f32 v13, v8;
	v10 =	vmul.f32 v21, v10  }
0x289: {  	v4 =	vld.idx.msk [tilespmem:v4+s2+$0x0], $0xffff;
	v6 =	vmul.f32 v18, v6;
	v9 =	vmul.f32 v22, v9  }
0x28a: {  	v8 =	vmul.f32 v23, v8;
	v10 =	vmul.f32 v19, v10  }
0x28b: {  	v6 =	vmul.f32 v14, v6;
	v7 =	vmul.f32 v59, v9  }
0x28c: {  	v8 =	vmul.f32 v60, v8;
	v61 =	vmul.f32 v15, v10  }
0x28d: {  	v6 =	vsub.f32 $1.000000000e+00, v6;
	v5 =	vmul.f32 v5, v7  }
0x28e: {  	v4 =	vmul.f32 v4, v8;
	v62 =	vsub.f32 $1.000000000e+00, v61  }
0x28f: {  	v6 =	vmax.f32 v6, $9.999999740e-05;
	v5 =	vsub.f32 $1.000000000e+00, v5  }
0x290: {  	v6 =	vmin.f32 v6, $9.999899860e-01;
	v4 =	vsub.f32 $1.000000000e+00, v4;
	v7 =	vmax.f32 v62, $9.999999740e-05  }
0x291: {  	[tilespmem:$0x1EDC0] =	vst v6;
	v5 =	vmax.f32 v5, $9.999999740e-05;
	v63 =	vmin.f32 v7, $9.999899860e-01  }
0x292: {  	s21 =	sadd.s32 $0x1, s21;
	v4 =	vmax.f32 v4, $9.999999740e-05;
	v5 =	vmin.f32 v5, $9.999899860e-01;
	[tilespmem:$0x1EDD0] =	vst v63  }
0x293: {  	p0 =	sne.s32 s21, s13;
	v4 =	vmin.f32 v4, $9.999899860e-01;
	[tilespmem:$0x1EDE0] =	vst v5  }
.Ltmp8:
0x294: {  	[tilespmem:$0x1EDF0] =	vst v4;
	(pc) =	sbr.rel @p0 .LBB2_1-.Ltmp8, $4  }
0x295: {  	[hbm4b:s12+s2] =	stream.linear.scatter [tilespmem:s19], [sflag:$0x4], $0x200, $0x38;
	[tilespmem:$0x1EE00] =	vst v63  }
0x296: {  	_ =	swait.ge [sflag:s20], $0x200  }
0x297: {  	[sflag:s20] =	ssyncset.done $0x0  }
0x298: {  	[sflag:s20] =	ssyncadd.s32 $0xFFFFFE00  }
0x299: {  	_ =	sfence.sel $0x180000  }
0x29a: {  	[bflag:$0x0] =	sbarrier.arrive $0xFFFF  }
0x29b: {  	p0 =	sne.s32 s1, $0x0;
	_ =	strace $0x9000004A  }
0x29c: {  	s0 =	sadd.s32 @!p0 $0x100000, s0;
	[bflag:$0x2] =	sbarrier.arrive $0xFFFF  }
0x29d: {  	[sflag:s0] =	ssyncadd.tile.s32 @!p0 $0x1;
	_ =	shalt  }
.Lfunc_end2:
_tile_overlayer_lowered:
.L_overlay_start_2:
0x29e: {  	(tag) =	ssettag $0x2  }
0x29f: {  	s0 =	rddreg [dreg:$0x0];
	s2 =	stileid.u32  }
0x2a0: {  	s1 =	rddreg [dreg:$0x1];
	p0 =	sne.s32 s2, $0x0  }
0x2a1: {  	s3 =	rddreg [dreg:$0x2];
	[bflag:$0x3] =	sbarrier.arrive $0xFFFF;
	s2 =	simm.s32 @!p0 $0x1C04  }
0x2a2: {  	[timem:s3], [sflag:s2] =	dma.local @!p0 [hbm:s0], s1  }
0x2a3: {  	s0 =	simm.s32 @!p0 $0x4  }
0x2a4: {  	_ =	swait.ge @!p0 [sflag:s0], s1  }
0x2a5: {  	s1 =	ssub.s32 @!p0 $0x0, s1;
	[sflag:s0] =	ssyncset.done @!p0 $0x0  }
0x2a6: {  	[sflag:s0] =	ssyncadd.s32 @!p0 s1  }
0x2a7: {  	[bflag:$0x3] =	sbarrier.arrive $0xFFFF  }
0x2a8: {  	_ =	shalt  }

</sc_bundles>
